<compile_context>
chip_gen: v7x
topology: tpu7x:2x2x1
jax: 0.10.2.dev20260603
libtpu: 0.0.44.dev20260713+nightly
codegen_flags: <defaults>
</compile_context>

<pallas_src>
import functools
import jax
import jax.numpy as jnp
from jax import lax
from jax.experimental import pallas as pl
from jax.experimental.pallas import tpu as pltpu
from jax.experimental.pallas import tpu_sc as plsc

NC, NS = 2, 16
NW = NC * NS
N_RAW = 10000
N = 10240
HALF = N // 2
HPT = HALF // NS
E = 320000
EPW = E // NW
EPT = E // NS
CH = 80
D_HID = 128
D_SMALL = 16
KP = 16
B = 64
SEL = KP * B
SELPW = SEL // NW
D_CAT = 512

_f32 = jnp.float32


@functools.lru_cache(maxsize=None)
def _get_mesh():
  return plsc.VectorSubcoreMesh(core_axis_name="c", subcore_axis_name="s",
                                num_cores=NC, num_subcores=NS)


@functools.lru_cache(maxsize=None)
def _make_agg():
  nch = EPT // CH

  @functools.partial(
      pl.kernel,
      out_type=jax.ShapeDtypeStruct((NC, HALF, D_HID), _f32),
      mesh=_get_mesh(),
      scratch_types=[
          pltpu.VMEM((CH,), jnp.int32),
          pltpu.VMEM((CH,), jnp.int32),
          pltpu.VMEM((CH, D_HID), _f32),
          pltpu.VMEM((HPT, D_HID), _f32),
          pltpu.VMEM_SHARED((HALF + 8, D_HID), _f32),
          pltpu.SemaphoreType.DMA,
      ],
  )
  def k(y_hbm, src_hbm, dst_hbm, zeros_hbm, out_hbm,
        sidx, didx, rows, bounce, acc, sem):
    c = lax.axis_index("c")
    s = lax.axis_index("s")
    base_c = (c * HALF).astype(jnp.int32)
    pltpu.sync_copy(zeros_hbm, bounce)
    pltpu.sync_copy(bounce, acc.at[pl.ds(s * HPT, HPT), :])
    plsc.subcore_barrier()
    ebase = s * EPT

    def body(i, carry):
      off = ebase + i * CH
      pltpu.sync_copy(src_hbm.at[pl.ds(off, CH)], sidx)
      pltpu.sync_copy(dst_hbm.at[pl.ds(off, CH)], didx)
      for j in range(CH // 16):
        d = didx[pl.ds(j * 16, 16)]
        loc = d - base_c
        oob = (loc < 0) | (loc >= HALF)
        didx[pl.ds(j * 16, 16)] = jnp.where(oob, HALF, loc)
      pltpu.async_copy(y_hbm.at[sidx], rows, sem).wait()
      pltpu.sync_copy(rows, acc.at[didx], add=True)
      return carry

    lax.fori_loop(0, nch, body, 0)
    plsc.subcore_barrier()
    pltpu.sync_copy(acc.at[pl.ds(s * HPT, HPT), :], bounce)
    pltpu.sync_copy(bounce, out_hbm.at[c, pl.ds(s * HPT, HPT), :])

  return k


@functools.lru_cache(maxsize=None)
def _make_agg_y4():
  nch = EPW // CH

  @functools.partial(
      pl.kernel,
      out_type=jax.ShapeDtypeStruct((NW, N), _f32),
      mesh=_get_mesh(),
      compiler_params=pltpu.CompilerParams(needs_layout_passes=False),
      scratch_types=[
          pltpu.VMEM((CH,), jnp.int32),
          pltpu.VMEM((CH,), jnp.int32),
          pltpu.VMEM((N,), _f32),
          pltpu.VMEM((N,), _f32),
      ],
  )
  def k(y4_hbm, src_hbm, dst_hbm, out_hbm, sidx, didx, y4_v, acc_v):
    c = lax.axis_index("c")
    s = lax.axis_index("s")
    w = s * NC + c
    pltpu.sync_copy(y4_hbm, y4_v)
    zero = jnp.zeros((16,), _f32)

    def zbody(i, carry):
      acc_v[pl.ds(i * 16, 16)] = zero
      return carry

    lax.fori_loop(0, N // 16, zbody, 0)
    base = w * EPW

    def body(i, carry):
      off = base + i * CH
      pltpu.sync_copy(src_hbm.at[pl.ds(off, CH)], sidx)
      pltpu.sync_copy(dst_hbm.at[pl.ds(off, CH)], didx)
      for j in range(CH // 16):
        sv = sidx[pl.ds(j * 16, 16)]
        dv = didx[pl.ds(j * 16, 16)]
        vals = plsc.load_gather(y4_v, [sv])
        plsc.addupdate_scatter(acc_v, [dv], vals)
      return carry

    lax.fori_loop(0, nch, body, 0)
    pltpu.sync_copy(acc_v, out_hbm.at[w, :])

  return k


@functools.lru_cache(maxsize=None)
def _make_gather():

  @functools.partial(
      pl.kernel,
      out_type=jax.ShapeDtypeStruct((SEL, D_CAT), _f32),
      mesh=_get_mesh(),
      scratch_types=[
          pltpu.VMEM((SELPW,), jnp.int32),
          pltpu.VMEM((SELPW, D_CAT), _f32),
          pltpu.SemaphoreType.DMA,
      ],
  )
  def k(table_hbm, idx_hbm, out_hbm, idx_v, rows_v, sem):
    c = lax.axis_index("c")
    s = lax.axis_index("s")
    w = s * NC + c
    base = w * SELPW
    pltpu.sync_copy(idx_hbm.at[pl.ds(base, SELPW)], idx_v)
    pltpu.async_copy(table_hbm.at[idx_v], rows_v, sem).wait()
    pltpu.sync_copy(rows_v, out_hbm.at[pl.ds(base, SELPW), :])

  return k


def _dot(a, b):
  return jax.lax.dot_general(a, b, (((1,), (0,)), ((), ())),
                             preferred_element_type=_f32)


def _tc_call(body, out_shapes):
  return pl.pallas_call(body, out_shape=out_shapes)


def _tc0_body(degp_ref, x_ref, w1_ref, dinv_ref, y1_ref):
  deg = jnp.sum(degp_ref[...], axis=0)[:, None] + 1.0
  row = lax.broadcasted_iota(jnp.int32, (N, 1), 0)
  dinv = jnp.where(row < N_RAW, 1.0 / jnp.sqrt(deg), 0.0)
  dinv_ref[...] = dinv
  y1_ref[...] = _dot(x_ref[...], w1_ref[...]) * dinv


def _tc_layer_body(accp_ref, y_ref, dinv_ref, b_ref, wn_ref, h_ref, yn_ref):
  dinv = dinv_ref[...]
  agg = jnp.concatenate([accp_ref[0], accp_ref[1]], axis=0) + y_ref[...]
  h = jnp.tanh(agg * dinv + b_ref[...][None, :])
  h_ref[...] = h
  yn_ref[...] = _dot(h, wn_ref[...]) * dinv


def _tc3_body(accp_ref, y_ref, dinv_ref, b_ref, w4_ref, h_ref, y4_ref):
  dinv = dinv_ref[...]
  agg = jnp.concatenate([accp_ref[0], accp_ref[1]], axis=0) + y_ref[...]
  h = jnp.tanh(agg * dinv + b_ref[...][None, :])
  h_ref[...] = h
  y4_ref[...] = _dot(h, w4_ref[...]) * dinv


def _tc4a_body(accp_ref, y4_ref, dinv_ref, b4_ref, h1_ref, h2_ref, h3_ref,
               h4_ref, hcat_ref):
  agg = jnp.sum(accp_ref[...], axis=0)[:, None] + y4_ref[...]
  h4 = jnp.tanh(agg * dinv_ref[...] + b4_ref[...][None, :])
  h4_ref[...] = h4
  hcat_ref[...] = jnp.concatenate(
      [h1_ref[...], h2_ref[...], h3_ref[...], h4,
       jnp.zeros((N, D_CAT - 3 * D_HID - 1), _f32)], axis=1)


_BIG = 2**30


def _tc4b_body(u_ref, batch_ref, sel_ref, val_ref):
  batch2 = batch_ref[...]
  giota = lax.broadcasted_iota(jnp.int32, (B, N // 128, 128), 0)
  member = batch2[None, :, :] == giota
  flat = lax.broadcasted_iota(jnp.int32, (N // 128, 128), 0) * 128 + \
      lax.broadcasted_iota(jnp.int32, (N // 128, 128), 1)

  def step(t, carry):
    u, s_acc, v_acc = carry
    masked = jnp.where(member, u[None, :, :], -3.0)
    segmax = jnp.max(masked, axis=(1, 2))
    valid = segmax > -2.5
    ismax = member & (u[None, :, :] == segmax[:, None, None])
    cand = jnp.where(ismax, flat[None, :, :], _BIG)
    segidx = jnp.min(cand, axis=(1, 2))
    safe_idx = jnp.where(valid, segidx, 0)
    chosen = (flat[None, :, :] == segidx[:, None, None]) & valid[:, None, None]
    kill = jnp.any(chosen, axis=0)
    u = jnp.where(kill, -3.0, u)
    rowmask = lax.broadcasted_iota(jnp.int32, (KP, B), 0) == t
    s_acc = jnp.where(rowmask, safe_idx[None, :], s_acc)
    v_acc = jnp.where(rowmask, jnp.where(valid, 1.0, 0.0)[None, :], v_acc)
    return u, s_acc, v_acc

  u0 = u_ref[...]
  s0 = jnp.zeros((KP, B), jnp.int32)
  v0 = jnp.zeros((KP, B), _f32)
  _, s_fin, v_fin = lax.fori_loop(0, 15, step, (u0, s0, v0))
  sel_ref[...] = s_fin
  val_ref[...] = v_fin


def _tc5_body(p_ref, val_ref, wc1_ref, bc1_ref, gamma_ref, beta_ref,
              wc2_ref, bc2_ref, wc3_ref, bc3_ref, wc4_ref, bc4_ref, out_ref):
  p = p_ref[...].reshape(KP, B, D_CAT)
  val = val_ref[...]
  z = jnp.zeros((B, 256), _f32)
  for t in range(15):
    pt = p[t, :, :385] * val[t][:, None]
    z = z + _dot(pt, wc1_ref[t])
  z = z + bc1_ref[...][None, :]
  z = (z / jnp.sqrt(1.0 + 1e-5)) * gamma_ref[...][None, :] + \
      beta_ref[...][None, :]
  z = jnp.maximum(z, 0.0)
  z = jnp.maximum(_dot(z, wc2_ref[...]) + bc2_ref[...][None, :], 0.0)
  z = jnp.maximum(_dot(z, wc3_ref[...]) + bc3_ref[...][None, :], 0.0)
  out_ref[...] = _dot(z, wc4_ref[...]) + bc4_ref[...][None, :]


def kernel(x, edge_index, batch, W1, b1, W2, b2, W3, b3, W4, b4,
           Wc1, bc1, gamma, beta, Wc2, bc2, Wc3, bc3, Wc4, bc4):
  x_pad = jnp.pad(x, ((0, N - N_RAW), (0, 0)))
  src = edge_index[0]
  dst = edge_index[1]
  batch_pad = jnp.pad(batch, (0, N - N_RAW), constant_values=B)
  batch2d = batch_pad.reshape(N // 128, 128)

  zeros_h = jnp.zeros((HPT, D_HID), _f32)
  ones_n = jnp.ones((N,), _f32)

  degp = _make_agg_y4()(ones_n, dst, dst)

  dinv, y1 = _tc_call(_tc0_body, [
      jax.ShapeDtypeStruct((N, 1), _f32),
      jax.ShapeDtypeStruct((N, D_HID), _f32),
  ])(degp, x_pad, W1)

  agg = _make_agg()

  layer_out = [
      jax.ShapeDtypeStruct((N, D_HID), _f32),
      jax.ShapeDtypeStruct((N, D_HID), _f32),
  ]
  acc1 = agg(y1, src, dst, zeros_h)
  h1, y2 = _tc_call(_tc_layer_body, layer_out)(acc1, y1, dinv, b1, W2)
  acc2 = agg(y2, src, dst, zeros_h)
  h2, y3 = _tc_call(_tc_layer_body, layer_out)(acc2, y2, dinv, b2, W3)
  acc3 = agg(y3, src, dst, zeros_h)
  h3, y4 = _tc_call(_tc3_body, [
      jax.ShapeDtypeStruct((N, D_HID), _f32),
      jax.ShapeDtypeStruct((N, 1), _f32),
  ])(acc3, y3, dinv, b3, W4)

  acc4 = _make_agg_y4()(y4.reshape(N), src, dst)

  h4, hcat = _tc_call(_tc4a_body, [
      jax.ShapeDtypeStruct((N, 1), _f32),
      jax.ShapeDtypeStruct((N, D_CAT), _f32),
  ])(acc4, y4, dinv, b4, h1, h2, h3)

  u2d = h4.reshape(N // 128, 128)
  sel, val = _tc_call(_tc4b_body, [
      jax.ShapeDtypeStruct((KP, B), jnp.int32),
      jax.ShapeDtypeStruct((KP, B), _f32),
  ])(u2d, batch2d)

  pooled = _make_gather()(hcat, sel.reshape(SEL))

  Wc1v = Wc1.reshape(15, 385, 256)
  out = _tc_call(_tc5_body, jax.ShapeDtypeStruct((B, 1), _f32))(
      pooled, val, Wc1v, bc1, gamma, beta, Wc2, bc2, Wc3, bc3, Wc4, bc4)
  return out

# --- scband reference (transcript-rebuilt; emitter-appended) ---
"""Pipeline reference for scband-enhanced-hde-dgcnn-35235911696999 (READ-ONLY COPY).

The authoritative reference and input builder live on the scoring server;
editing this copy changes nothing except your own understanding.
"""

import jax, jax.numpy as jnp
import numpy as np

N_NODES = 10000
N_EDGES = 320000
D_FEAT = 128
HIDDEN = 128
K = 15
B = 64
CAT_DIM = HIDDEN * 3 + 1  # 385 (3 hidden convs + final 1-dim conv, concatenated)
CIN = K * CAT_DIM  # 5775 -> triggers the >=512 classifier branch


def _gcn_conv(x, src, dst, W, b, n):
    # PyG GCNConv: self-loops added, symmetric normalization, bias after aggregation
    xw = x @ W
    deg = jnp.zeros((n,), x.dtype).at[dst].add(1.0)
    dinv = jnp.where(deg > 0, 1.0 / jnp.sqrt(deg), 0.0)
    norm = dinv[src] * dinv[dst]
    msg = xw[src] * norm[:, None]
    out = jnp.zeros((n, W.shape[1]), x.dtype).at[dst].add(msg)
    return out + b


def _global_sort_pool(x, batch, k, num_graphs):
    n, d = x.shape
    counts = jnp.bincount(batch, length=num_graphs)
    starts = jnp.cumsum(counts) - counts
    order = jnp.lexsort((-x[:, -1], batch))
    xs = x[order]
    bs = batch[order]
    pos = jnp.arange(n) - starts[bs]
    dense = jnp.zeros((num_graphs, k, d), x.dtype)
    dense = dense.at[bs, pos].set(xs, mode='drop')
    return dense.reshape(num_graphs, k * d)


def setup_inputs(seed: int = 0):
    key = jax.random.key(seed)
    ks = jax.random.split(key, 16)
    x = jax.random.normal(ks[0], (N_NODES, D_FEAT), dtype=jnp.float32)
    edge_index = jax.random.randint(ks[1], (2, N_EDGES), 0, N_NODES, dtype=jnp.int32)
    batch = jnp.sort(jax.random.randint(ks[2], (N_NODES,), 0, B, dtype=jnp.int32))

    def lin(k1, fin, fout):
        return (jax.random.normal(k1, (fin, fout), dtype=jnp.float32) / np.sqrt(fin)).astype(jnp.float32)

    params = dict(
        W1=lin(ks[3], D_FEAT, HIDDEN), b1=jnp.zeros((HIDDEN,), jnp.float32),
        W2=lin(ks[4], HIDDEN, HIDDEN), b2=jnp.zeros((HIDDEN,), jnp.float32),
        W3=lin(ks[5], HIDDEN, HIDDEN), b3=jnp.zeros((HIDDEN,), jnp.float32),
        W4=lin(ks[6], HIDDEN, 1), b4=jnp.zeros((1,), jnp.float32),
        Wc1=lin(ks[7], CIN, 256), bc1=jnp.zeros((256,), jnp.float32),
        gamma=jnp.ones((256,), jnp.float32), beta=jnp.zeros((256,), jnp.float32),
        Wc2=lin(ks[8], 256, 128), bc2=jnp.zeros((128,), jnp.float32),
        Wc3=lin(ks[9], 128, 64), bc3=jnp.zeros((64,), jnp.float32),
        Wc4=lin(ks[10], 64, 1), bc4=jnp.zeros((1,), jnp.float32),
    )
    return dict(x=x, edge_index=edge_index, batch=batch, **params)


def reference(x, edge_index, batch, W1, b1, W2, b2, W3, b3, W4, b4, Wc1, bc1, gamma, beta, Wc2, bc2, Wc3, bc3, Wc4, bc4):
    n = x.shape[0]
    loops = jnp.arange(n, dtype=edge_index.dtype)
    src = jnp.concatenate([edge_index[0], loops])
    dst = jnp.concatenate([edge_index[1], loops])
    h = x
    hs = []
    for (W, b) in ((W1, b1), (W2, b2), (W3, b3), (W4, b4)):
        h = jnp.tanh(_gcn_conv(h, src, dst, W, b, n))
        hs.append(h)
    hcat = jnp.concatenate(hs, axis=-1)
    sp = _global_sort_pool(hcat, batch, K, B)
    # dynamically-built classifier (input_dim=5775 >= 512 branch), eval mode
    z = sp @ Wc1 + bc1
    z = (z / jnp.sqrt(1.0 + 1e-5)) * gamma + beta  # eval-mode BatchNorm1d (running stats 0/1)
    z = jax.nn.relu(z)
    z = jax.nn.relu(z @ Wc2 + bc2)
    z = jax.nn.relu(z @ Wc3 + bc3)
    return z @ Wc4 + bc4

if __name__ == "__main__":
    import jax
    _d = setup_inputs()
    print(jax.jit(kernel)(*tuple(_d.values())))

</pallas_src>

<mosaic_0001>
#map = affine_map<(d0, d1) -> (0, 0)>
#map1 = affine_map<(d0, d1) -> (0)>
#map2 = affine_map<(d0, d1) -> (0, 0, 0)>
module attributes {stable_mosaic.version = 14 : i64} {
  func.func @k(%arg0: i32, %arg1: i32, %arg2: memref<10240x128xf32, #tpu.memory_space<hbm>>, %arg3: memref<320000xi32, #tpu.memory_space<hbm>>, %arg4: memref<320000xi32, #tpu.memory_space<hbm>>, %arg5: memref<320x128xf32, #tpu.memory_space<hbm>>, %arg6: memref<2x5120x128xf32, #tpu.memory_space<hbm>>, %arg7: memref<80xi32, #tpu.memory_space<vmem>>, %arg8: memref<80xi32, #tpu.memory_space<vmem>>, %arg9: memref<80x128xf32, #tpu.memory_space<vmem>>, %arg10: memref<320x128xf32, #tpu.memory_space<vmem>>, %arg11: memref<5128x128xf32, #tpu.memory_space<vmem_shared>>, %arg12: memref<!tpu.dma_semaphore, #tpu.memory_space<semaphore_mem>>) attributes {dimension_semantics = [#tpu.dimension_semantics<core_parallel>, #tpu.dimension_semantics<subcore_parallel>], iteration_bounds = array<i64: 2, 16>, scalar_prefetch = 0 : i64, scratch_operands = 6 : i64, tpu.core_type = #tpu.core_type<sc_vector_subcore>, window_params = [{transform_indices = #map}, {transform_indices = #map1}, {transform_indices = #map1}, {transform_indices = #map}, {transform_indices = #map2}]} {
    %mul3A = arith.constant 5120 : i32
    %mul3A_0 = arith.muli %arg0, %mul3A : i32
    "tpu.region"() ({
      %run_scoped3A = tpu.sem_alloc : memref<!tpu.dma_semaphore, #tpu.memory_space<semaphore_mem>>
      tpu.enqueue_dma source(%arg5 : memref<320x128xf32, #tpu.memory_space<hbm>>) target(%arg10 : memref<320x128xf32, #tpu.memory_space<vmem>>) target_semaphore(%run_scoped3A : memref<!tpu.dma_semaphore, #tpu.memory_space<semaphore_mem>>)
      tpu.wait_dma2 semaphore(%run_scoped3A : memref<!tpu.dma_semaphore, #tpu.memory_space<semaphore_mem>>) src(%arg5 : memref<320x128xf32, #tpu.memory_space<hbm>>) dst(%arg10 : memref<320x128xf32, #tpu.memory_space<vmem>>)
      tpu.yield
    }) : () -> ()
    %mul3A_1 = arith.constant 320 : i32
    %mul3A_2 = arith.muli %arg1, %mul3A_1 : i32
    "tpu.region"() ({
      %run_scoped3A = tpu.sem_alloc : memref<!tpu.dma_semaphore, #tpu.memory_space<semaphore_mem>>
      %dma_start3A = arith.constant 0 : i32
      %dma_start3A_15 = tpu.memref_slice %arg11[%mul3A_2, %dma_start3A] : memref<5128x128xf32, #tpu.memory_space<vmem_shared>> -> memref<320x128xf32, #tpu.memory_space<vmem_shared>>
      %dma_start3A_16 = arith.constant 0 : i32
      %dma_start3A_17 = tpu.memref_slice %arg11[%mul3A_2, %dma_start3A_16] : memref<5128x128xf32, #tpu.memory_space<vmem_shared>> -> memref<320x128xf32, #tpu.memory_space<vmem_shared>>
      tpu.enqueue_dma source(%arg10 : memref<320x128xf32, #tpu.memory_space<vmem>>) target(%dma_start3A_17 : memref<320x128xf32, #tpu.memory_space<vmem_shared>>) target_semaphore(%run_scoped3A : memref<!tpu.dma_semaphore, #tpu.memory_space<semaphore_mem>>)
      %dma_wait3A = arith.constant 0 : i32
      %dma_wait3A_18 = tpu.memref_slice %arg11[%mul3A_2, %dma_wait3A] : memref<5128x128xf32, #tpu.memory_space<vmem_shared>> -> memref<320x128xf32, #tpu.memory_space<vmem_shared>>
      %dma_wait3A_19 = arith.constant 0 : i32
      %dma_wait3A_20 = tpu.memref_slice %arg11[%mul3A_2, %dma_wait3A_19] : memref<5128x128xf32, #tpu.memory_space<vmem_shared>> -> memref<320x128xf32, #tpu.memory_space<vmem_shared>>
      tpu.wait_dma2 semaphore(%run_scoped3A : memref<!tpu.dma_semaphore, #tpu.memory_space<semaphore_mem>>) src(%arg10 : memref<320x128xf32, #tpu.memory_space<vmem>>) dst(%dma_wait3A_20 : memref<320x128xf32, #tpu.memory_space<vmem_shared>>)
      tpu.yield
    }) : () -> ()
    %barrier3A = arith.constant 0 : index
    tpu.barrier barrier_id(%barrier3A)
    %mul3A_3 = arith.constant 20000 : i32
    %mul3A_4 = arith.muli %arg1, %mul3A_3 : i32
    %scan3A = arith.constant 0 : i32
    %scan3A_5 = arith.constant 0 : i32
    %scan3A_6 = arith.constant 250 : i32
    %scan3A_7 = arith.addi %scan3A_5, %scan3A_6 : i32
    %scan3A_8 = arith.constant 1 : i32
    scf.for %scan3A_15 = %scan3A_5 to %scan3A_7 step %scan3A_8  : i32 {
      %mul3A_16 = arith.constant 80 : i32
      %mul3A_17 = arith.muli %scan3A_15, %mul3A_16 : i32
      %add3A = arith.addi %mul3A_4, %mul3A_17 : i32
      "tpu.region"() ({
        %run_scoped3A = tpu.sem_alloc : memref<!tpu.dma_semaphore, #tpu.memory_space<semaphore_mem>>
        %dma_start3A_103 = tpu.memref_slice %arg3[%add3A] : memref<320000xi32, #tpu.memory_space<hbm>> -> memref<80xi32, #tpu.memory_space<hbm>>
        %dma_start3A_104 = tpu.memref_slice %arg3[%add3A] : memref<320000xi32, #tpu.memory_space<hbm>> -> memref<80xi32, #tpu.memory_space<hbm>>
        tpu.enqueue_dma source(%dma_start3A_104 : memref<80xi32, #tpu.memory_space<hbm>>) target(%arg7 : memref<80xi32, #tpu.memory_space<vmem>>) target_semaphore(%run_scoped3A : memref<!tpu.dma_semaphore, #tpu.memory_space<semaphore_mem>>)
        %dma_wait3A_105 = tpu.memref_slice %arg3[%add3A] : memref<320000xi32, #tpu.memory_space<hbm>> -> memref<80xi32, #tpu.memory_space<hbm>>
        %dma_wait3A_106 = tpu.memref_slice %arg3[%add3A] : memref<320000xi32, #tpu.memory_space<hbm>> -> memref<80xi32, #tpu.memory_space<hbm>>
        tpu.wait_dma2 semaphore(%run_scoped3A : memref<!tpu.dma_semaphore, #tpu.memory_space<semaphore_mem>>) src(%dma_wait3A_106 : memref<80xi32, #tpu.memory_space<hbm>>) dst(%arg7 : memref<80xi32, #tpu.memory_space<vmem>>)
        tpu.yield
      }) : () -> ()
      "tpu.region"() ({
        %run_scoped3A = tpu.sem_alloc : memref<!tpu.dma_semaphore, #tpu.memory_space<semaphore_mem>>
        %dma_start3A_103 = tpu.memref_slice %arg4[%add3A] : memref<320000xi32, #tpu.memory_space<hbm>> -> memref<80xi32, #tpu.memory_space<hbm>>
        %dma_start3A_104 = tpu.memref_slice %arg4[%add3A] : memref<320000xi32, #tpu.memory_space<hbm>> -> memref<80xi32, #tpu.memory_space<hbm>>
        tpu.enqueue_dma source(%dma_start3A_104 : memref<80xi32, #tpu.memory_space<hbm>>) target(%arg8 : memref<80xi32, #tpu.memory_space<vmem>>) target_semaphore(%run_scoped3A : memref<!tpu.dma_semaphore, #tpu.memory_space<semaphore_mem>>)
        %dma_wait3A_105 = tpu.memref_slice %arg4[%add3A] : memref<320000xi32, #tpu.memory_space<hbm>> -> memref<80xi32, #tpu.memory_space<hbm>>
        %dma_wait3A_106 = tpu.memref_slice %arg4[%add3A] : memref<320000xi32, #tpu.memory_space<hbm>> -> memref<80xi32, #tpu.memory_space<hbm>>
        tpu.wait_dma2 semaphore(%run_scoped3A : memref<!tpu.dma_semaphore, #tpu.memory_space<semaphore_mem>>) src(%dma_wait3A_106 : memref<80xi32, #tpu.memory_space<hbm>>) dst(%arg8 : memref<80xi32, #tpu.memory_space<vmem>>)
        tpu.yield
      }) : () -> ()
      %get3A = arith.constant 0 : index
      %get3A_18 = tpu.vector_load %arg8[%get3A] {strides = array<i32>} : memref<80xi32, #tpu.memory_space<vmem>>, vector<16xi32>,
      %sub3A = vector.broadcast %mul3A_0 : i32 to vector<16xi32>
      %sub3A_19 = arith.subi %get3A_18, %sub3A : vector<16xi32>
      %lt3A = arith.constant 0 : i32
      %lt3A_20 = vector.broadcast %lt3A : i32 to vector<16xi32>
      %lt3A_21 = arith.cmpi slt, %sub3A_19, %lt3A_20 : vector<16xi32>
      %ge3A = arith.constant 5120 : i32
      %ge3A_22 = vector.broadcast %ge3A : i32 to vector<16xi32>
      %ge3A_23 = arith.cmpi sge, %sub3A_19, %ge3A_22 : vector<16xi32>
      %or3A = arith.ori %lt3A_21, %ge3A_23 : vector<16xi1>
      %jit3A = arith.constant 5120 : i32
      %broadcast_in_dim3A = vector.broadcast %jit3A : i32 to vector<16xi32>
      %select_n3A = arith.select %or3A, %broadcast_in_dim3A, %sub3A_19 : vector<16xi1>, vector<16xi32>
      %swap3A = arith.constant 0 : index
      %swap3A_24 = tpu.vector_load %arg8[%swap3A] {strides = array<i32>} : memref<80xi32, #tpu.memory_space<vmem>>, vector<16xi32>,
      %swap3A_25 = vector.shape_cast %swap3A_24 : vector<16xi32> to vector<16xi32>
      %swap3A_26 = vector.shape_cast %select_n3A : vector<16xi32> to vector<16xi32>
      tpu.vector_store %arg8[%swap3A], %swap3A_26 {strides = array<i32>} : memref<80xi32, #tpu.memory_space<vmem>>, vector<16xi32>,
      %get3A_27 = arith.constant 16 : index
      %get3A_28 = tpu.vector_load %arg8[%get3A_27] {strides = array<i32>} : memref<80xi32, #tpu.memory_space<vmem>>, vector<16xi32>,
      %sub3A_29 = vector.broadcast %mul3A_0 : i32 to vector<16xi32>
      %sub3A_30 = arith.subi %get3A_28, %sub3A_29 : vector<16xi32>
      %lt3A_31 = arith.constant 0 : i32
      %lt3A_32 = vector.broadcast %lt3A_31 : i32 to vector<16xi32>
      %lt3A_33 = arith.cmpi slt, %sub3A_30, %lt3A_32 : vector<16xi32>
      %ge3A_34 = arith.constant 5120 : i32
      %ge3A_35 = vector.broadcast %ge3A_34 : i32 to vector<16xi32>
      %ge3A_36 = arith.cmpi sge, %sub3A_30, %ge3A_35 : vector<16xi32>
      %or3A_37 = arith.ori %lt3A_33, %ge3A_36 : vector<16xi1>
      %jit3A_38 = arith.constant 5120 : i32
      %broadcast_in_dim3A_39 = vector.broadcast %jit3A_38 : i32 to vector<16xi32>
      %select_n3A_40 = arith.select %or3A_37, %broadcast_in_dim3A_39, %sub3A_30 : vector<16xi1>, vector<16xi32>
      %swap3A_41 = arith.constant 16 : index
      %swap3A_42 = tpu.vector_load %arg8[%swap3A_41] {strides = array<i32>} : memref<80xi32, #tpu.memory_space<vmem>>, vector<16xi32>,
      %swap3A_43 = vector.shape_cast %swap3A_42 : vector<16xi32> to vector<16xi32>
      %swap3A_44 = vector.shape_cast %select_n3A_40 : vector<16xi32> to vector<16xi32>
      tpu.vector_store %arg8[%swap3A_41], %swap3A_44 {strides = array<i32>} : memref<80xi32, #tpu.memory_space<vmem>>, vector<16xi32>,
      %get3A_45 = arith.constant 32 : index
      %get3A_46 = tpu.vector_load %arg8[%get3A_45] {strides = array<i32>} : memref<80xi32, #tpu.memory_space<vmem>>, vector<16xi32>,
      %sub3A_47 = vector.broadcast %mul3A_0 : i32 to vector<16xi32>
      %sub3A_48 = arith.subi %get3A_46, %sub3A_47 : vector<16xi32>
      %lt3A_49 = arith.constant 0 : i32
      %lt3A_50 = vector.broadcast %lt3A_49 : i32 to vector<16xi32>
      %lt3A_51 = arith.cmpi slt, %sub3A_48, %lt3A_50 : vector<16xi32>
      %ge3A_52 = arith.constant 5120 : i32
      %ge3A_53 = vector.broadcast %ge3A_52 : i32 to vector<16xi32>
      %ge3A_54 = arith.cmpi sge, %sub3A_48, %ge3A_53 : vector<16xi32>
      %or3A_55 = arith.ori %lt3A_51, %ge3A_54 : vector<16xi1>
      %jit3A_56 = arith.constant 5120 : i32
      %broadcast_in_dim3A_57 = vector.broadcast %jit3A_56 : i32 to vector<16xi32>
      %select_n3A_58 = arith.select %or3A_55, %broadcast_in_dim3A_57, %sub3A_48 : vector<16xi1>, vector<16xi32>
      %swap3A_59 = arith.constant 32 : index
      %swap3A_60 = tpu.vector_load %arg8[%swap3A_59] {strides = array<i32>} : memref<80xi32, #tpu.memory_space<vmem>>, vector<16xi32>,
      %swap3A_61 = vector.shape_cast %swap3A_60 : vector<16xi32> to vector<16xi32>
      %swap3A_62 = vector.shape_cast %select_n3A_58 : vector<16xi32> to vector<16xi32>
      tpu.vector_store %arg8[%swap3A_59], %swap3A_62 {strides = array<i32>} : memref<80xi32, #tpu.memory_space<vmem>>, vector<16xi32>,
      %get3A_63 = arith.constant 48 : index
      %get3A_64 = tpu.vector_load %arg8[%get3A_63] {strides = array<i32>} : memref<80xi32, #tpu.memory_space<vmem>>, vector<16xi32>,
      %sub3A_65 = vector.broadcast %mul3A_0 : i32 to vector<16xi32>
      %sub3A_66 = arith.subi %get3A_64, %sub3A_65 : vector<16xi32>
      %lt3A_67 = arith.constant 0 : i32
      %lt3A_68 = vector.broadcast %lt3A_67 : i32 to vector<16xi32>
      %lt3A_69 = arith.cmpi slt, %sub3A_66, %lt3A_68 : vector<16xi32>
      %ge3A_70 = arith.constant 5120 : i32
      %ge3A_71 = vector.broadcast %ge3A_70 : i32 to vector<16xi32>
      %ge3A_72 = arith.cmpi sge, %sub3A_66, %ge3A_71 : vector<16xi32>
      %or3A_73 = arith.ori %lt3A_69, %ge3A_72 : vector<16xi1>
      %jit3A_74 = arith.constant 5120 : i32
      %broadcast_in_dim3A_75 = vector.broadcast %jit3A_74 : i32 to vector<16xi32>
      %select_n3A_76 = arith.select %or3A_73, %broadcast_in_dim3A_75, %sub3A_66 : vector<16xi1>, vector<16xi32>
      %swap3A_77 = arith.constant 48 : index
      %swap3A_78 = tpu.vector_load %arg8[%swap3A_77] {strides = array<i32>} : memref<80xi32, #tpu.memory_space<vmem>>, vector<16xi32>,
      %swap3A_79 = vector.shape_cast %swap3A_78 : vector<16xi32> to vector<16xi32>
      %swap3A_80 = vector.shape_cast %select_n3A_76 : vector<16xi32> to vector<16xi32>
      tpu.vector_store %arg8[%swap3A_77], %swap3A_80 {strides = array<i32>} : memref<80xi32, #tpu.memory_space<vmem>>, vector<16xi32>,
      %get3A_81 = arith.constant 64 : index
      %get3A_82 = tpu.vector_load %arg8[%get3A_81] {strides = array<i32>} : memref<80xi32, #tpu.memory_space<vmem>>, vector<16xi32>,
      %sub3A_83 = vector.broadcast %mul3A_0 : i32 to vector<16xi32>
      %sub3A_84 = arith.subi %get3A_82, %sub3A_83 : vector<16xi32>
      %lt3A_85 = arith.constant 0 : i32
      %lt3A_86 = vector.broadcast %lt3A_85 : i32 to vector<16xi32>
      %lt3A_87 = arith.cmpi slt, %sub3A_84, %lt3A_86 : vector<16xi32>
      %ge3A_88 = arith.constant 5120 : i32
      %ge3A_89 = vector.broadcast %ge3A_88 : i32 to vector<16xi32>
      %ge3A_90 = arith.cmpi sge, %sub3A_84, %ge3A_89 : vector<16xi32>
      %or3A_91 = arith.ori %lt3A_87, %ge3A_90 : vector<16xi1>
      %jit3A_92 = arith.constant 5120 : i32
      %broadcast_in_dim3A_93 = vector.broadcast %jit3A_92 : i32 to vector<16xi32>
      %select_n3A_94 = arith.select %or3A_91, %broadcast_in_dim3A_93, %sub3A_84 : vector<16xi1>, vector<16xi32>
      %swap3A_95 = arith.constant 64 : index
      %swap3A_96 = tpu.vector_load %arg8[%swap3A_95] {strides = array<i32>} : memref<80xi32, #tpu.memory_space<vmem>>, vector<16xi32>,
      %swap3A_97 = vector.shape_cast %swap3A_96 : vector<16xi32> to vector<16xi32>
      %swap3A_98 = vector.shape_cast %select_n3A_94 : vector<16xi32> to vector<16xi32>
      tpu.vector_store %arg8[%swap3A_95], %swap3A_98 {strides = array<i32>} : memref<80xi32, #tpu.memory_space<vmem>>, vector<16xi32>,
      %dma_start3A = arith.constant 0 : i32
      %dma_start3A_99 = arith.constant 0 : i32
      %dma_start3A_100 = tpu.memref_slice %arg2[%dma_start3A, %dma_start3A_99] : memref<10240x128xf32, #tpu.memory_space<hbm>> -> memref<10240x128xf32, #tpu.memory_space<hbm>>
      tpu.enqueue_indirect_dma source(%dma_start3A_100 : memref<10240x128xf32, #tpu.memory_space<hbm>>) target(%arg9 : memref<80x128xf32, #tpu.memory_space<vmem>>) offsets(%arg7 : memref<80xi32, #tpu.memory_space<vmem>>) semaphore(%arg12 : memref<!tpu.dma_semaphore, #tpu.memory_space<semaphore_mem>>)
      %dma_wait3A = arith.constant 0 : i32
      %dma_wait3A_101 = arith.constant 0 : i32
      %dma_wait3A_102 = tpu.memref_slice %arg2[%dma_wait3A, %dma_wait3A_101] : memref<10240x128xf32, #tpu.memory_space<hbm>> -> memref<10240x128xf32, #tpu.memory_space<hbm>>
      tpu.wait_indirect_dma semaphore(%arg12 : memref<!tpu.dma_semaphore, #tpu.memory_space<semaphore_mem>>) src(%dma_wait3A_102 : memref<10240x128xf32, #tpu.memory_space<hbm>>) dst(%arg9 : memref<80x128xf32, #tpu.memory_space<vmem>>)
      "tpu.region"() ({
        %run_scoped3A = tpu.sem_alloc : memref<!tpu.dma_semaphore, #tpu.memory_space<semaphore_mem>>
        %dma_start3A_103 = arith.constant 0 : i32
        %dma_start3A_104 = arith.constant 0 : i32
        %dma_start3A_105 = tpu.memref_slice %arg11[%dma_start3A_103, %dma_start3A_104] : memref<5128x128xf32, #tpu.memory_space<vmem_shared>> -> memref<5128x128xf32, #tpu.memory_space<vmem_shared>>
        tpu.enqueue_indirect_dma source(%arg9 : memref<80x128xf32, #tpu.memory_space<vmem>>) target(%dma_start3A_105 : memref<5128x128xf32, #tpu.memory_space<vmem_shared>>) offsets(%arg8 : memref<80xi32, #tpu.memory_space<vmem>>) semaphore(%run_scoped3A : memref<!tpu.dma_semaphore, #tpu.memory_space<semaphore_mem>>) {add = true}
        %dma_wait3A_106 = arith.constant 0 : i32
        %dma_wait3A_107 = arith.constant 0 : i32
        %dma_wait3A_108 = tpu.memref_slice %arg11[%dma_wait3A_106, %dma_wait3A_107] : memref<5128x128xf32, #tpu.memory_space<vmem_shared>> -> memref<5128x128xf32, #tpu.memory_space<vmem_shared>>
        tpu.wait_indirect_dma semaphore(%run_scoped3A : memref<!tpu.dma_semaphore, #tpu.memory_space<semaphore_mem>>) src(%arg9 : memref<80x128xf32, #tpu.memory_space<vmem>>) dst(%dma_wait3A_108 : memref<5128x128xf32, #tpu.memory_space<vmem_shared>>)
        tpu.yield
      }) : () -> ()
    }
    %scan3A_9 = arith.constant 250 : i32
    %barrier3A_10 = arith.constant 0 : index
    tpu.barrier barrier_id(%barrier3A_10)
    %mul3A_11 = arith.constant 320 : i32
    %mul3A_12 = arith.muli %arg1, %mul3A_11 : i32
    "tpu.region"() ({
      %run_scoped3A = tpu.sem_alloc : memref<!tpu.dma_semaphore, #tpu.memory_space<semaphore_mem>>
      %dma_start3A = arith.constant 0 : i32
      %dma_start3A_15 = tpu.memref_slice %arg11[%mul3A_12, %dma_start3A] : memref<5128x128xf32, #tpu.memory_space<vmem_shared>> -> memref<320x128xf32, #tpu.memory_space<vmem_shared>>
      %dma_start3A_16 = arith.constant 0 : i32
      %dma_start3A_17 = tpu.memref_slice %arg11[%mul3A_12, %dma_start3A_16] : memref<5128x128xf32, #tpu.memory_space<vmem_shared>> -> memref<320x128xf32, #tpu.memory_space<vmem_shared>>
      tpu.enqueue_dma source(%dma_start3A_17 : memref<320x128xf32, #tpu.memory_space<vmem_shared>>) target(%arg10 : memref<320x128xf32, #tpu.memory_space<vmem>>) target_semaphore(%run_scoped3A : memref<!tpu.dma_semaphore, #tpu.memory_space<semaphore_mem>>)
      %dma_wait3A = arith.constant 0 : i32
      %dma_wait3A_18 = tpu.memref_slice %arg11[%mul3A_12, %dma_wait3A] : memref<5128x128xf32, #tpu.memory_space<vmem_shared>> -> memref<320x128xf32, #tpu.memory_space<vmem_shared>>
      %dma_wait3A_19 = arith.constant 0 : i32
      %dma_wait3A_20 = tpu.memref_slice %arg11[%mul3A_12, %dma_wait3A_19] : memref<5128x128xf32, #tpu.memory_space<vmem_shared>> -> memref<320x128xf32, #tpu.memory_space<vmem_shared>>
      tpu.wait_dma2 semaphore(%run_scoped3A : memref<!tpu.dma_semaphore, #tpu.memory_space<semaphore_mem>>) src(%dma_wait3A_20 : memref<320x128xf32, #tpu.memory_space<vmem_shared>>) dst(%arg10 : memref<320x128xf32, #tpu.memory_space<vmem>>)
      tpu.yield
    }) : () -> ()
    %mul3A_13 = arith.constant 320 : i32
    %mul3A_14 = arith.muli %arg1, %mul3A_13 : i32
    "tpu.region"() ({
      %run_scoped3A = tpu.sem_alloc : memref<!tpu.dma_semaphore, #tpu.memory_space<semaphore_mem>>
      %dma_start3A = arith.constant 0 : i32
      %dma_start3A_15 = tpu.memref_slice %arg6[%arg0, %mul3A_14, %dma_start3A] : memref<2x5120x128xf32, #tpu.memory_space<hbm>> -> memref<1x320x128xf32, #tpu.memory_space<hbm>>
      %dma_start3A_16 = tpu.memref_squeeze %dma_start3A_15 : memref<1x320x128xf32, #tpu.memory_space<hbm>> -> memref<320x128xf32, #tpu.memory_space<hbm>>
      %dma_start3A_17 = arith.constant 0 : i32
      %dma_start3A_18 = tpu.memref_slice %arg6[%arg0, %mul3A_14, %dma_start3A_17] : memref<2x5120x128xf32, #tpu.memory_space<hbm>> -> memref<1x320x128xf32, #tpu.memory_space<hbm>>
      %dma_start3A_19 = tpu.memref_squeeze %dma_start3A_18 : memref<1x320x128xf32, #tpu.memory_space<hbm>> -> memref<320x128xf32, #tpu.memory_space<hbm>>
      tpu.enqueue_dma source(%arg10 : memref<320x128xf32, #tpu.memory_space<vmem>>) target(%dma_start3A_19 : memref<320x128xf32, #tpu.memory_space<hbm>>) target_semaphore(%run_scoped3A : memref<!tpu.dma_semaphore, #tpu.memory_space<semaphore_mem>>)
      %dma_wait3A = arith.constant 0 : i32
      %dma_wait3A_20 = tpu.memref_slice %arg6[%arg0, %mul3A_14, %dma_wait3A] : memref<2x5120x128xf32, #tpu.memory_space<hbm>> -> memref<1x320x128xf32, #tpu.memory_space<hbm>>
      %dma_wait3A_21 = tpu.memref_squeeze %dma_wait3A_20 : memref<1x320x128xf32, #tpu.memory_space<hbm>> -> memref<320x128xf32, #tpu.memory_space<hbm>>
      %dma_wait3A_22 = arith.constant 0 : i32
      %dma_wait3A_23 = tpu.memref_slice %arg6[%arg0, %mul3A_14, %dma_wait3A_22] : memref<2x5120x128xf32, #tpu.memory_space<hbm>> -> memref<1x320x128xf32, #tpu.memory_space<hbm>>
      %dma_wait3A_24 = tpu.memref_squeeze %dma_wait3A_23 : memref<1x320x128xf32, #tpu.memory_space<hbm>> -> memref<320x128xf32, #tpu.memory_space<hbm>>
      tpu.wait_dma2 semaphore(%run_scoped3A : memref<!tpu.dma_semaphore, #tpu.memory_space<semaphore_mem>>) src(%arg10 : memref<320x128xf32, #tpu.memory_space<vmem>>) dst(%dma_wait3A_24 : memref<320x128xf32, #tpu.memory_space<hbm>>)
      tpu.yield
    }) : () -> ()
    return
  }
}

#map = affine_map<(d0, d1) -> (0)>
#map1 = affine_map<(d0, d1) -> (0, 0)>
module attributes {stable_mosaic.version = 14 : i64} {
  func.func @k(%arg0: i32, %arg1: i32, %arg2: memref<10240xf32, #tpu.memory_space<hbm>>, %arg3: memref<320000xi32, #tpu.memory_space<hbm>>, %arg4: memref<320000xi32, #tpu.memory_space<hbm>>, %arg5: memref<32x10240xf32, #tpu.memory_space<hbm>>, %arg6: memref<80xi32, #tpu.memory_space<vmem>>, %arg7: memref<80xi32, #tpu.memory_space<vmem>>, %arg8: memref<10240xf32, #tpu.memory_space<vmem>>, %arg9: memref<10240xf32, #tpu.memory_space<vmem>>) attributes {dimension_semantics = [#tpu.dimension_semantics<core_parallel>, #tpu.dimension_semantics<subcore_parallel>], iteration_bounds = array<i64: 2, 16>, scalar_prefetch = 0 : i64, scratch_operands = 4 : i64, tpu.core_type = #tpu.core_type<sc_vector_subcore>, window_params = [{transform_indices = #map}, {transform_indices = #map}, {transform_indices = #map}, {transform_indices = #map1}]} {
    %mul3A = arith.constant 2 : i32
    %mul3A_0 = arith.muli %arg1, %mul3A : i32
    %add3A = arith.addi %mul3A_0, %arg0 : i32
    "tpu.region"() ({
      %run_scoped3A = tpu.sem_alloc : memref<!tpu.dma_semaphore, #tpu.memory_space<semaphore_mem>>
      tpu.enqueue_dma source(%arg2 : memref<10240xf32, #tpu.memory_space<hbm>>) target(%arg8 : memref<10240xf32, #tpu.memory_space<vmem>>) target_semaphore(%run_scoped3A : memref<!tpu.dma_semaphore, #tpu.memory_space<semaphore_mem>>)
      tpu.wait_dma2 semaphore(%run_scoped3A : memref<!tpu.dma_semaphore, #tpu.memory_space<semaphore_mem>>) src(%arg2 : memref<10240xf32, #tpu.memory_space<hbm>>) dst(%arg8 : memref<10240xf32, #tpu.memory_space<vmem>>)
      tpu.yield
    }) : () -> ()
    %broadcast_in_dim3A = arith.constant 0.000000e+00 : f32
    %broadcast_in_dim3A_1 = vector.broadcast %broadcast_in_dim3A : f32 to vector<16xf32>
    %scan3A = arith.constant 0 : i32
    %scan3A_2 = arith.constant 0 : i32
    %scan3A_3 = arith.constant 640 : i32
    %scan3A_4 = arith.addi %scan3A_2, %scan3A_3 : i32
    %scan3A_5 = arith.constant 1 : i32
    scf.for %scan3A_15 = %scan3A_2 to %scan3A_4 step %scan3A_5  : i32 {
      %mul3A_16 = arith.constant 16 : i32
      %mul3A_17 = arith.muli %scan3A_15, %mul3A_16 : i32
      %swap3A = arith.index_cast %mul3A_17 : i32 to index
      %swap3A_18 = tpu.vector_load %arg9[%swap3A] {strides = array<i32>} : memref<10240xf32, #tpu.memory_space<vmem>>, vector<16xf32>,
      tpu.vector_store %arg9[%swap3A], %broadcast_in_dim3A_1 {strides = array<i32>} : memref<10240xf32, #tpu.memory_space<vmem>>, vector<16xf32>,
    }
    %scan3A_6 = arith.constant 640 : i32
    %mul3A_7 = arith.constant 10000 : i32
    %mul3A_8 = arith.muli %add3A, %mul3A_7 : i32
    %scan3A_9 = arith.constant 0 : i32
    %scan3A_10 = arith.constant 0 : i32
    %scan3A_11 = arith.constant 125 : i32
    %scan3A_12 = arith.addi %scan3A_10, %scan3A_11 : i32
    %scan3A_13 = arith.constant 1 : i32
    scf.for %scan3A_15 = %scan3A_10 to %scan3A_12 step %scan3A_13  : i32 {
      %mul3A_16 = arith.constant 80 : i32
      %mul3A_17 = arith.muli %scan3A_15, %mul3A_16 : i32
      %add3A_18 = arith.addi %mul3A_8, %mul3A_17 : i32
      "tpu.region"() ({
        %run_scoped3A = tpu.sem_alloc : memref<!tpu.dma_semaphore, #tpu.memory_space<semaphore_mem>>
        %dma_start3A = tpu.memref_slice %arg3[%add3A_18] : memref<320000xi32, #tpu.memory_space<hbm>> -> memref<80xi32, #tpu.memory_space<hbm>>
        %dma_start3A_42 = tpu.memref_slice %arg3[%add3A_18] : memref<320000xi32, #tpu.memory_space<hbm>> -> memref<80xi32, #tpu.memory_space<hbm>>
        tpu.enqueue_dma source(%dma_start3A_42 : memref<80xi32, #tpu.memory_space<hbm>>) target(%arg6 : memref<80xi32, #tpu.memory_space<vmem>>) target_semaphore(%run_scoped3A : memref<!tpu.dma_semaphore, #tpu.memory_space<semaphore_mem>>)
        %dma_wait3A = tpu.memref_slice %arg3[%add3A_18] : memref<320000xi32, #tpu.memory_space<hbm>> -> memref<80xi32, #tpu.memory_space<hbm>>
        %dma_wait3A_43 = tpu.memref_slice %arg3[%add3A_18] : memref<320000xi32, #tpu.memory_space<hbm>> -> memref<80xi32, #tpu.memory_space<hbm>>
        tpu.wait_dma2 semaphore(%run_scoped3A : memref<!tpu.dma_semaphore, #tpu.memory_space<semaphore_mem>>) src(%dma_wait3A_43 : memref<80xi32, #tpu.memory_space<hbm>>) dst(%arg6 : memref<80xi32, #tpu.memory_space<vmem>>)
        tpu.yield
      }) : () -> ()
      "tpu.region"() ({
        %run_scoped3A = tpu.sem_alloc : memref<!tpu.dma_semaphore, #tpu.memory_space<semaphore_mem>>
        %dma_start3A = tpu.memref_slice %arg4[%add3A_18] : memref<320000xi32, #tpu.memory_space<hbm>> -> memref<80xi32, #tpu.memory_space<hbm>>
        %dma_start3A_42 = tpu.memref_slice %arg4[%add3A_18] : memref<320000xi32, #tpu.memory_space<hbm>> -> memref<80xi32, #tpu.memory_space<hbm>>
        tpu.enqueue_dma source(%dma_start3A_42 : memref<80xi32, #tpu.memory_space<hbm>>) target(%arg7 : memref<80xi32, #tpu.memory_space<vmem>>) target_semaphore(%run_scoped3A : memref<!tpu.dma_semaphore, #tpu.memory_space<semaphore_mem>>)
        %dma_wait3A = tpu.memref_slice %arg4[%add3A_18] : memref<320000xi32, #tpu.memory_space<hbm>> -> memref<80xi32, #tpu.memory_space<hbm>>
        %dma_wait3A_43 = tpu.memref_slice %arg4[%add3A_18] : memref<320000xi32, #tpu.memory_space<hbm>> -> memref<80xi32, #tpu.memory_space<hbm>>
        tpu.wait_dma2 semaphore(%run_scoped3A : memref<!tpu.dma_semaphore, #tpu.memory_space<semaphore_mem>>) src(%dma_wait3A_43 : memref<80xi32, #tpu.memory_space<hbm>>) dst(%arg7 : memref<80xi32, #tpu.memory_space<vmem>>)
        tpu.yield
      }) : () -> ()
      %get3A = arith.constant 0 : index
      %get3A_19 = tpu.vector_load %arg6[%get3A] {strides = array<i32>} : memref<80xi32, #tpu.memory_space<vmem>>, vector<16xi32>,
      %get3A_20 = arith.constant 0 : index
      %get3A_21 = tpu.vector_load %arg7[%get3A_20] {strides = array<i32>} : memref<80xi32, #tpu.memory_space<vmem>>, vector<16xi32>,
      %gather3A = tpu.vector_load_idx %arg8[%get3A_19] : memref<10240xf32, #tpu.memory_space<vmem>>[vector<16xi32>], vector<16xf32>,
      tpu.vector_store_idx %arg9[%get3A_21], %gather3A {add = true} : memref<10240xf32, #tpu.memory_space<vmem>>[vector<16xi32>], vector<16xf32>,
      %get3A_22 = arith.constant 16 : index
      %get3A_23 = tpu.vector_load %arg6[%get3A_22] {strides = array<i32>} : memref<80xi32, #tpu.memory_space<vmem>>, vector<16xi32>,
      %get3A_24 = arith.constant 16 : index
      %get3A_25 = tpu.vector_load %arg7[%get3A_24] {strides = array<i32>} : memref<80xi32, #tpu.memory_space<vmem>>, vector<16xi32>,
      %gather3A_26 = tpu.vector_load_idx %arg8[%get3A_23] : memref<10240xf32, #tpu.memory_space<vmem>>[vector<16xi32>], vector<16xf32>,
      tpu.vector_store_idx %arg9[%get3A_25], %gather3A_26 {add = true} : memref<10240xf32, #tpu.memory_space<vmem>>[vector<16xi32>], vector<16xf32>,
      %get3A_27 = arith.constant 32 : index
      %get3A_28 = tpu.vector_load %arg6[%get3A_27] {strides = array<i32>} : memref<80xi32, #tpu.memory_space<vmem>>, vector<16xi32>,
      %get3A_29 = arith.constant 32 : index
      %get3A_30 = tpu.vector_load %arg7[%get3A_29] {strides = array<i32>} : memref<80xi32, #tpu.memory_space<vmem>>, vector<16xi32>,
      %gather3A_31 = tpu.vector_load_idx %arg8[%get3A_28] : memref<10240xf32, #tpu.memory_space<vmem>>[vector<16xi32>], vector<16xf32>,
      tpu.vector_store_idx %arg9[%get3A_30], %gather3A_31 {add = true} : memref<10240xf32, #tpu.memory_space<vmem>>[vector<16xi32>], vector<16xf32>,
      %get3A_32 = arith.constant 48 : index
      %get3A_33 = tpu.vector_load %arg6[%get3A_32] {strides = array<i32>} : memref<80xi32, #tpu.memory_space<vmem>>, vector<16xi32>,
      %get3A_34 = arith.constant 48 : index
      %get3A_35 = tpu.vector_load %arg7[%get3A_34] {strides = array<i32>} : memref<80xi32, #tpu.memory_space<vmem>>, vector<16xi32>,
      %gather3A_36 = tpu.vector_load_idx %arg8[%get3A_33] : memref<10240xf32, #tpu.memory_space<vmem>>[vector<16xi32>], vector<16xf32>,
      tpu.vector_store_idx %arg9[%get3A_35], %gather3A_36 {add = true} : memref<10240xf32, #tpu.memory_space<vmem>>[vector<16xi32>], vector<16xf32>,
      %get3A_37 = arith.constant 64 : index
      %get3A_38 = tpu.vector_load %arg6[%get3A_37] {strides = array<i32>} : memref<80xi32, #tpu.memory_space<vmem>>, vector<16xi32>,
      %get3A_39 = arith.constant 64 : index
      %get3A_40 = tpu.vector_load %arg7[%get3A_39] {strides = array<i32>} : memref<80xi32, #tpu.memory_space<vmem>>, vector<16xi32>,
      %gather3A_41 = tpu.vector_load_idx %arg8[%get3A_38] : memref<10240xf32, #tpu.memory_space<vmem>>[vector<16xi32>], vector<16xf32>,
      tpu.vector_store_idx %arg9[%get3A_40], %gather3A_41 {add = true} : memref<10240xf32, #tpu.memory_space<vmem>>[vector<16xi32>], vector<16xf32>,
    }
    %scan3A_14 = arith.constant 125 : i32
    "tpu.region"() ({
      %run_scoped3A = tpu.sem_alloc : memref<!tpu.dma_semaphore, #tpu.memory_space<semaphore_mem>>
      %dma_start3A = arith.constant 0 : i32
      %dma_start3A_15 = tpu.memref_slice %arg5[%add3A, %dma_start3A] : memref<32x10240xf32, #tpu.memory_space<hbm>> -> memref<1x10240xf32, #tpu.memory_space<hbm>>
      %dma_start3A_16 = tpu.memref_squeeze %dma_start3A_15 : memref<1x10240xf32, #tpu.memory_space<hbm>> -> memref<10240xf32, #tpu.memory_space<hbm>>
      %dma_start3A_17 = arith.constant 0 : i32
      %dma_start3A_18 = tpu.memref_slice %arg5[%add3A, %dma_start3A_17] : memref<32x10240xf32, #tpu.memory_space<hbm>> -> memref<1x10240xf32, #tpu.memory_space<hbm>>
      %dma_start3A_19 = tpu.memref_squeeze %dma_start3A_18 : memref<1x10240xf32, #tpu.memory_space<hbm>> -> memref<10240xf32, #tpu.memory_space<hbm>>
      tpu.enqueue_dma source(%arg9 : memref<10240xf32, #tpu.memory_space<vmem>>) target(%dma_start3A_19 : memref<10240xf32, #tpu.memory_space<hbm>>) target_semaphore(%run_scoped3A : memref<!tpu.dma_semaphore, #tpu.memory_space<semaphore_mem>>)
      %dma_wait3A = arith.constant 0 : i32
      %dma_wait3A_20 = tpu.memref_slice %arg5[%add3A, %dma_wait3A] : memref<32x10240xf32, #tpu.memory_space<hbm>> -> memref<1x10240xf32, #tpu.memory_space<hbm>>
      %dma_wait3A_21 = tpu.memref_squeeze %dma_wait3A_20 : memref<1x10240xf32, #tpu.memory_space<hbm>> -> memref<10240xf32, #tpu.memory_space<hbm>>
      %dma_wait3A_22 = arith.constant 0 : i32
      %dma_wait3A_23 = tpu.memref_slice %arg5[%add3A, %dma_wait3A_22] : memref<32x10240xf32, #tpu.memory_space<hbm>> -> memref<1x10240xf32, #tpu.memory_space<hbm>>
      %dma_wait3A_24 = tpu.memref_squeeze %dma_wait3A_23 : memref<1x10240xf32, #tpu.memory_space<hbm>> -> memref<10240xf32, #tpu.memory_space<hbm>>
      tpu.wait_dma2 semaphore(%run_scoped3A : memref<!tpu.dma_semaphore, #tpu.memory_space<semaphore_mem>>) src(%arg9 : memref<10240xf32, #tpu.memory_space<vmem>>) dst(%dma_wait3A_24 : memref<10240xf32, #tpu.memory_space<hbm>>)
      tpu.yield
    }) : () -> ()
    return
  }
}

#map = affine_map<(d0, d1) -> (0, 0)>
#map1 = affine_map<(d0, d1) -> (0)>
#map2 = affine_map<(d0, d1) -> (0, 0, 0)>
module attributes {stable_mosaic.version = 14 : i64} {
  func.func @k(%arg0: i32, %arg1: i32, %arg2: memref<10240x128xf32, #tpu.memory_space<hbm>>, %arg3: memref<320000xi32, #tpu.memory_space<hbm>>, %arg4: memref<320000xi32, #tpu.memory_space<hbm>>, %arg5: memref<320x128xf32, #tpu.memory_space<hbm>>, %arg6: memref<2x5120x128xf32, #tpu.memory_space<hbm>>, %arg7: memref<80xi32, #tpu.memory_space<vmem>>, %arg8: memref<80xi32, #tpu.memory_space<vmem>>, %arg9: memref<80x128xf32, #tpu.memory_space<vmem>>, %arg10: memref<320x128xf32, #tpu.memory_space<vmem>>, %arg11: memref<5128x128xf32, #tpu.memory_space<vmem_shared>>, %arg12: memref<!tpu.dma_semaphore, #tpu.memory_space<semaphore_mem>>) attributes {dimension_semantics = [#tpu.dimension_semantics<core_parallel>, #tpu.dimension_semantics<subcore_parallel>], iteration_bounds = array<i64: 2, 16>, scalar_prefetch = 0 : i64, scratch_operands = 6 : i64, tpu.core_type = #tpu.core_type<sc_vector_subcore>, window_params = [{transform_indices = #map}, {transform_indices = #map1}, {transform_indices = #map1}, {transform_indices = #map}, {transform_indices = #map2}]} {
    %mul3A = arith.constant 5120 : i32
    %mul3A_0 = arith.muli %arg0, %mul3A : i32
    "tpu.region"() ({
      %run_scoped3A = tpu.sem_alloc : memref<!tpu.dma_semaphore, #tpu.memory_space<semaphore_mem>>
      tpu.enqueue_dma source(%arg5 : memref<320x128xf32, #tpu.memory_space<hbm>>) target(%arg10 : memref<320x128xf32, #tpu.memory_space<vmem>>) target_semaphore(%run_scoped3A : memref<!tpu.dma_semaphore, #tpu.memory_space<semaphore_mem>>)
      tpu.wait_dma2 semaphore(%run_scoped3A : memref<!tpu.dma_semaphore, #tpu.memory_space<semaphore_mem>>) src(%arg5 : memref<320x128xf32, #tpu.memory_space<hbm>>) dst(%arg10 : memref<320x128xf32, #tpu.memory_space<vmem>>)
      tpu.yield
    }) : () -> ()
    %mul3A_1 = arith.constant 320 : i32
    %mul3A_2 = arith.muli %arg1, %mul3A_1 : i32
    "tpu.region"() ({
      %run_scoped3A = tpu.sem_alloc : memref<!tpu.dma_semaphore, #tpu.memory_space<semaphore_mem>>
      %dma_start3A = arith.constant 0 : i32
      %dma_start3A_15 = tpu.memref_slice %arg11[%mul3A_2, %dma_start3A] : memref<5128x128xf32, #tpu.memory_space<vmem_shared>> -> memref<320x128xf32, #tpu.memory_space<vmem_shared>>
      %dma_start3A_16 = arith.constant 0 : i32
      %dma_start3A_17 = tpu.memref_slice %arg11[%mul3A_2, %dma_start3A_16] : memref<5128x128xf32, #tpu.memory_space<vmem_shared>> -> memref<320x128xf32, #tpu.memory_space<vmem_shared>>
      tpu.enqueue_dma source(%arg10 : memref<320x128xf32, #tpu.memory_space<vmem>>) target(%dma_start3A_17 : memref<320x128xf32, #tpu.memory_space<vmem_shared>>) target_semaphore(%run_scoped3A : memref<!tpu.dma_semaphore, #tpu.memory_space<semaphore_mem>>)
      %dma_wait3A = arith.constant 0 : i32
      %dma_wait3A_18 = tpu.memref_slice %arg11[%mul3A_2, %dma_wait3A] : memref<5128x128xf32, #tpu.memory_space<vmem_shared>> -> memref<320x128xf32, #tpu.memory_space<vmem_shared>>
      %dma_wait3A_19 = arith.constant 0 : i32
      %dma_wait3A_20 = tpu.memref_slice %arg11[%mul3A_2, %dma_wait3A_19] : memref<5128x128xf32, #tpu.memory_space<vmem_shared>> -> memref<320x128xf32, #tpu.memory_space<vmem_shared>>
      tpu.wait_dma2 semaphore(%run_scoped3A : memref<!tpu.dma_semaphore, #tpu.memory_space<semaphore_mem>>) src(%arg10 : memref<320x128xf32, #tpu.memory_space<vmem>>) dst(%dma_wait3A_20 : memref<320x128xf32, #tpu.memory_space<vmem_shared>>)
      tpu.yield
    }) : () -> ()
    %barrier3A = arith.constant 0 : index
    tpu.barrier barrier_id(%barrier3A)
    %mul3A_3 = arith.constant 20000 : i32
    %mul3A_4 = arith.muli %arg1, %mul3A_3 : i32
    %scan3A = arith.constant 0 : i32
    %scan3A_5 = arith.constant 0 : i32
    %scan3A_6 = arith.constant 250 : i32
    %scan3A_7 = arith.addi %scan3A_5, %scan3A_6 : i32
    %scan3A_8 = arith.constant 1 : i32
    scf.for %scan3A_15 = %scan3A_5 to %scan3A_7 step %scan3A_8  : i32 {
      %mul3A_16 = arith.constant 80 : i32
      %mul3A_17 = arith.muli %scan3A_15, %mul3A_16 : i32
      %add3A = arith.addi %mul3A_4, %mul3A_17 : i32
      "tpu.region"() ({
        %run_scoped3A = tpu.sem_alloc : memref<!tpu.dma_semaphore, #tpu.memory_space<semaphore_mem>>
        %dma_start3A_103 = tpu.memref_slice %arg3[%add3A] : memref<320000xi32, #tpu.memory_space<hbm>> -> memref<80xi32, #tpu.memory_space<hbm>>
        %dma_start3A_104 = tpu.memref_slice %arg3[%add3A] : memref<320000xi32, #tpu.memory_space<hbm>> -> memref<80xi32, #tpu.memory_space<hbm>>
        tpu.enqueue_dma source(%dma_start3A_104 : memref<80xi32, #tpu.memory_space<hbm>>) target(%arg7 : memref<80xi32, #tpu.memory_space<vmem>>) target_semaphore(%run_scoped3A : memref<!tpu.dma_semaphore, #tpu.memory_space<semaphore_mem>>)
        %dma_wait3A_105 = tpu.memref_slice %arg3[%add3A] : memref<320000xi32, #tpu.memory_space<hbm>> -> memref<80xi32, #tpu.memory_space<hbm>>
        %dma_wait3A_106 = tpu.memref_slice %arg3[%add3A] : memref<320000xi32, #tpu.memory_space<hbm>> -> memref<80xi32, #tpu.memory_space<hbm>>
        tpu.wait_dma2 semaphore(%run_scoped3A : memref<!tpu.dma_semaphore, #tpu.memory_space<semaphore_mem>>) src(%dma_wait3A_106 : memref<80xi32, #tpu.memory_space<hbm>>) dst(%arg7 : memref<80xi32, #tpu.memory_space<vmem>>)
        tpu.yield
      }) : () -> ()
      "tpu.region"() ({
        %run_scoped3A = tpu.sem_alloc : memref<!tpu.dma_semaphore, #tpu.memory_space<semaphore_mem>>
        %dma_start3A_103 = tpu.memref_slice %arg4[%add3A] : memref<320000xi32, #tpu.memory_space<hbm>> -> memref<80xi32, #tpu.memory_space<hbm>>
        %dma_start3A_104 = tpu.memref_slice %arg4[%add3A] : memref<320000xi32, #tpu.memory_space<hbm>> -> memref<80xi32, #tpu.memory_space<hbm>>
        tpu.enqueue_dma source(%dma_start3A_104 : memref<80xi32, #tpu.memory_space<hbm>>) target(%arg8 : memref<80xi32, #tpu.memory_space<vmem>>) target_semaphore(%run_scoped3A : memref<!tpu.dma_semaphore, #tpu.memory_space<semaphore_mem>>)
        %dma_wait3A_105 = tpu.memref_slice %arg4[%add3A] : memref<320000xi32, #tpu.memory_space<hbm>> -> memref<80xi32, #tpu.memory_space<hbm>>
        %dma_wait3A_106 = tpu.memref_slice %arg4[%add3A] : memref<320000xi32, #tpu.memory_space<hbm>> -> memref<80xi32, #tpu.memory_space<hbm>>
        tpu.wait_dma2 semaphore(%run_scoped3A : memref<!tpu.dma_semaphore, #tpu.memory_space<semaphore_mem>>) src(%dma_wait3A_106 : memref<80xi32, #tpu.memory_space<hbm>>) dst(%arg8 : memref<80xi32, #tpu.memory_space<vmem>>)
        tpu.yield
      }) : () -> ()
      %get3A = arith.constant 0 : index
      %get3A_18 = tpu.vector_load %arg8[%get3A] {strides = array<i32>} : memref<80xi32, #tpu.memory_space<vmem>>, vector<16xi32>,
      %sub3A = vector.broadcast %mul3A_0 : i32 to vector<16xi32>
      %sub3A_19 = arith.subi %get3A_18, %sub3A : vector<16xi32>
      %lt3A = arith.constant 0 : i32
      %lt3A_20 = vector.broadcast %lt3A : i32 to vector<16xi32>
      %lt3A_21 = arith.cmpi slt, %sub3A_19, %lt3A_20 : vector<16xi32>
      %ge3A = arith.constant 5120 : i32
      %ge3A_22 = vector.broadcast %ge3A : i32 to vector<16xi32>
      %ge3A_23 = arith.cmpi sge, %sub3A_19, %ge3A_22 : vector<16xi32>
      %or3A = arith.ori %lt3A_21, %ge3A_23 : vector<16xi1>
      %jit3A = arith.constant 5120 : i32
      %broadcast_in_dim3A = vector.broadcast %jit3A : i32 to vector<16xi32>
      %select_n3A = arith.select %or3A, %broadcast_in_dim3A, %sub3A_19 : vector<16xi1>, vector<16xi32>
      %swap3A = arith.constant 0 : index
      %swap3A_24 = tpu.vector_load %arg8[%swap3A] {strides = array<i32>} : memref<80xi32, #tpu.memory_space<vmem>>, vector<16xi32>,
      %swap3A_25 = vector.shape_cast %swap3A_24 : vector<16xi32> to vector<16xi32>
      %swap3A_26 = vector.shape_cast %select_n3A : vector<16xi32> to vector<16xi32>
      tpu.vector_store %arg8[%swap3A], %swap3A_26 {strides = array<i32>} : memref<80xi32, #tpu.memory_space<vmem>>, vector<16xi32>,
      %get3A_27 = arith.constant 16 : index
      %get3A_28 = tpu.vector_load %arg8[%get3A_27] {strides = array<i32>} : memref<80xi32, #tpu.memory_space<vmem>>, vector<16xi32>,
      %sub3A_29 = vector.broadcast %mul3A_0 : i32 to vector<16xi32>
      %sub3A_30 = arith.subi %get3A_28, %sub3A_29 : vector<16xi32>
      %lt3A_31 = arith.constant 0 : i32
      %lt3A_32 = vector.broadcast %lt3A_31 : i32 to vector<16xi32>
      %lt3A_33 = arith.cmpi slt, %sub3A_30, %lt3A_32 : vector<16xi32>
      %ge3A_34 = arith.constant 5120 : i32
      %ge3A_35 = vector.broadcast %ge3A_34 : i32 to vector<16xi32>
      %ge3A_36 = arith.cmpi sge, %sub3A_30, %ge3A_35 : vector<16xi32>
      %or3A_37 = arith.ori %lt3A_33, %ge3A_36 : vector<16xi1>
      %jit3A_38 = arith.constant 5120 : i32
      %broadcast_in_dim3A_39 = vector.broadcast %jit3A_38 : i32 to vector<16xi32>
      %select_n3A_40 = arith.select %or3A_37, %broadcast_in_dim3A_39, %sub3A_30 : vector<16xi1>, vector<16xi32>
      %swap3A_41 = arith.constant 16 : index
      %swap3A_42 = tpu.vector_load %arg8[%swap3A_41] {strides = array<i32>} : memref<80xi32, #tpu.memory_space<vmem>>, vector<16xi32>,
      %swap3A_43 = vector.shape_cast %swap3A_42 : vector<16xi32> to vector<16xi32>
      %swap3A_44 = vector.shape_cast %select_n3A_40 : vector<16xi32> to vector<16xi32>
      tpu.vector_store %arg8[%swap3A_41], %swap3A_44 {strides = array<i32>} : memref<80xi32, #tpu.memory_space<vmem>>, vector<16xi32>,
      %get3A_45 = arith.constant 32 : index
      %get3A_46 = tpu.vector_load %arg8[%get3A_45] {strides = array<i32>} : memref<80xi32, #tpu.memory_space<vmem>>, vector<16xi32>,
      %sub3A_47 = vector.broadcast %mul3A_0 : i32 to vector<16xi32>
      %sub3A_48 = arith.subi %get3A_46, %sub3A_47 : vector<16xi32>
      %lt3A_49 = arith.constant 0 : i32
      %lt3A_50 = vector.broadcast %lt3A_49 : i32 to vector<16xi32>
      %lt3A_51 = arith.cmpi slt, %sub3A_48, %lt3A_50 : vector<16xi32>
      %ge3A_52 = arith.constant 5120 : i32
      %ge3A_53 = vector.broadcast %ge3A_52 : i32 to vector<16xi32>
      %ge3A_54 = arith.cmpi sge, %sub3A_48, %ge3A_53 : vector<16xi32>
      %or3A_55 = arith.ori %lt3A_51, %ge3A_54 : vector<16xi1>
      %jit3A_56 = arith.constant 5120 : i32
      %broadcast_in_dim3A_57 = vector.broadcast %jit3A_56 : i32 to vector<16xi32>
      %select_n3A_58 = arith.select %or3A_55, %broadcast_in_dim3A_57, %sub3A_48 : vector<16xi1>, vector<16xi32>
      %swap3A_59 = arith.constant 32 : index
      %swap3A_60 = tpu.vector_load %arg8[%swap3A_59] {strides = array<i32>} : memref<80xi32, #tpu.memory_space<vmem>>, vector<16xi32>,
      %swap3A_61 = vector.shape_cast %swap3A_60 : vector<16xi32> to vector<16xi32>
      %swap3A_62 = vector.shape_cast %select_n3A_58 : vector<16xi32> to vector<16xi32>
      tpu.vector_store %arg8[%swap3A_59], %swap3A_62 {strides = array<i32>} : memref<80xi32, #tpu.memory_space<vmem>>, vector<16xi32>,
      %get3A_63 = arith.constant 48 : index
      %get3A_64 = tpu.vector_load %arg8[%get3A_63] {strides = array<i32>} : memref<80xi32, #tpu.memory_space<vmem>>, vector<16xi32>,
      %sub3A_65 = vector.broadcast %mul3A_0 : i32 to vector<16xi32>
      %sub3A_66 = arith.subi %get3A_64, %sub3A_65 : vector<16xi32>
      %lt3A_67 = arith.constant 0 : i32
      %lt3A_68 = vector.broadcast %lt3A_67 : i32 to vector<16xi32>
      %lt3A_69 = arith.cmpi slt, %sub3A_66, %lt3A_68 : vector<16xi32>
      %ge3A_70 = arith.constant 5120 : i32
      %ge3A_71 = vector.broadcast %ge3A_70 : i32 to vector<16xi32>
      %ge3A_72 = arith.cmpi sge, %sub3A_66, %ge3A_71 : vector<16xi32>
      %or3A_73 = arith.ori %lt3A_69, %ge3A_72 : vector<16xi1>
      %jit3A_74 = arith.constant 5120 : i32
      %broadcast_in_dim3A_75 = vector.broadcast %jit3A_74 : i32 to vector<16xi32>
      %select_n3A_76 = arith.select %or3A_73, %broadcast_in_dim3A_75, %sub3A_66 : vector<16xi1>, vector<16xi32>
      %swap3A_77 = arith.constant 48 : index
      %swap3A_78 = tpu.vector_load %arg8[%swap3A_77] {strides = array<i32>} : memref<80xi32, #tpu.memory_space<vmem>>, vector<16xi32>,
      %swap3A_79 = vector.shape_cast %swap3A_78 : vector<16xi32> to vector<16xi32>
      %swap3A_80 = vector.shape_cast %select_n3A_76 : vector<16xi32> to vector<16xi32>
      tpu.vector_store %arg8[%swap3A_77], %swap3A_80 {strides = array<i32>} : memref<80xi32, #tpu.memory_space<vmem>>, vector<16xi32>,
      %get3A_81 = arith.constant 64 : index
      %get3A_82 = tpu.vector_load %arg8[%get3A_81] {strides = array<i32>} : memref<80xi32, #tpu.memory_space<vmem>>, vector<16xi32>,
      %sub3A_83 = vector.broadcast %mul3A_0 : i32 to vector<16xi32>
      %sub3A_84 = arith.subi %get3A_82, %sub3A_83 : vector<16xi32>
      %lt3A_85 = arith.constant 0 : i32
      %lt3A_86 = vector.broadcast %lt3A_85 : i32 to vector<16xi32>
      %lt3A_87 = arith.cmpi slt, %sub3A_84, %lt3A_86 : vector<16xi32>
      %ge3A_88 = arith.constant 5120 : i32
      %ge3A_89 = vector.broadcast %ge3A_88 : i32 to vector<16xi32>
      %ge3A_90 = arith.cmpi sge, %sub3A_84, %ge3A_89 : vector<16xi32>
      %or3A_91 = arith.ori %lt3A_87, %ge3A_90 : vector<16xi1>
      %jit3A_92 = arith.constant 5120 : i32
      %broadcast_in_dim3A_93 = vector.broadcast %jit3A_92 : i32 to vector<16xi32>
      %select_n3A_94 = arith.select %or3A_91, %broadcast_in_dim3A_93, %sub3A_84 : vector<16xi1>, vector<16xi32>
      %swap3A_95 = arith.constant 64 : index
      %swap3A_96 = tpu.vector_load %arg8[%swap3A_95] {strides = array<i32>} : memref<80xi32, #tpu.memory_space<vmem>>, vector<16xi32>,
      %swap3A_97 = vector.shape_cast %swap3A_96 : vector<16xi32> to vector<16xi32>
      %swap3A_98 = vector.shape_cast %select_n3A_94 : vector<16xi32> to vector<16xi32>
      tpu.vector_store %arg8[%swap3A_95], %swap3A_98 {strides = array<i32>} : memref<80xi32, #tpu.memory_space<vmem>>, vector<16xi32>,
      %dma_start3A = arith.constant 0 : i32
      %dma_start3A_99 = arith.constant 0 : i32
      %dma_start3A_100 = tpu.memref_slice %arg2[%dma_start3A, %dma_start3A_99] : memref<10240x128xf32, #tpu.memory_space<hbm>> -> memref<10240x128xf32, #tpu.memory_space<hbm>>
      tpu.enqueue_indirect_dma source(%dma_start3A_100 : memref<10240x128xf32, #tpu.memory_space<hbm>>) target(%arg9 : memref<80x128xf32, #tpu.memory_space<vmem>>) offsets(%arg7 : memref<80xi32, #tpu.memory_space<vmem>>) semaphore(%arg12 : memref<!tpu.dma_semaphore, #tpu.memory_space<semaphore_mem>>)
      %dma_wait3A = arith.constant 0 : i32
      %dma_wait3A_101 = arith.constant 0 : i32
      %dma_wait3A_102 = tpu.memref_slice %arg2[%dma_wait3A, %dma_wait3A_101] : memref<10240x128xf32, #tpu.memory_space<hbm>> -> memref<10240x128xf32, #tpu.memory_space<hbm>>
      tpu.wait_indirect_dma semaphore(%arg12 : memref<!tpu.dma_semaphore, #tpu.memory_space<semaphore_mem>>) src(%dma_wait3A_102 : memref<10240x128xf32, #tpu.memory_space<hbm>>) dst(%arg9 : memref<80x128xf32, #tpu.memory_space<vmem>>)
      "tpu.region"() ({
        %run_scoped3A = tpu.sem_alloc : memref<!tpu.dma_semaphore, #tpu.memory_space<semaphore_mem>>
        %dma_start3A_103 = arith.constant 0 : i32
        %dma_start3A_104 = arith.constant 0 : i32
        %dma_start3A_105 = tpu.memref_slice %arg11[%dma_start3A_103, %dma_start3A_104] : memref<5128x128xf32, #tpu.memory_space<vmem_shared>> -> memref<5128x128xf32, #tpu.memory_space<vmem_shared>>
        tpu.enqueue_indirect_dma source(%arg9 : memref<80x128xf32, #tpu.memory_space<vmem>>) target(%dma_start3A_105 : memref<5128x128xf32, #tpu.memory_space<vmem_shared>>) offsets(%arg8 : memref<80xi32, #tpu.memory_space<vmem>>) semaphore(%run_scoped3A : memref<!tpu.dma_semaphore, #tpu.memory_space<semaphore_mem>>) {add = true}
        %dma_wait3A_106 = arith.constant 0 : i32
        %dma_wait3A_107 = arith.constant 0 : i32
        %dma_wait3A_108 = tpu.memref_slice %arg11[%dma_wait3A_106, %dma_wait3A_107] : memref<5128x128xf32, #tpu.memory_space<vmem_shared>> -> memref<5128x128xf32, #tpu.memory_space<vmem_shared>>
        tpu.wait_indirect_dma semaphore(%run_scoped3A : memref<!tpu.dma_semaphore, #tpu.memory_space<semaphore_mem>>) src(%arg9 : memref<80x128xf32, #tpu.memory_space<vmem>>) dst(%dma_wait3A_108 : memref<5128x128xf32, #tpu.memory_space<vmem_shared>>)
        tpu.yield
      }) : () -> ()
    }
    %scan3A_9 = arith.constant 250 : i32
    %barrier3A_10 = arith.constant 0 : index
    tpu.barrier barrier_id(%barrier3A_10)
    %mul3A_11 = arith.constant 320 : i32
    %mul3A_12 = arith.muli %arg1, %mul3A_11 : i32
    "tpu.region"() ({
      %run_scoped3A = tpu.sem_alloc : memref<!tpu.dma_semaphore, #tpu.memory_space<semaphore_mem>>
      %dma_start3A = arith.constant 0 : i32
      %dma_start3A_15 = tpu.memref_slice %arg11[%mul3A_12, %dma_start3A] : memref<5128x128xf32, #tpu.memory_space<vmem_shared>> -> memref<320x128xf32, #tpu.memory_space<vmem_shared>>
      %dma_start3A_16 = arith.constant 0 : i32
      %dma_start3A_17 = tpu.memref_slice %arg11[%mul3A_12, %dma_start3A_16] : memref<5128x128xf32, #tpu.memory_space<vmem_shared>> -> memref<320x128xf32, #tpu.memory_space<vmem_shared>>
      tpu.enqueue_dma source(%dma_start3A_17 : memref<320x128xf32, #tpu.memory_space<vmem_shared>>) target(%arg10 : memref<320x128xf32, #tpu.memory_space<vmem>>) target_semaphore(%run_scoped3A : memref<!tpu.dma_semaphore, #tpu.memory_space<semaphore_mem>>)
      %dma_wait3A = arith.constant 0 : i32
      %dma_wait3A_18 = tpu.memref_slice %arg11[%mul3A_12, %dma_wait3A] : memref<5128x128xf32, #tpu.memory_space<vmem_shared>> -> memref<320x128xf32, #tpu.memory_space<vmem_shared>>
      %dma_wait3A_19 = arith.constant 0 : i32
      %dma_wait3A_20 = tpu.memref_slice %arg11[%mul3A_12, %dma_wait3A_19] : memref<5128x128xf32, #tpu.memory_space<vmem_shared>> -> memref<320x128xf32, #tpu.memory_space<vmem_shared>>
      tpu.wait_dma2 semaphore(%run_scoped3A : memref<!tpu.dma_semaphore, #tpu.memory_space<semaphore_mem>>) src(%dma_wait3A_20 : memref<320x128xf32, #tpu.memory_space<vmem_shared>>) dst(%arg10 : memref<320x128xf32, #tpu.memory_space<vmem>>)
      tpu.yield
    }) : () -> ()
    %mul3A_13 = arith.constant 320 : i32
    %mul3A_14 = arith.muli %arg1, %mul3A_13 : i32
    "tpu.region"() ({
      %run_scoped3A = tpu.sem_alloc : memref<!tpu.dma_semaphore, #tpu.memory_space<semaphore_mem>>
      %dma_start3A = arith.constant 0 : i32
      %dma_start3A_15 = tpu.memref_slice %arg6[%arg0, %mul3A_14, %dma_start3A] : memref<2x5120x128xf32, #tpu.memory_space<hbm>> -> memref<1x320x128xf32, #tpu.memory_space<hbm>>
      %dma_start3A_16 = tpu.memref_squeeze %dma_start3A_15 : memref<1x320x128xf32, #tpu.memory_space<hbm>> -> memref<320x128xf32, #tpu.memory_space<hbm>>
      %dma_start3A_17 = arith.constant 0 : i32
      %dma_start3A_18 = tpu.memref_slice %arg6[%arg0, %mul3A_14, %dma_start3A_17] : memref<2x5120x128xf32, #tpu.memory_space<hbm>> -> memref<1x320x128xf32, #tpu.memory_space<hbm>>
      %dma_start3A_19 = tpu.memref_squeeze %dma_start3A_18 : memref<1x320x128xf32, #tpu.memory_space<hbm>> -> memref<320x128xf32, #tpu.memory_space<hbm>>
      tpu.enqueue_dma source(%arg10 : memref<320x128xf32, #tpu.memory_space<vmem>>) target(%dma_start3A_19 : memref<320x128xf32, #tpu.memory_space<hbm>>) target_semaphore(%run_scoped3A : memref<!tpu.dma_semaphore, #tpu.memory_space<semaphore_mem>>)
      %dma_wait3A = arith.constant 0 : i32
      %dma_wait3A_20 = tpu.memref_slice %arg6[%arg0, %mul3A_14, %dma_wait3A] : memref<2x5120x128xf32, #tpu.memory_space<hbm>> -> memref<1x320x128xf32, #tpu.memory_space<hbm>>
      %dma_wait3A_21 = tpu.memref_squeeze %dma_wait3A_20 : memref<1x320x128xf32, #tpu.memory_space<hbm>> -> memref<320x128xf32, #tpu.memory_space<hbm>>
      %dma_wait3A_22 = arith.constant 0 : i32
      %dma_wait3A_23 = tpu.memref_slice %arg6[%arg0, %mul3A_14, %dma_wait3A_22] : memref<2x5120x128xf32, #tpu.memory_space<hbm>> -> memref<1x320x128xf32, #tpu.memory_space<hbm>>
      %dma_wait3A_24 = tpu.memref_squeeze %dma_wait3A_23 : memref<1x320x128xf32, #tpu.memory_space<hbm>> -> memref<320x128xf32, #tpu.memory_space<hbm>>
      tpu.wait_dma2 semaphore(%run_scoped3A : memref<!tpu.dma_semaphore, #tpu.memory_space<semaphore_mem>>) src(%arg10 : memref<320x128xf32, #tpu.memory_space<vmem>>) dst(%dma_wait3A_24 : memref<320x128xf32, #tpu.memory_space<hbm>>)
      tpu.yield
    }) : () -> ()
    return
  }
}

#map = affine_map<(d0, d1) -> (0, 0)>
#map1 = affine_map<(d0, d1) -> (0)>
#map2 = affine_map<(d0, d1) -> (0, 0, 0)>
module attributes {stable_mosaic.version = 14 : i64} {
  func.func @k(%arg0: i32, %arg1: i32, %arg2: memref<10240x128xf32, #tpu.memory_space<hbm>>, %arg3: memref<320000xi32, #tpu.memory_space<hbm>>, %arg4: memref<320000xi32, #tpu.memory_space<hbm>>, %arg5: memref<320x128xf32, #tpu.memory_space<hbm>>, %arg6: memref<2x5120x128xf32, #tpu.memory_space<hbm>>, %arg7: memref<80xi32, #tpu.memory_space<vmem>>, %arg8: memref<80xi32, #tpu.memory_space<vmem>>, %arg9: memref<80x128xf32, #tpu.memory_space<vmem>>, %arg10: memref<320x128xf32, #tpu.memory_space<vmem>>, %arg11: memref<5128x128xf32, #tpu.memory_space<vmem_shared>>, %arg12: memref<!tpu.dma_semaphore, #tpu.memory_space<semaphore_mem>>) attributes {dimension_semantics = [#tpu.dimension_semantics<core_parallel>, #tpu.dimension_semantics<subcore_parallel>], iteration_bounds = array<i64: 2, 16>, scalar_prefetch = 0 : i64, scratch_operands = 6 : i64, tpu.core_type = #tpu.core_type<sc_vector_subcore>, window_params = [{transform_indices = #map}, {transform_indices = #map1}, {transform_indices = #map1}, {transform_indices = #map}, {transform_indices = #map2}]} {
    %mul3A = arith.constant 5120 : i32
    %mul3A_0 = arith.muli %arg0, %mul3A : i32
    "tpu.region"() ({
      %run_scoped3A = tpu.sem_alloc : memref<!tpu.dma_semaphore, #tpu.memory_space<semaphore_mem>>
      tpu.enqueue_dma source(%arg5 : memref<320x128xf32, #tpu.memory_space<hbm>>) target(%arg10 : memref<320x128xf32, #tpu.memory_space<vmem>>) target_semaphore(%run_scoped3A : memref<!tpu.dma_semaphore, #tpu.memory_space<semaphore_mem>>)
      tpu.wait_dma2 semaphore(%run_scoped3A : memref<!tpu.dma_semaphore, #tpu.memory_space<semaphore_mem>>) src(%arg5 : memref<320x128xf32, #tpu.memory_space<hbm>>) dst(%arg10 : memref<320x128xf32, #tpu.memory_space<vmem>>)
      tpu.yield
    }) : () -> ()
    %mul3A_1 = arith.constant 320 : i32
    %mul3A_2 = arith.muli %arg1, %mul3A_1 : i32
    "tpu.region"() ({
      %run_scoped3A = tpu.sem_alloc : memref<!tpu.dma_semaphore, #tpu.memory_space<semaphore_mem>>
      %dma_start3A = arith.constant 0 : i32
      %dma_start3A_15 = tpu.memref_slice %arg11[%mul3A_2, %dma_start3A] : memref<5128x128xf32, #tpu.memory_space<vmem_shared>> -> memref<320x128xf32, #tpu.memory_space<vmem_shared>>
      %dma_start3A_16 = arith.constant 0 : i32
      %dma_start3A_17 = tpu.memref_slice %arg11[%mul3A_2, %dma_start3A_16] : memref<5128x128xf32, #tpu.memory_space<vmem_shared>> -> memref<320x128xf32, #tpu.memory_space<vmem_shared>>
      tpu.enqueue_dma source(%arg10 : memref<320x128xf32, #tpu.memory_space<vmem>>) target(%dma_start3A_17 : memref<320x128xf32, #tpu.memory_space<vmem_shared>>) target_semaphore(%run_scoped3A : memref<!tpu.dma_semaphore, #tpu.memory_space<semaphore_mem>>)
      %dma_wait3A = arith.constant 0 : i32
      %dma_wait3A_18 = tpu.memref_slice %arg11[%mul3A_2, %dma_wait3A] : memref<5128x128xf32, #tpu.memory_space<vmem_shared>> -> memref<320x128xf32, #tpu.memory_space<vmem_shared>>
      %dma_wait3A_19 = arith.constant 0 : i32
      %dma_wait3A_20 = tpu.memref_slice %arg11[%mul3A_2, %dma_wait3A_19] : memref<5128x128xf32, #tpu.memory_space<vmem_shared>> -> memref<320x128xf32, #tpu.memory_space<vmem_shared>>
      tpu.wait_dma2 semaphore(%run_scoped3A : memref<!tpu.dma_semaphore, #tpu.memory_space<semaphore_mem>>) src(%arg10 : memref<320x128xf32, #tpu.memory_space<vmem>>) dst(%dma_wait3A_20 : memref<320x128xf32, #tpu.memory_space<vmem_shared>>)
      tpu.yield
    }) : () -> ()
    %barrier3A = arith.constant 0 : index
    tpu.barrier barrier_id(%barrier3A)
    %mul3A_3 = arith.constant 20000 : i32
    %mul3A_4 = arith.muli %arg1, %mul3A_3 : i32
    %scan3A = arith.constant 0 : i32
    %scan3A_5 = arith.constant 0 : i32
    %scan3A_6 = arith.constant 250 : i32
    %scan3A_7 = arith.addi %scan3A_5, %scan3A_6 : i32
    %scan3A_8 = arith.constant 1 : i32
    scf.for %scan3A_15 = %scan3A_5 to %scan3A_7 step %scan3A_8  : i32 {
      %mul3A_16 = arith.constant 80 : i32
      %mul3A_17 = arith.muli %scan3A_15, %mul3A_16 : i32
      %add3A = arith.addi %mul3A_4, %mul3A_17 : i32
      "tpu.region"() ({
        %run_scoped3A = tpu.sem_alloc : memref<!tpu.dma_semaphore, #tpu.memory_space<semaphore_mem>>
        %dma_start3A_103 = tpu.memref_slice %arg3[%add3A] : memref<320000xi32, #tpu.memory_space<hbm>> -> memref<80xi32, #tpu.memory_space<hbm>>
        %dma_start3A_104 = tpu.memref_slice %arg3[%add3A] : memref<320000xi32, #tpu.memory_space<hbm>> -> memref<80xi32, #tpu.memory_space<hbm>>
        tpu.enqueue_dma source(%dma_start3A_104 : memref<80xi32, #tpu.memory_space<hbm>>) target(%arg7 : memref<80xi32, #tpu.memory_space<vmem>>) target_semaphore(%run_scoped3A : memref<!tpu.dma_semaphore, #tpu.memory_space<semaphore_mem>>)
        %dma_wait3A_105 = tpu.memref_slice %arg3[%add3A] : memref<320000xi32, #tpu.memory_space<hbm>> -> memref<80xi32, #tpu.memory_space<hbm>>
        %dma_wait3A_106 = tpu.memref_slice %arg3[%add3A] : memref<320000xi32, #tpu.memory_space<hbm>> -> memref<80xi32, #tpu.memory_space<hbm>>
        tpu.wait_dma2 semaphore(%run_scoped3A : memref<!tpu.dma_semaphore, #tpu.memory_space<semaphore_mem>>) src(%dma_wait3A_106 : memref<80xi32, #tpu.memory_space<hbm>>) dst(%arg7 : memref<80xi32, #tpu.memory_space<vmem>>)
        tpu.yield
      }) : () -> ()
      "tpu.region"() ({
        %run_scoped3A = tpu.sem_alloc : memref<!tpu.dma_semaphore, #tpu.memory_space<semaphore_mem>>
        %dma_start3A_103 = tpu.memref_slice %arg4[%add3A] : memref<320000xi32, #tpu.memory_space<hbm>> -> memref<80xi32, #tpu.memory_space<hbm>>
        %dma_start3A_104 = tpu.memref_slice %arg4[%add3A] : memref<320000xi32, #tpu.memory_space<hbm>> -> memref<80xi32, #tpu.memory_space<hbm>>
        tpu.enqueue_dma source(%dma_start3A_104 : memref<80xi32, #tpu.memory_space<hbm>>) target(%arg8 : memref<80xi32, #tpu.memory_space<vmem>>) target_semaphore(%run_scoped3A : memref<!tpu.dma_semaphore, #tpu.memory_space<semaphore_mem>>)
        %dma_wait3A_105 = tpu.memref_slice %arg4[%add3A] : memref<320000xi32, #tpu.memory_space<hbm>> -> memref<80xi32, #tpu.memory_space<hbm>>
        %dma_wait3A_106 = tpu.memref_slice %arg4[%add3A] : memref<320000xi32, #tpu.memory_space<hbm>> -> memref<80xi32, #tpu.memory_space<hbm>>
        tpu.wait_dma2 semaphore(%run_scoped3A : memref<!tpu.dma_semaphore, #tpu.memory_space<semaphore_mem>>) src(%dma_wait3A_106 : memref<80xi32, #tpu.memory_space<hbm>>) dst(%arg8 : memref<80xi32, #tpu.memory_space<vmem>>)
        tpu.yield
      }) : () -> ()
      %get3A = arith.constant 0 : index
      %get3A_18 = tpu.vector_load %arg8[%get3A] {strides = array<i32>} : memref<80xi32, #tpu.memory_space<vmem>>, vector<16xi32>,
      %sub3A = vector.broadcast %mul3A_0 : i32 to vector<16xi32>
      %sub3A_19 = arith.subi %get3A_18, %sub3A : vector<16xi32>
      %lt3A = arith.constant 0 : i32
      %lt3A_20 = vector.broadcast %lt3A : i32 to vector<16xi32>
      %lt3A_21 = arith.cmpi slt, %sub3A_19, %lt3A_20 : vector<16xi32>
      %ge3A = arith.constant 5120 : i32
      %ge3A_22 = vector.broadcast %ge3A : i32 to vector<16xi32>
      %ge3A_23 = arith.cmpi sge, %sub3A_19, %ge3A_22 : vector<16xi32>
      %or3A = arith.ori %lt3A_21, %ge3A_23 : vector<16xi1>
      %jit3A = arith.constant 5120 : i32
      %broadcast_in_dim3A = vector.broadcast %jit3A : i32 to vector<16xi32>
      %select_n3A = arith.select %or3A, %broadcast_in_dim3A, %sub3A_19 : vector<16xi1>, vector<16xi32>
      %swap3A = arith.constant 0 : index
      %swap3A_24 = tpu.vector_load %arg8[%swap3A] {strides = array<i32>} : memref<80xi32, #tpu.memory_space<vmem>>, vector<16xi32>,
      %swap3A_25 = vector.shape_cast %swap3A_24 : vector<16xi32> to vector<16xi32>
      %swap3A_26 = vector.shape_cast %select_n3A : vector<16xi32> to vector<16xi32>
      tpu.vector_store %arg8[%swap3A], %swap3A_26 {strides = array<i32>} : memref<80xi32, #tpu.memory_space<vmem>>, vector<16xi32>,
      %get3A_27 = arith.constant 16 : index
      %get3A_28 = tpu.vector_load %arg8[%get3A_27] {strides = array<i32>} : memref<80xi32, #tpu.memory_space<vmem>>, vector<16xi32>,
      %sub3A_29 = vector.broadcast %mul3A_0 : i32 to vector<16xi32>
      %sub3A_30 = arith.subi %get3A_28, %sub3A_29 : vector<16xi32>
      %lt3A_31 = arith.constant 0 : i32
      %lt3A_32 = vector.broadcast %lt3A_31 : i32 to vector<16xi32>
      %lt3A_33 = arith.cmpi slt, %sub3A_30, %lt3A_32 : vector<16xi32>
      %ge3A_34 = arith.constant 5120 : i32
      %ge3A_35 = vector.broadcast %ge3A_34 : i32 to vector<16xi32>
      %ge3A_36 = arith.cmpi sge, %sub3A_30, %ge3A_35 : vector<16xi32>
      %or3A_37 = arith.ori %lt3A_33, %ge3A_36 : vector<16xi1>
      %jit3A_38 = arith.constant 5120 : i32
      %broadcast_in_dim3A_39 = vector.broadcast %jit3A_38 : i32 to vector<16xi32>
      %select_n3A_40 = arith.select %or3A_37, %broadcast_in_dim3A_39, %sub3A_30 : vector<16xi1>, vector<16xi32>
      %swap3A_41 = arith.constant 16 : index
      %swap3A_42 = tpu.vector_load %arg8[%swap3A_41] {strides = array<i32>} : memref<80xi32, #tpu.memory_space<vmem>>, vector<16xi32>,
      %swap3A_43 = vector.shape_cast %swap3A_42 : vector<16xi32> to vector<16xi32>
      %swap3A_44 = vector.shape_cast %select_n3A_40 : vector<16xi32> to vector<16xi32>
      tpu.vector_store %arg8[%swap3A_41], %swap3A_44 {strides = array<i32>} : memref<80xi32, #tpu.memory_space<vmem>>, vector<16xi32>,
      %get3A_45 = arith.constant 32 : index
      %get3A_46 = tpu.vector_load %arg8[%get3A_45] {strides = array<i32>} : memref<80xi32, #tpu.memory_space<vmem>>, vector<16xi32>,
      %sub3A_47 = vector.broadcast %mul3A_0 : i32 to vector<16xi32>
      %sub3A_48 = arith.subi %get3A_46, %sub3A_47 : vector<16xi32>
      %lt3A_49 = arith.constant 0 : i32
      %lt3A_50 = vector.broadcast %lt3A_49 : i32 to vector<16xi32>
      %lt3A_51 = arith.cmpi slt, %sub3A_48, %lt3A_50 : vector<16xi32>
      %ge3A_52 = arith.constant 5120 : i32
      %ge3A_53 = vector.broadcast %ge3A_52 : i32 to vector<16xi32>
      %ge3A_54 = arith.cmpi sge, %sub3A_48, %ge3A_53 : vector<16xi32>
      %or3A_55 = arith.ori %lt3A_51, %ge3A_54 : vector<16xi1>
      %jit3A_56 = arith.constant 5120 : i32
      %broadcast_in_dim3A_57 = vector.broadcast %jit3A_56 : i32 to vector<16xi32>
      %select_n3A_58 = arith.select %or3A_55, %broadcast_in_dim3A_57, %sub3A_48 : vector<16xi1>, vector<16xi32>
      %swap3A_59 = arith.constant 32 : index
      %swap3A_60 = tpu.vector_load %arg8[%swap3A_59] {strides = array<i32>} : memref<80xi32, #tpu.memory_space<vmem>>, vector<16xi32>,
      %swap3A_61 = vector.shape_cast %swap3A_60 : vector<16xi32> to vector<16xi32>
      %swap3A_62 = vector.shape_cast %select_n3A_58 : vector<16xi32> to vector<16xi32>
      tpu.vector_store %arg8[%swap3A_59], %swap3A_62 {strides = array<i32>} : memref<80xi32, #tpu.memory_space<vmem>>, vector<16xi32>,
      %get3A_63 = arith.constant 48 : index
      %get3A_64 = tpu.vector_load %arg8[%get3A_63] {strides = array<i32>} : memref<80xi32, #tpu.memory_space<vmem>>, vector<16xi32>,
      %sub3A_65 = vector.broadcast %mul3A_0 : i32 to vector<16xi32>
      %sub3A_66 = arith.subi %get3A_64, %sub3A_65 : vector<16xi32>
      %lt3A_67 = arith.constant 0 : i32
      %lt3A_68 = vector.broadcast %lt3A_67 : i32 to vector<16xi32>
      %lt3A_69 = arith.cmpi slt, %sub3A_66, %lt3A_68 : vector<16xi32>
      %ge3A_70 = arith.constant 5120 : i32
      %ge3A_71 = vector.broadcast %ge3A_70 : i32 to vector<16xi32>
      %ge3A_72 = arith.cmpi sge, %sub3A_66, %ge3A_71 : vector<16xi32>
      %or3A_73 = arith.ori %lt3A_69, %ge3A_72 : vector<16xi1>
      %jit3A_74 = arith.constant 5120 : i32
      %broadcast_in_dim3A_75 = vector.broadcast %jit3A_74 : i32 to vector<16xi32>
      %select_n3A_76 = arith.select %or3A_73, %broadcast_in_dim3A_75, %sub3A_66 : vector<16xi1>, vector<16xi32>
      %swap3A_77 = arith.constant 48 : index
      %swap3A_78 = tpu.vector_load %arg8[%swap3A_77] {strides = array<i32>} : memref<80xi32, #tpu.memory_space<vmem>>, vector<16xi32>,
      %swap3A_79 = vector.shape_cast %swap3A_78 : vector<16xi32> to vector<16xi32>
      %swap3A_80 = vector.shape_cast %select_n3A_76 : vector<16xi32> to vector<16xi32>
      tpu.vector_store %arg8[%swap3A_77], %swap3A_80 {strides = array<i32>} : memref<80xi32, #tpu.memory_space<vmem>>, vector<16xi32>,
      %get3A_81 = arith.constant 64 : index
      %get3A_82 = tpu.vector_load %arg8[%get3A_81] {strides = array<i32>} : memref<80xi32, #tpu.memory_space<vmem>>, vector<16xi32>,
      %sub3A_83 = vector.broadcast %mul3A_0 : i32 to vector<16xi32>
      %sub3A_84 = arith.subi %get3A_82, %sub3A_83 : vector<16xi32>
      %lt3A_85 = arith.constant 0 : i32
      %lt3A_86 = vector.broadcast %lt3A_85 : i32 to vector<16xi32>
      %lt3A_87 = arith.cmpi slt, %sub3A_84, %lt3A_86 : vector<16xi32>
      %ge3A_88 = arith.constant 5120 : i32
      %ge3A_89 = vector.broadcast %ge3A_88 : i32 to vector<16xi32>
      %ge3A_90 = arith.cmpi sge, %sub3A_84, %ge3A_89 : vector<16xi32>
      %or3A_91 = arith.ori %lt3A_87, %ge3A_90 : vector<16xi1>
      %jit3A_92 = arith.constant 5120 : i32
      %broadcast_in_dim3A_93 = vector.broadcast %jit3A_92 : i32 to vector<16xi32>
      %select_n3A_94 = arith.select %or3A_91, %broadcast_in_dim3A_93, %sub3A_84 : vector<16xi1>, vector<16xi32>
      %swap3A_95 = arith.constant 64 : index
      %swap3A_96 = tpu.vector_load %arg8[%swap3A_95] {strides = array<i32>} : memref<80xi32, #tpu.memory_space<vmem>>, vector<16xi32>,
      %swap3A_97 = vector.shape_cast %swap3A_96 : vector<16xi32> to vector<16xi32>
      %swap3A_98 = vector.shape_cast %select_n3A_94 : vector<16xi32> to vector<16xi32>
      tpu.vector_store %arg8[%swap3A_95], %swap3A_98 {strides = array<i32>} : memref<80xi32, #tpu.memory_space<vmem>>, vector<16xi32>,
      %dma_start3A = arith.constant 0 : i32
      %dma_start3A_99 = arith.constant 0 : i32
      %dma_start3A_100 = tpu.memref_slice %arg2[%dma_start3A, %dma_start3A_99] : memref<10240x128xf32, #tpu.memory_space<hbm>> -> memref<10240x128xf32, #tpu.memory_space<hbm>>
      tpu.enqueue_indirect_dma source(%dma_start3A_100 : memref<10240x128xf32, #tpu.memory_space<hbm>>) target(%arg9 : memref<80x128xf32, #tpu.memory_space<vmem>>) offsets(%arg7 : memref<80xi32, #tpu.memory_space<vmem>>) semaphore(%arg12 : memref<!tpu.dma_semaphore, #tpu.memory_space<semaphore_mem>>)
      %dma_wait3A = arith.constant 0 : i32
      %dma_wait3A_101 = arith.constant 0 : i32
      %dma_wait3A_102 = tpu.memref_slice %arg2[%dma_wait3A, %dma_wait3A_101] : memref<10240x128xf32, #tpu.memory_space<hbm>> -> memref<10240x128xf32, #tpu.memory_space<hbm>>
      tpu.wait_indirect_dma semaphore(%arg12 : memref<!tpu.dma_semaphore, #tpu.memory_space<semaphore_mem>>) src(%dma_wait3A_102 : memref<10240x128xf32, #tpu.memory_space<hbm>>) dst(%arg9 : memref<80x128xf32, #tpu.memory_space<vmem>>)
      "tpu.region"() ({
        %run_scoped3A = tpu.sem_alloc : memref<!tpu.dma_semaphore, #tpu.memory_space<semaphore_mem>>
        %dma_start3A_103 = arith.constant 0 : i32
        %dma_start3A_104 = arith.constant 0 : i32
        %dma_start3A_105 = tpu.memref_slice %arg11[%dma_start3A_103, %dma_start3A_104] : memref<5128x128xf32, #tpu.memory_space<vmem_shared>> -> memref<5128x128xf32, #tpu.memory_space<vmem_shared>>
        tpu.enqueue_indirect_dma source(%arg9 : memref<80x128xf32, #tpu.memory_space<vmem>>) target(%dma_start3A_105 : memref<5128x128xf32, #tpu.memory_space<vmem_shared>>) offsets(%arg8 : memref<80xi32, #tpu.memory_space<vmem>>) semaphore(%run_scoped3A : memref<!tpu.dma_semaphore, #tpu.memory_space<semaphore_mem>>) {add = true}
        %dma_wait3A_106 = arith.constant 0 : i32
        %dma_wait3A_107 = arith.constant 0 : i32
        %dma_wait3A_108 = tpu.memref_slice %arg11[%dma_wait3A_106, %dma_wait3A_107] : memref<5128x128xf32, #tpu.memory_space<vmem_shared>> -> memref<5128x128xf32, #tpu.memory_space<vmem_shared>>
        tpu.wait_indirect_dma semaphore(%run_scoped3A : memref<!tpu.dma_semaphore, #tpu.memory_space<semaphore_mem>>) src(%arg9 : memref<80x128xf32, #tpu.memory_space<vmem>>) dst(%dma_wait3A_108 : memref<5128x128xf32, #tpu.memory_space<vmem_shared>>)
        tpu.yield
      }) : () -> ()
    }
    %scan3A_9 = arith.constant 250 : i32
    %barrier3A_10 = arith.constant 0 : index
    tpu.barrier barrier_id(%barrier3A_10)
    %mul3A_11 = arith.constant 320 : i32
    %mul3A_12 = arith.muli %arg1, %mul3A_11 : i32
    "tpu.region"() ({
      %run_scoped3A = tpu.sem_alloc : memref<!tpu.dma_semaphore, #tpu.memory_space<semaphore_mem>>
      %dma_start3A = arith.constant 0 : i32
      %dma_start3A_15 = tpu.memref_slice %arg11[%mul3A_12, %dma_start3A] : memref<5128x128xf32, #tpu.memory_space<vmem_shared>> -> memref<320x128xf32, #tpu.memory_space<vmem_shared>>
      %dma_start3A_16 = arith.constant 0 : i32
      %dma_start3A_17 = tpu.memref_slice %arg11[%mul3A_12, %dma_start3A_16] : memref<5128x128xf32, #tpu.memory_space<vmem_shared>> -> memref<320x128xf32, #tpu.memory_space<vmem_shared>>
      tpu.enqueue_dma source(%dma_start3A_17 : memref<320x128xf32, #tpu.memory_space<vmem_shared>>) target(%arg10 : memref<320x128xf32, #tpu.memory_space<vmem>>) target_semaphore(%run_scoped3A : memref<!tpu.dma_semaphore, #tpu.memory_space<semaphore_mem>>)
      %dma_wait3A = arith.constant 0 : i32
      %dma_wait3A_18 = tpu.memref_slice %arg11[%mul3A_12, %dma_wait3A] : memref<5128x128xf32, #tpu.memory_space<vmem_shared>> -> memref<320x128xf32, #tpu.memory_space<vmem_shared>>
      %dma_wait3A_19 = arith.constant 0 : i32
      %dma_wait3A_20 = tpu.memref_slice %arg11[%mul3A_12, %dma_wait3A_19] : memref<5128x128xf32, #tpu.memory_space<vmem_shared>> -> memref<320x128xf32, #tpu.memory_space<vmem_shared>>
      tpu.wait_dma2 semaphore(%run_scoped3A : memref<!tpu.dma_semaphore, #tpu.memory_space<semaphore_mem>>) src(%dma_wait3A_20 : memref<320x128xf32, #tpu.memory_space<vmem_shared>>) dst(%arg10 : memref<320x128xf32, #tpu.memory_space<vmem>>)
      tpu.yield
    }) : () -> ()
    %mul3A_13 = arith.constant 320 : i32
    %mul3A_14 = arith.muli %arg1, %mul3A_13 : i32
    "tpu.region"() ({
      %run_scoped3A = tpu.sem_alloc : memref<!tpu.dma_semaphore, #tpu.memory_space<semaphore_mem>>
      %dma_start3A = arith.constant 0 : i32
      %dma_start3A_15 = tpu.memref_slice %arg6[%arg0, %mul3A_14, %dma_start3A] : memref<2x5120x128xf32, #tpu.memory_space<hbm>> -> memref<1x320x128xf32, #tpu.memory_space<hbm>>
      %dma_start3A_16 = tpu.memref_squeeze %dma_start3A_15 : memref<1x320x128xf32, #tpu.memory_space<hbm>> -> memref<320x128xf32, #tpu.memory_space<hbm>>
      %dma_start3A_17 = arith.constant 0 : i32
      %dma_start3A_18 = tpu.memref_slice %arg6[%arg0, %mul3A_14, %dma_start3A_17] : memref<2x5120x128xf32, #tpu.memory_space<hbm>> -> memref<1x320x128xf32, #tpu.memory_space<hbm>>
      %dma_start3A_19 = tpu.memref_squeeze %dma_start3A_18 : memref<1x320x128xf32, #tpu.memory_space<hbm>> -> memref<320x128xf32, #tpu.memory_space<hbm>>
      tpu.enqueue_dma source(%arg10 : memref<320x128xf32, #tpu.memory_space<vmem>>) target(%dma_start3A_19 : memref<320x128xf32, #tpu.memory_space<hbm>>) target_semaphore(%run_scoped3A : memref<!tpu.dma_semaphore, #tpu.memory_space<semaphore_mem>>)
      %dma_wait3A = arith.constant 0 : i32
      %dma_wait3A_20 = tpu.memref_slice %arg6[%arg0, %mul3A_14, %dma_wait3A] : memref<2x5120x128xf32, #tpu.memory_space<hbm>> -> memref<1x320x128xf32, #tpu.memory_space<hbm>>
      %dma_wait3A_21 = tpu.memref_squeeze %dma_wait3A_20 : memref<1x320x128xf32, #tpu.memory_space<hbm>> -> memref<320x128xf32, #tpu.memory_space<hbm>>
      %dma_wait3A_22 = arith.constant 0 : i32
      %dma_wait3A_23 = tpu.memref_slice %arg6[%arg0, %mul3A_14, %dma_wait3A_22] : memref<2x5120x128xf32, #tpu.memory_space<hbm>> -> memref<1x320x128xf32, #tpu.memory_space<hbm>>
      %dma_wait3A_24 = tpu.memref_squeeze %dma_wait3A_23 : memref<1x320x128xf32, #tpu.memory_space<hbm>> -> memref<320x128xf32, #tpu.memory_space<hbm>>
      tpu.wait_dma2 semaphore(%run_scoped3A : memref<!tpu.dma_semaphore, #tpu.memory_space<semaphore_mem>>) src(%arg10 : memref<320x128xf32, #tpu.memory_space<vmem>>) dst(%dma_wait3A_24 : memref<320x128xf32, #tpu.memory_space<hbm>>)
      tpu.yield
    }) : () -> ()
    return
  }
}

#map = affine_map<(d0, d1) -> (0)>
#map1 = affine_map<(d0, d1) -> (0, 0)>
module attributes {stable_mosaic.version = 14 : i64} {
  func.func @k(%arg0: i32, %arg1: i32, %arg2: memref<10240xf32, #tpu.memory_space<hbm>>, %arg3: memref<320000xi32, #tpu.memory_space<hbm>>, %arg4: memref<320000xi32, #tpu.memory_space<hbm>>, %arg5: memref<32x10240xf32, #tpu.memory_space<hbm>>, %arg6: memref<80xi32, #tpu.memory_space<vmem>>, %arg7: memref<80xi32, #tpu.memory_space<vmem>>, %arg8: memref<10240xf32, #tpu.memory_space<vmem>>, %arg9: memref<10240xf32, #tpu.memory_space<vmem>>) attributes {dimension_semantics = [#tpu.dimension_semantics<core_parallel>, #tpu.dimension_semantics<subcore_parallel>], iteration_bounds = array<i64: 2, 16>, scalar_prefetch = 0 : i64, scratch_operands = 4 : i64, tpu.core_type = #tpu.core_type<sc_vector_subcore>, window_params = [{transform_indices = #map}, {transform_indices = #map}, {transform_indices = #map}, {transform_indices = #map1}]} {
    %mul3A = arith.constant 2 : i32
    %mul3A_0 = arith.muli %arg1, %mul3A : i32
    %add3A = arith.addi %mul3A_0, %arg0 : i32
    "tpu.region"() ({
      %run_scoped3A = tpu.sem_alloc : memref<!tpu.dma_semaphore, #tpu.memory_space<semaphore_mem>>
      tpu.enqueue_dma source(%arg2 : memref<10240xf32, #tpu.memory_space<hbm>>) target(%arg8 : memref<10240xf32, #tpu.memory_space<vmem>>) target_semaphore(%run_scoped3A : memref<!tpu.dma_semaphore, #tpu.memory_space<semaphore_mem>>)
      tpu.wait_dma2 semaphore(%run_scoped3A : memref<!tpu.dma_semaphore, #tpu.memory_space<semaphore_mem>>) src(%arg2 : memref<10240xf32, #tpu.memory_space<hbm>>) dst(%arg8 : memref<10240xf32, #tpu.memory_space<vmem>>)
      tpu.yield
    }) : () -> ()
    %broadcast_in_dim3A = arith.constant 0.000000e+00 : f32
    %broadcast_in_dim3A_1 = vector.broadcast %broadcast_in_dim3A : f32 to vector<16xf32>
    %scan3A = arith.constant 0 : i32
    %scan3A_2 = arith.constant 0 : i32
    %scan3A_3 = arith.constant 640 : i32
    %scan3A_4 = arith.addi %scan3A_2, %scan3A_3 : i32
    %scan3A_5 = arith.constant 1 : i32
    scf.for %scan3A_15 = %scan3A_2 to %scan3A_4 step %scan3A_5  : i32 {
      %mul3A_16 = arith.constant 16 : i32
      %mul3A_17 = arith.muli %scan3A_15, %mul3A_16 : i32
      %swap3A = arith.index_cast %mul3A_17 : i32 to index
      %swap3A_18 = tpu.vector_load %arg9[%swap3A] {strides = array<i32>} : memref<10240xf32, #tpu.memory_space<vmem>>, vector<16xf32>,
      tpu.vector_store %arg9[%swap3A], %broadcast_in_dim3A_1 {strides = array<i32>} : memref<10240xf32, #tpu.memory_space<vmem>>, vector<16xf32>,
    }
    %scan3A_6 = arith.constant 640 : i32
    %mul3A_7 = arith.constant 10000 : i32
    %mul3A_8 = arith.muli %add3A, %mul3A_7 : i32
    %scan3A_9 = arith.constant 0 : i32
    %scan3A_10 = arith.constant 0 : i32
    %scan3A_11 = arith.constant 125 : i32
    %scan3A_12 = arith.addi %scan3A_10, %scan3A_11 : i32
    %scan3A_13 = arith.constant 1 : i32
    scf.for %scan3A_15 = %scan3A_10 to %scan3A_12 step %scan3A_13  : i32 {
      %mul3A_16 = arith.constant 80 : i32
      %mul3A_17 = arith.muli %scan3A_15, %mul3A_16 : i32
      %add3A_18 = arith.addi %mul3A_8, %mul3A_17 : i32
      "tpu.region"() ({
        %run_scoped3A = tpu.sem_alloc : memref<!tpu.dma_semaphore, #tpu.memory_space<semaphore_mem>>
        %dma_start3A = tpu.memref_slice %arg3[%add3A_18] : memref<320000xi32, #tpu.memory_space<hbm>> -> memref<80xi32, #tpu.memory_space<hbm>>
        %dma_start3A_42 = tpu.memref_slice %arg3[%add3A_18] : memref<320000xi32, #tpu.memory_space<hbm>> -> memref<80xi32, #tpu.memory_space<hbm>>
        tpu.enqueue_dma source(%dma_start3A_42 : memref<80xi32, #tpu.memory_space<hbm>>) target(%arg6 : memref<80xi32, #tpu.memory_space<vmem>>) target_semaphore(%run_scoped3A : memref<!tpu.dma_semaphore, #tpu.memory_space<semaphore_mem>>)
        %dma_wait3A = tpu.memref_slice %arg3[%add3A_18] : memref<320000xi32, #tpu.memory_space<hbm>> -> memref<80xi32, #tpu.memory_space<hbm>>
        %dma_wait3A_43 = tpu.memref_slice %arg3[%add3A_18] : memref<320000xi32, #tpu.memory_space<hbm>> -> memref<80xi32, #tpu.memory_space<hbm>>
        tpu.wait_dma2 semaphore(%run_scoped3A : memref<!tpu.dma_semaphore, #tpu.memory_space<semaphore_mem>>) src(%dma_wait3A_43 : memref<80xi32, #tpu.memory_space<hbm>>) dst(%arg6 : memref<80xi32, #tpu.memory_space<vmem>>)
        tpu.yield
      }) : () -> ()
      "tpu.region"() ({
        %run_scoped3A = tpu.sem_alloc : memref<!tpu.dma_semaphore, #tpu.memory_space<semaphore_mem>>
        %dma_start3A = tpu.memref_slice %arg4[%add3A_18] : memref<320000xi32, #tpu.memory_space<hbm>> -> memref<80xi32, #tpu.memory_space<hbm>>
        %dma_start3A_42 = tpu.memref_slice %arg4[%add3A_18] : memref<320000xi32, #tpu.memory_space<hbm>> -> memref<80xi32, #tpu.memory_space<hbm>>
        tpu.enqueue_dma source(%dma_start3A_42 : memref<80xi32, #tpu.memory_space<hbm>>) target(%arg7 : memref<80xi32, #tpu.memory_space<vmem>>) target_semaphore(%run_scoped3A : memref<!tpu.dma_semaphore, #tpu.memory_space<semaphore_mem>>)
        %dma_wait3A = tpu.memref_slice %arg4[%add3A_18] : memref<320000xi32, #tpu.memory_space<hbm>> -> memref<80xi32, #tpu.memory_space<hbm>>
        %dma_wait3A_43 = tpu.memref_slice %arg4[%add3A_18] : memref<320000xi32, #tpu.memory_space<hbm>> -> memref<80xi32, #tpu.memory_space<hbm>>
        tpu.wait_dma2 semaphore(%run_scoped3A : memref<!tpu.dma_semaphore, #tpu.memory_space<semaphore_mem>>) src(%dma_wait3A_43 : memref<80xi32, #tpu.memory_space<hbm>>) dst(%arg7 : memref<80xi32, #tpu.memory_space<vmem>>)
        tpu.yield
      }) : () -> ()
      %get3A = arith.constant 0 : index
      %get3A_19 = tpu.vector_load %arg6[%get3A] {strides = array<i32>} : memref<80xi32, #tpu.memory_space<vmem>>, vector<16xi32>,
      %get3A_20 = arith.constant 0 : index
      %get3A_21 = tpu.vector_load %arg7[%get3A_20] {strides = array<i32>} : memref<80xi32, #tpu.memory_space<vmem>>, vector<16xi32>,
      %gather3A = tpu.vector_load_idx %arg8[%get3A_19] : memref<10240xf32, #tpu.memory_space<vmem>>[vector<16xi32>], vector<16xf32>,
      tpu.vector_store_idx %arg9[%get3A_21], %gather3A {add = true} : memref<10240xf32, #tpu.memory_space<vmem>>[vector<16xi32>], vector<16xf32>,
      %get3A_22 = arith.constant 16 : index
      %get3A_23 = tpu.vector_load %arg6[%get3A_22] {strides = array<i32>} : memref<80xi32, #tpu.memory_space<vmem>>, vector<16xi32>,
      %get3A_24 = arith.constant 16 : index
      %get3A_25 = tpu.vector_load %arg7[%get3A_24] {strides = array<i32>} : memref<80xi32, #tpu.memory_space<vmem>>, vector<16xi32>,
      %gather3A_26 = tpu.vector_load_idx %arg8[%get3A_23] : memref<10240xf32, #tpu.memory_space<vmem>>[vector<16xi32>], vector<16xf32>,
      tpu.vector_store_idx %arg9[%get3A_25], %gather3A_26 {add = true} : memref<10240xf32, #tpu.memory_space<vmem>>[vector<16xi32>], vector<16xf32>,
      %get3A_27 = arith.constant 32 : index
      %get3A_28 = tpu.vector_load %arg6[%get3A_27] {strides = array<i32>} : memref<80xi32, #tpu.memory_space<vmem>>, vector<16xi32>,
      %get3A_29 = arith.constant 32 : index
      %get3A_30 = tpu.vector_load %arg7[%get3A_29] {strides = array<i32>} : memref<80xi32, #tpu.memory_space<vmem>>, vector<16xi32>,
      %gather3A_31 = tpu.vector_load_idx %arg8[%get3A_28] : memref<10240xf32, #tpu.memory_space<vmem>>[vector<16xi32>], vector<16xf32>,
      tpu.vector_store_idx %arg9[%get3A_30], %gather3A_31 {add = true} : memref<10240xf32, #tpu.memory_space<vmem>>[vector<16xi32>], vector<16xf32>,
      %get3A_32 = arith.constant 48 : index
      %get3A_33 = tpu.vector_load %arg6[%get3A_32] {strides = array<i32>} : memref<80xi32, #tpu.memory_space<vmem>>, vector<16xi32>,
      %get3A_34 = arith.constant 48 : index
      %get3A_35 = tpu.vector_load %arg7[%get3A_34] {strides = array<i32>} : memref<80xi32, #tpu.memory_space<vmem>>, vector<16xi32>,
      %gather3A_36 = tpu.vector_load_idx %arg8[%get3A_33] : memref<10240xf32, #tpu.memory_space<vmem>>[vector<16xi32>], vector<16xf32>,
      tpu.vector_store_idx %arg9[%get3A_35], %gather3A_36 {add = true} : memref<10240xf32, #tpu.memory_space<vmem>>[vector<16xi32>], vector<16xf32>,
      %get3A_37 = arith.constant 64 : index
      %get3A_38 = tpu.vector_load %arg6[%get3A_37] {strides = array<i32>} : memref<80xi32, #tpu.memory_space<vmem>>, vector<16xi32>,
      %get3A_39 = arith.constant 64 : index
      %get3A_40 = tpu.vector_load %arg7[%get3A_39] {strides = array<i32>} : memref<80xi32, #tpu.memory_space<vmem>>, vector<16xi32>,
      %gather3A_41 = tpu.vector_load_idx %arg8[%get3A_38] : memref<10240xf32, #tpu.memory_space<vmem>>[vector<16xi32>], vector<16xf32>,
      tpu.vector_store_idx %arg9[%get3A_40], %gather3A_41 {add = true} : memref<10240xf32, #tpu.memory_space<vmem>>[vector<16xi32>], vector<16xf32>,
    }
    %scan3A_14 = arith.constant 125 : i32
    "tpu.region"() ({
      %run_scoped3A = tpu.sem_alloc : memref<!tpu.dma_semaphore, #tpu.memory_space<semaphore_mem>>
      %dma_start3A = arith.constant 0 : i32
      %dma_start3A_15 = tpu.memref_slice %arg5[%add3A, %dma_start3A] : memref<32x10240xf32, #tpu.memory_space<hbm>> -> memref<1x10240xf32, #tpu.memory_space<hbm>>
      %dma_start3A_16 = tpu.memref_squeeze %dma_start3A_15 : memref<1x10240xf32, #tpu.memory_space<hbm>> -> memref<10240xf32, #tpu.memory_space<hbm>>
      %dma_start3A_17 = arith.constant 0 : i32
      %dma_start3A_18 = tpu.memref_slice %arg5[%add3A, %dma_start3A_17] : memref<32x10240xf32, #tpu.memory_space<hbm>> -> memref<1x10240xf32, #tpu.memory_space<hbm>>
      %dma_start3A_19 = tpu.memref_squeeze %dma_start3A_18 : memref<1x10240xf32, #tpu.memory_space<hbm>> -> memref<10240xf32, #tpu.memory_space<hbm>>
      tpu.enqueue_dma source(%arg9 : memref<10240xf32, #tpu.memory_space<vmem>>) target(%dma_start3A_19 : memref<10240xf32, #tpu.memory_space<hbm>>) target_semaphore(%run_scoped3A : memref<!tpu.dma_semaphore, #tpu.memory_space<semaphore_mem>>)
      %dma_wait3A = arith.constant 0 : i32
      %dma_wait3A_20 = tpu.memref_slice %arg5[%add3A, %dma_wait3A] : memref<32x10240xf32, #tpu.memory_space<hbm>> -> memref<1x10240xf32, #tpu.memory_space<hbm>>
      %dma_wait3A_21 = tpu.memref_squeeze %dma_wait3A_20 : memref<1x10240xf32, #tpu.memory_space<hbm>> -> memref<10240xf32, #tpu.memory_space<hbm>>
      %dma_wait3A_22 = arith.constant 0 : i32
      %dma_wait3A_23 = tpu.memref_slice %arg5[%add3A, %dma_wait3A_22] : memref<32x10240xf32, #tpu.memory_space<hbm>> -> memref<1x10240xf32, #tpu.memory_space<hbm>>
      %dma_wait3A_24 = tpu.memref_squeeze %dma_wait3A_23 : memref<1x10240xf32, #tpu.memory_space<hbm>> -> memref<10240xf32, #tpu.memory_space<hbm>>
      tpu.wait_dma2 semaphore(%run_scoped3A : memref<!tpu.dma_semaphore, #tpu.memory_space<semaphore_mem>>) src(%arg9 : memref<10240xf32, #tpu.memory_space<vmem>>) dst(%dma_wait3A_24 : memref<10240xf32, #tpu.memory_space<hbm>>)
      tpu.yield
    }) : () -> ()
    return
  }
}

#map = affine_map<(d0, d1) -> (0, 0)>
#map1 = affine_map<(d0, d1) -> (0)>
module attributes {stable_mosaic.version = 14 : i64} {
  func.func @k(%arg0: i32, %arg1: i32, %arg2: memref<10240x512xf32, #tpu.memory_space<hbm>>, %arg3: memref<1024xi32, #tpu.memory_space<hbm>>, %arg4: memref<1024x512xf32, #tpu.memory_space<hbm>>, %arg5: memref<32xi32, #tpu.memory_space<vmem>>, %arg6: memref<32x512xf32, #tpu.memory_space<vmem>>, %arg7: memref<!tpu.dma_semaphore, #tpu.memory_space<semaphore_mem>>) attributes {dimension_semantics = [#tpu.dimension_semantics<core_parallel>, #tpu.dimension_semantics<subcore_parallel>], iteration_bounds = array<i64: 2, 16>, scalar_prefetch = 0 : i64, scratch_operands = 3 : i64, tpu.core_type = #tpu.core_type<sc_vector_subcore>, window_params = [{transform_indices = #map}, {transform_indices = #map1}, {transform_indices = #map}]} {
    %mul3A = arith.constant 2 : i32
    %mul3A_0 = arith.muli %arg1, %mul3A : i32
    %add3A = arith.addi %mul3A_0, %arg0 : i32
    %mul3A_1 = arith.constant 32 : i32
    %mul3A_2 = arith.muli %add3A, %mul3A_1 : i32
    "tpu.region"() ({
      %run_scoped3A = tpu.sem_alloc : memref<!tpu.dma_semaphore, #tpu.memory_space<semaphore_mem>>
      %dma_start3A_7 = tpu.memref_slice %arg3[%mul3A_2] : memref<1024xi32, #tpu.memory_space<hbm>> -> memref<32xi32, #tpu.memory_space<hbm>>
      %dma_start3A_8 = tpu.memref_slice %arg3[%mul3A_2] : memref<1024xi32, #tpu.memory_space<hbm>> -> memref<32xi32, #tpu.memory_space<hbm>>
      tpu.enqueue_dma source(%dma_start3A_8 : memref<32xi32, #tpu.memory_space<hbm>>) target(%arg5 : memref<32xi32, #tpu.memory_space<vmem>>) target_semaphore(%run_scoped3A : memref<!tpu.dma_semaphore, #tpu.memory_space<semaphore_mem>>)
      %dma_wait3A_9 = tpu.memref_slice %arg3[%mul3A_2] : memref<1024xi32, #tpu.memory_space<hbm>> -> memref<32xi32, #tpu.memory_space<hbm>>
      %dma_wait3A_10 = tpu.memref_slice %arg3[%mul3A_2] : memref<1024xi32, #tpu.memory_space<hbm>> -> memref<32xi32, #tpu.memory_space<hbm>>
      tpu.wait_dma2 semaphore(%run_scoped3A : memref<!tpu.dma_semaphore, #tpu.memory_space<semaphore_mem>>) src(%dma_wait3A_10 : memref<32xi32, #tpu.memory_space<hbm>>) dst(%arg5 : memref<32xi32, #tpu.memory_space<vmem>>)
      tpu.yield
    }) : () -> ()
    %dma_start3A = arith.constant 0 : i32
    %dma_start3A_3 = arith.constant 0 : i32
    %dma_start3A_4 = tpu.memref_slice %arg2[%dma_start3A, %dma_start3A_3] : memref<10240x512xf32, #tpu.memory_space<hbm>> -> memref<10240x512xf32, #tpu.memory_space<hbm>>
    tpu.enqueue_indirect_dma source(%dma_start3A_4 : memref<10240x512xf32, #tpu.memory_space<hbm>>) target(%arg6 : memref<32x512xf32, #tpu.memory_space<vmem>>) offsets(%arg5 : memref<32xi32, #tpu.memory_space<vmem>>) semaphore(%arg7 : memref<!tpu.dma_semaphore, #tpu.memory_space<semaphore_mem>>)
    %dma_wait3A = arith.constant 0 : i32
    %dma_wait3A_5 = arith.constant 0 : i32
    %dma_wait3A_6 = tpu.memref_slice %arg2[%dma_wait3A, %dma_wait3A_5] : memref<10240x512xf32, #tpu.memory_space<hbm>> -> memref<10240x512xf32, #tpu.memory_space<hbm>>
    tpu.wait_indirect_dma semaphore(%arg7 : memref<!tpu.dma_semaphore, #tpu.memory_space<semaphore_mem>>) src(%dma_wait3A_6 : memref<10240x512xf32, #tpu.memory_space<hbm>>) dst(%arg6 : memref<32x512xf32, #tpu.memory_space<vmem>>)
    "tpu.region"() ({
      %run_scoped3A = tpu.sem_alloc : memref<!tpu.dma_semaphore, #tpu.memory_space<semaphore_mem>>
      %dma_start3A_7 = arith.constant 0 : i32
      %dma_start3A_8 = tpu.memref_slice %arg4[%mul3A_2, %dma_start3A_7] : memref<1024x512xf32, #tpu.memory_space<hbm>> -> memref<32x512xf32, #tpu.memory_space<hbm>>
      %dma_start3A_9 = arith.constant 0 : i32
      %dma_start3A_10 = tpu.memref_slice %arg4[%mul3A_2, %dma_start3A_9] : memref<1024x512xf32, #tpu.memory_space<hbm>> -> memref<32x512xf32, #tpu.memory_space<hbm>>
      tpu.enqueue_dma source(%arg6 : memref<32x512xf32, #tpu.memory_space<vmem>>) target(%dma_start3A_10 : memref<32x512xf32, #tpu.memory_space<hbm>>) target_semaphore(%run_scoped3A : memref<!tpu.dma_semaphore, #tpu.memory_space<semaphore_mem>>)
      %dma_wait3A_11 = arith.constant 0 : i32
      %dma_wait3A_12 = tpu.memref_slice %arg4[%mul3A_2, %dma_wait3A_11] : memref<1024x512xf32, #tpu.memory_space<hbm>> -> memref<32x512xf32, #tpu.memory_space<hbm>>
      %dma_wait3A_13 = arith.constant 0 : i32
      %dma_wait3A_14 = tpu.memref_slice %arg4[%mul3A_2, %dma_wait3A_13] : memref<1024x512xf32, #tpu.memory_space<hbm>> -> memref<32x512xf32, #tpu.memory_space<hbm>>
      tpu.wait_dma2 semaphore(%run_scoped3A : memref<!tpu.dma_semaphore, #tpu.memory_space<semaphore_mem>>) src(%arg6 : memref<32x512xf32, #tpu.memory_space<vmem>>) dst(%dma_wait3A_14 : memref<32x512xf32, #tpu.memory_space<hbm>>)
      tpu.yield
    }) : () -> ()
    return
  }
}

module attributes {stable_mosaic.version = 14 : i64} {
  func.func @_tc0_body(%arg0: memref<32x10240xf32, #tpu.memory_space<vmem>>, %arg1: memref<10240x128xf32, #tpu.memory_space<vmem>>, %arg2: memref<128x128xf32, #tpu.memory_space<vmem>>, %arg3: memref<10240x1xf32, #tpu.memory_space<vmem>>, %arg4: memref<10240x128xf32, #tpu.memory_space<vmem>>) attributes {dimension_semantics = [], scalar_prefetch = 0 : i64, scratch_operands = 0 : i64, tpu.core_type = #tpu.core_type<tc>} {
    %get3A = arith.constant 0 : index
    %get3A_0 = arith.constant 0 : index
    %get3A_1 = vector.load %arg0[%get3A, %get3A_0] : memref<32x10240xf32, #tpu.memory_space<vmem>>, vector<32x10240xf32>
    %reduce_sum3A = arith.constant dense<0.000000e+00> : vector<10240xf32>
    %reduce_sum3A_2 = vector.multi_reduction <add>, %get3A_1, %reduce_sum3A [0] : vector<32x10240xf32> to vector<10240xf32>
    %broadcast_in_dim3A = vector.shape_cast %reduce_sum3A_2 : vector<10240xf32> to vector<10240x1xf32>
    %add3A = arith.constant 1.000000e+00 : f32
    %add3A_3 = vector.broadcast %add3A : f32 to vector<10240x1xf32>
    %add3A_4 = arith.addf %broadcast_in_dim3A, %add3A_3 : vector<10240x1xf32>
    %iota3A = tpu.iota {dimensions = array<i32: 0>} : vector<10240x1xi32>
    %lt3A = arith.constant 10000 : i32
    %lt3A_5 = vector.broadcast %lt3A : i32 to vector<10240x1xi32>
    %lt3A_6 = arith.cmpi slt, %iota3A, %lt3A_5 : vector<10240x1xi32>
    %sqrt3A = math.sqrt %add3A_4 : vector<10240x1xf32>
    %div3A = arith.constant 1.000000e+00 : f32
    %div3A_7 = vector.broadcast %div3A : f32 to vector<10240x1xf32>
    %div3A_8 = arith.divf %div3A_7, %sqrt3A : vector<10240x1xf32>
    %jit3A = arith.constant 0.000000e+00 : f32
    %broadcast_in_dim3A_9 = vector.broadcast %jit3A : f32 to vector<10240x1xf32>
    %select_n3A = arith.select %lt3A_6, %div3A_8, %broadcast_in_dim3A_9 : vector<10240x1xi1>, vector<10240x1xf32>
    %swap3A = arith.constant 0 : index
    %swap3A_10 = arith.constant 0 : index
    %swap3A_11 = vector.load %arg3[%swap3A, %swap3A_10] : memref<10240x1xf32, #tpu.memory_space<vmem>>, vector<10240x1xf32>
    tpu.vector_store %arg3[%swap3A, %swap3A_10], %select_n3A {strides = array<i32>} : memref<10240x1xf32, #tpu.memory_space<vmem>>, vector<10240x1xf32>,
    %get3A_12 = arith.constant 0 : index
    %get3A_13 = arith.constant 0 : index
    %get3A_14 = vector.load %arg1[%get3A_12, %get3A_13] : memref<10240x128xf32, #tpu.memory_space<vmem>>, vector<10240x128xf32>
    %get3A_15 = arith.constant 0 : index
    %get3A_16 = arith.constant 0 : index
    %get3A_17 = vector.load %arg2[%get3A_15, %get3A_16] : memref<128x128xf32, #tpu.memory_space<vmem>>, vector<128x128xf32>
    %dot_general3A = arith.constant dense<0.000000e+00> : vector<10240x128xf32>
    %dot_general3A_18 = tpu.matmul %get3A_14, %get3A_17, %dot_general3A {dimension_numbers = #tpu.dot_dimension_numbers<[1], [0], [0], [1], [0, 0, 1, 1], [], []>, transpose_lhs_hint = false} : vector<10240x128xf32>, vector<128x128xf32>, vector<10240x128xf32> -> vector<10240x128xf32>
    %mul3A = vector.broadcast %select_n3A : vector<10240x1xf32> to vector<10240x128xf32>
    %mul3A_19 = arith.mulf %dot_general3A_18, %mul3A : vector<10240x128xf32>
    %swap3A_20 = arith.constant 0 : index
    %swap3A_21 = arith.constant 0 : index
    %swap3A_22 = vector.load %arg4[%swap3A_20, %swap3A_21] : memref<10240x128xf32, #tpu.memory_space<vmem>>, vector<10240x128xf32>
    tpu.vector_store %arg4[%swap3A_20, %swap3A_21], %mul3A_19 {strides = array<i32>} : memref<10240x128xf32, #tpu.memory_space<vmem>>, vector<10240x128xf32>,
    return
  }
}

module attributes {stable_mosaic.version = 14 : i64} {
  func.func @_tc_layer_body(%arg0: memref<2x5120x128xf32, #tpu.memory_space<vmem>>, %arg1: memref<10240x128xf32, #tpu.memory_space<vmem>>, %arg2: memref<10240x1xf32, #tpu.memory_space<vmem>>, %arg3: memref<128xf32, #tpu.memory_space<vmem>>, %arg4: memref<128x128xf32, #tpu.memory_space<vmem>>, %arg5: memref<10240x128xf32, #tpu.memory_space<vmem>>, %arg6: memref<10240x128xf32, #tpu.memory_space<vmem>>) attributes {dimension_semantics = [], scalar_prefetch = 0 : i64, scratch_operands = 0 : i64, tpu.core_type = #tpu.core_type<tc>} {
    %get3A = arith.constant 0 : index
    %get3A_0 = arith.constant 0 : index
    %get3A_1 = vector.load %arg2[%get3A, %get3A_0] : memref<10240x1xf32, #tpu.memory_space<vmem>>, vector<10240x1xf32>
    %get3A_2 = arith.constant 0 : index
    %get3A_3 = arith.constant 0 : index
    %get3A_4 = arith.constant 0 : index
    %get3A_5 = vector.load %arg0[%get3A_2, %get3A_3, %get3A_4] : memref<2x5120x128xf32, #tpu.memory_space<vmem>>, vector<1x5120x128xf32>
    %get3A_6 = vector.shape_cast %get3A_5 : vector<1x5120x128xf32> to vector<5120x128xf32>
    %get3A_7 = arith.constant 1 : index
    %get3A_8 = arith.constant 0 : index
    %get3A_9 = arith.constant 0 : index
    %get3A_10 = vector.load %arg0[%get3A_7, %get3A_8, %get3A_9] : memref<2x5120x128xf32, #tpu.memory_space<vmem>>, vector<1x5120x128xf32>
    %get3A_11 = vector.shape_cast %get3A_10 : vector<1x5120x128xf32> to vector<5120x128xf32>
    %concatenate3A = tpu.concatenate %get3A_6, %get3A_11 in 0 : vector<5120x128xf32>, vector<5120x128xf32> -> vector<10240x128xf32>
    %get3A_12 = arith.constant 0 : index
    %get3A_13 = arith.constant 0 : index
    %get3A_14 = vector.load %arg1[%get3A_12, %get3A_13] : memref<10240x128xf32, #tpu.memory_space<vmem>>, vector<10240x128xf32>
    %add3A = arith.addf %concatenate3A, %get3A_14 : vector<10240x128xf32>
    %mul3A = vector.broadcast %get3A_1 : vector<10240x1xf32> to vector<10240x128xf32>
    %mul3A_15 = arith.mulf %add3A, %mul3A : vector<10240x128xf32>
    %get3A_16 = arith.constant 0 : index
    %get3A_17 = vector.load %arg3[%get3A_16] : memref<128xf32, #tpu.memory_space<vmem>>, vector<128xf32>
    %broadcast_in_dim3A = vector.shape_cast %get3A_17 : vector<128xf32> to vector<1x128xf32>
    %add3A_18 = vector.broadcast %broadcast_in_dim3A : vector<1x128xf32> to vector<10240x128xf32>
    %add3A_19 = arith.addf %mul3A_15, %add3A_18 : vector<10240x128xf32>
    %tanh3A = math.tanh %add3A_19 : vector<10240x128xf32>
    %swap3A = arith.constant 0 : index
    %swap3A_20 = arith.constant 0 : index
    %swap3A_21 = vector.load %arg5[%swap3A, %swap3A_20] : memref<10240x128xf32, #tpu.memory_space<vmem>>, vector<10240x128xf32>
    tpu.vector_store %arg5[%swap3A, %swap3A_20], %tanh3A {strides = array<i32>} : memref<10240x128xf32, #tpu.memory_space<vmem>>, vector<10240x128xf32>,
    %get3A_22 = arith.constant 0 : index
    %get3A_23 = arith.constant 0 : index
    %get3A_24 = vector.load %arg4[%get3A_22, %get3A_23] : memref<128x128xf32, #tpu.memory_space<vmem>>, vector<128x128xf32>
    %dot_general3A = arith.constant dense<0.000000e+00> : vector<10240x128xf32>
    %dot_general3A_25 = tpu.matmul %tanh3A, %get3A_24, %dot_general3A {dimension_numbers = #tpu.dot_dimension_numbers<[1], [0], [0], [1], [0, 0, 1, 1], [], []>, transpose_lhs_hint = false} : vector<10240x128xf32>, vector<128x128xf32>, vector<10240x128xf32> -> vector<10240x128xf32>
    %mul3A_26 = vector.broadcast %get3A_1 : vector<10240x1xf32> to vector<10240x128xf32>
    %mul3A_27 = arith.mulf %dot_general3A_25, %mul3A_26 : vector<10240x128xf32>
    %swap3A_28 = arith.constant 0 : index
    %swap3A_29 = arith.constant 0 : index
    %swap3A_30 = vector.load %arg6[%swap3A_28, %swap3A_29] : memref<10240x128xf32, #tpu.memory_space<vmem>>, vector<10240x128xf32>
    tpu.vector_store %arg6[%swap3A_28, %swap3A_29], %mul3A_27 {strides = array<i32>} : memref<10240x128xf32, #tpu.memory_space<vmem>>, vector<10240x128xf32>,
    return
  }
}

module attributes {stable_mosaic.version = 14 : i64} {
  func.func @_tc3_body(%arg0: memref<2x5120x128xf32, #tpu.memory_space<vmem>>, %arg1: memref<10240x128xf32, #tpu.memory_space<vmem>>, %arg2: memref<10240x1xf32, #tpu.memory_space<vmem>>, %arg3: memref<128xf32, #tpu.memory_space<vmem>>, %arg4: memref<128x1xf32, #tpu.memory_space<vmem>>, %arg5: memref<10240x128xf32, #tpu.memory_space<vmem>>, %arg6: memref<10240x1xf32, #tpu.memory_space<vmem>>) attributes {dimension_semantics = [], scalar_prefetch = 0 : i64, scratch_operands = 0 : i64, tpu.core_type = #tpu.core_type<tc>} {
    %get3A = arith.constant 0 : index
    %get3A_0 = arith.constant 0 : index
    %get3A_1 = vector.load %arg2[%get3A, %get3A_0] : memref<10240x1xf32, #tpu.memory_space<vmem>>, vector<10240x1xf32>
    %get3A_2 = arith.constant 0 : index
    %get3A_3 = arith.constant 0 : index
    %get3A_4 = arith.constant 0 : index
    %get3A_5 = vector.load %arg0[%get3A_2, %get3A_3, %get3A_4] : memref<2x5120x128xf32, #tpu.memory_space<vmem>>, vector<1x5120x128xf32>
    %get3A_6 = vector.shape_cast %get3A_5 : vector<1x5120x128xf32> to vector<5120x128xf32>
    %get3A_7 = arith.constant 1 : index
    %get3A_8 = arith.constant 0 : index
    %get3A_9 = arith.constant 0 : index
    %get3A_10 = vector.load %arg0[%get3A_7, %get3A_8, %get3A_9] : memref<2x5120x128xf32, #tpu.memory_space<vmem>>, vector<1x5120x128xf32>
    %get3A_11 = vector.shape_cast %get3A_10 : vector<1x5120x128xf32> to vector<5120x128xf32>
    %concatenate3A = tpu.concatenate %get3A_6, %get3A_11 in 0 : vector<5120x128xf32>, vector<5120x128xf32> -> vector<10240x128xf32>
    %get3A_12 = arith.constant 0 : index
    %get3A_13 = arith.constant 0 : index
    %get3A_14 = vector.load %arg1[%get3A_12, %get3A_13] : memref<10240x128xf32, #tpu.memory_space<vmem>>, vector<10240x128xf32>
    %add3A = arith.addf %concatenate3A, %get3A_14 : vector<10240x128xf32>
    %mul3A = vector.broadcast %get3A_1 : vector<10240x1xf32> to vector<10240x128xf32>
    %mul3A_15 = arith.mulf %add3A, %mul3A : vector<10240x128xf32>
    %get3A_16 = arith.constant 0 : index
    %get3A_17 = vector.load %arg3[%get3A_16] : memref<128xf32, #tpu.memory_space<vmem>>, vector<128xf32>
    %broadcast_in_dim3A = vector.shape_cast %get3A_17 : vector<128xf32> to vector<1x128xf32>
    %add3A_18 = vector.broadcast %broadcast_in_dim3A : vector<1x128xf32> to vector<10240x128xf32>
    %add3A_19 = arith.addf %mul3A_15, %add3A_18 : vector<10240x128xf32>
    %tanh3A = math.tanh %add3A_19 : vector<10240x128xf32>
    %swap3A = arith.constant 0 : index
    %swap3A_20 = arith.constant 0 : index
    %swap3A_21 = vector.load %arg5[%swap3A, %swap3A_20] : memref<10240x128xf32, #tpu.memory_space<vmem>>, vector<10240x128xf32>
    tpu.vector_store %arg5[%swap3A, %swap3A_20], %tanh3A {strides = array<i32>} : memref<10240x128xf32, #tpu.memory_space<vmem>>, vector<10240x128xf32>,
    %get3A_22 = arith.constant 0 : index
    %get3A_23 = arith.constant 0 : index
    %get3A_24 = vector.load %arg4[%get3A_22, %get3A_23] : memref<128x1xf32, #tpu.memory_space<vmem>>, vector<128x1xf32>
    %dot_general3A = arith.constant dense<0.000000e+00> : vector<10240x1xf32>
    %dot_general3A_25 = tpu.matmul %tanh3A, %get3A_24, %dot_general3A {dimension_numbers = #tpu.dot_dimension_numbers<[1], [0], [0], [1], [0, 0, 1, 1], [], []>, transpose_lhs_hint = false} : vector<10240x128xf32>, vector<128x1xf32>, vector<10240x1xf32> -> vector<10240x1xf32>
    %mul3A_26 = arith.mulf %dot_general3A_25, %get3A_1 : vector<10240x1xf32>
    %swap3A_27 = arith.constant 0 : index
    %swap3A_28 = arith.constant 0 : index
    %swap3A_29 = vector.load %arg6[%swap3A_27, %swap3A_28] : memref<10240x1xf32, #tpu.memory_space<vmem>>, vector<10240x1xf32>
    tpu.vector_store %arg6[%swap3A_27, %swap3A_28], %mul3A_26 {strides = array<i32>} : memref<10240x1xf32, #tpu.memory_space<vmem>>, vector<10240x1xf32>,
    return
  }
}

module attributes {stable_mosaic.version = 14 : i64} {
  func.func @_tc4a_body(%arg0: memref<32x10240xf32, #tpu.memory_space<vmem>>, %arg1: memref<10240x1xf32, #tpu.memory_space<vmem>>, %arg2: memref<10240x1xf32, #tpu.memory_space<vmem>>, %arg3: memref<1xf32, #tpu.memory_space<vmem>>, %arg4: memref<10240x128xf32, #tpu.memory_space<vmem>>, %arg5: memref<10240x128xf32, #tpu.memory_space<vmem>>, %arg6: memref<10240x128xf32, #tpu.memory_space<vmem>>, %arg7: memref<10240x1xf32, #tpu.memory_space<vmem>>, %arg8: memref<10240x512xf32, #tpu.memory_space<vmem>>) attributes {dimension_semantics = [], scalar_prefetch = 0 : i64, scratch_operands = 0 : i64, tpu.core_type = #tpu.core_type<tc>} {
    %get3A = arith.constant 0 : index
    %get3A_0 = arith.constant 0 : index
    %get3A_1 = vector.load %arg0[%get3A, %get3A_0] : memref<32x10240xf32, #tpu.memory_space<vmem>>, vector<32x10240xf32>
    %reduce_sum3A = arith.constant dense<0.000000e+00> : vector<10240xf32>
    %reduce_sum3A_2 = vector.multi_reduction <add>, %get3A_1, %reduce_sum3A [0] : vector<32x10240xf32> to vector<10240xf32>
    %broadcast_in_dim3A = vector.shape_cast %reduce_sum3A_2 : vector<10240xf32> to vector<10240x1xf32>
    %get3A_3 = arith.constant 0 : index
    %get3A_4 = arith.constant 0 : index
    %get3A_5 = vector.load %arg1[%get3A_3, %get3A_4] : memref<10240x1xf32, #tpu.memory_space<vmem>>, vector<10240x1xf32>
    %add3A = arith.addf %broadcast_in_dim3A, %get3A_5 : vector<10240x1xf32>
    %get3A_6 = arith.constant 0 : index
    %get3A_7 = arith.constant 0 : index
    %get3A_8 = vector.load %arg2[%get3A_6, %get3A_7] : memref<10240x1xf32, #tpu.memory_space<vmem>>, vector<10240x1xf32>
    %mul3A = arith.mulf %add3A, %get3A_8 : vector<10240x1xf32>
    %get3A_9 = arith.constant 0 : index
    %get3A_10 = vector.load %arg3[%get3A_9] : memref<1xf32, #tpu.memory_space<vmem>>, vector<1xf32>
    %broadcast_in_dim3A_11 = vector.shape_cast %get3A_10 : vector<1xf32> to vector<1x1xf32>
    %add3A_12 = vector.broadcast %broadcast_in_dim3A_11 : vector<1x1xf32> to vector<10240x1xf32>
    %add3A_13 = arith.addf %mul3A, %add3A_12 : vector<10240x1xf32>
    %tanh3A = math.tanh %add3A_13 : vector<10240x1xf32>
    %swap3A = arith.constant 0 : index
    %swap3A_14 = arith.constant 0 : index
    %swap3A_15 = vector.load %arg7[%swap3A, %swap3A_14] : memref<10240x1xf32, #tpu.memory_space<vmem>>, vector<10240x1xf32>
    tpu.vector_store %arg7[%swap3A, %swap3A_14], %tanh3A {strides = array<i32>} : memref<10240x1xf32, #tpu.memory_space<vmem>>, vector<10240x1xf32>,
    %get3A_16 = arith.constant 0 : index
    %get3A_17 = arith.constant 0 : index
    %get3A_18 = vector.load %arg4[%get3A_16, %get3A_17] : memref<10240x128xf32, #tpu.memory_space<vmem>>, vector<10240x128xf32>
    %get3A_19 = arith.constant 0 : index
    %get3A_20 = arith.constant 0 : index
    %get3A_21 = vector.load %arg5[%get3A_19, %get3A_20] : memref<10240x128xf32, #tpu.memory_space<vmem>>, vector<10240x128xf32>
    %get3A_22 = arith.constant 0 : index
    %get3A_23 = arith.constant 0 : index
    %get3A_24 = vector.load %arg6[%get3A_22, %get3A_23] : memref<10240x128xf32, #tpu.memory_space<vmem>>, vector<10240x128xf32>
    %broadcast_in_dim3A_25 = arith.constant 0.000000e+00 : f32
    %broadcast_in_dim3A_26 = vector.broadcast %broadcast_in_dim3A_25 : f32 to vector<10240x127xf32>
    %concatenate3A = tpu.concatenate %get3A_18, %get3A_21, %get3A_24, %tanh3A, %broadcast_in_dim3A_26 in 1 : vector<10240x128xf32>, vector<10240x128xf32>, vector<10240x128xf32>, vector<10240x1xf32>, vector<10240x127xf32> -> vector<10240x512xf32>
    %swap3A_27 = arith.constant 0 : index
    %swap3A_28 = arith.constant 0 : index
    %swap3A_29 = vector.load %arg8[%swap3A_27, %swap3A_28] : memref<10240x512xf32, #tpu.memory_space<vmem>>, vector<10240x512xf32>
    tpu.vector_store %arg8[%swap3A_27, %swap3A_28], %concatenate3A {strides = array<i32>} : memref<10240x512xf32, #tpu.memory_space<vmem>>, vector<10240x512xf32>,
    return
  }
}

module attributes {stable_mosaic.version = 14 : i64} {
  func.func @_tc4b_body(%arg0: memref<80x128xf32, #tpu.memory_space<vmem>>, %arg1: memref<80x128xi32, #tpu.memory_space<vmem>>, %arg2: memref<16x64xi32, #tpu.memory_space<vmem>>, %arg3: memref<16x64xf32, #tpu.memory_space<vmem>>) attributes {dimension_semantics = [], scalar_prefetch = 0 : i64, scratch_operands = 0 : i64, tpu.core_type = #tpu.core_type<tc>} {
    %get3A = arith.constant 0 : index
    %get3A_0 = arith.constant 0 : index
    %get3A_1 = vector.load %arg1[%get3A, %get3A_0] : memref<80x128xi32, #tpu.memory_space<vmem>>, vector<80x128xi32>
    %iota3A = tpu.iota {dimensions = array<i32: 0>} : vector<64x80x128xi32>
    %broadcast_in_dim3A = vector.shape_cast %get3A_1 : vector<80x128xi32> to vector<1x80x128xi32>
    %eq3A = vector.broadcast %broadcast_in_dim3A : vector<1x80x128xi32> to vector<64x80x128xi32>
    %eq3A_2 = arith.cmpi eq, %eq3A, %iota3A : vector<64x80x128xi32>
    %iota3A_3 = tpu.iota {dimensions = array<i32: 0>} : vector<80x128xi32>
    %mul3A = arith.constant 128 : i32
    %mul3A_4 = vector.broadcast %mul3A : i32 to vector<80x128xi32>
    %mul3A_5 = arith.muli %iota3A_3, %mul3A_4 : vector<80x128xi32>
    %iota3A_6 = tpu.iota {dimensions = array<i32: 1>} : vector<80x128xi32>
    %add3A = arith.addi %mul3A_5, %iota3A_6 : vector<80x128xi32>
    %get3A_7 = arith.constant 0 : index
    %get3A_8 = arith.constant 0 : index
    %get3A_9 = vector.load %arg0[%get3A_7, %get3A_8] : memref<80x128xf32, #tpu.memory_space<vmem>>, vector<80x128xf32>
    %broadcast_in_dim3A_10 = arith.constant 0 : i32
    %broadcast_in_dim3A_11 = vector.broadcast %broadcast_in_dim3A_10 : i32 to vector<16x64xi32>
    %broadcast_in_dim3A_12 = arith.constant 0.000000e+00 : f32
    %broadcast_in_dim3A_13 = vector.broadcast %broadcast_in_dim3A_12 : f32 to vector<16x64xf32>
    %scan3A = arith.constant 0 : i32
    %scan3A_14 = arith.constant 15 : i32
    %scan3A_15 = arith.addi %scan3A, %scan3A_14 : i32
    %scan3A_16 = arith.constant 1 : i32
    %scan3A_17:3 = scf.for %scan3A_24 = %scan3A to %scan3A_15 step %scan3A_16 iter_args(%scan3A_25 = %get3A_9, %scan3A_26 = %broadcast_in_dim3A_11, %scan3A_27 = %broadcast_in_dim3A_13) -> (vector<80x128xf32>, vector<16x64xi32>, vector<16x64xf32>)  : i32 {
      %broadcast_in_dim3A_28 = vector.shape_cast %scan3A_25 : vector<80x128xf32> to vector<1x80x128xf32>
      %jit3A = arith.constant -3.000000e+00 : f32
      %broadcast_in_dim3A_29 = vector.shape_cast %broadcast_in_dim3A_28 : vector<1x80x128xf32> to vector<1x80x128xf32>
      %broadcast_in_dim3A_30 = vector.broadcast %broadcast_in_dim3A_29 : vector<1x80x128xf32> to vector<64x80x128xf32>
      %broadcast_in_dim3A_31 = vector.broadcast %jit3A : f32 to vector<64x80x128xf32>
      %select_n3A = arith.select %eq3A_2, %broadcast_in_dim3A_30, %broadcast_in_dim3A_31 : vector<64x80x128xi1>, vector<64x80x128xf32>
      %reduce_max3A = arith.constant dense<0xFF800000> : vector<64xf32>
      %reduce_max3A_32 = vector.multi_reduction <maximumf>, %select_n3A, %reduce_max3A [1, 2] : vector<64x80x128xf32> to vector<64xf32>
      %gt3A = arith.constant -2.500000e+00 : f32
      %gt3A_33 = vector.broadcast %gt3A : f32 to vector<64xf32>
      %gt3A_34 = arith.cmpf ogt, %reduce_max3A_32, %gt3A_33 : vector<64xf32>
      %broadcast_in_dim3A_35 = vector.shape_cast %scan3A_25 : vector<80x128xf32> to vector<1x80x128xf32>
      %broadcast_in_dim3A_36 = vector.shape_cast %reduce_max3A_32 : vector<64xf32> to vector<64x1x1xf32>
      %eq3A_37 = vector.broadcast %broadcast_in_dim3A_35 : vector<1x80x128xf32> to vector<64x80x128xf32>
      %eq3A_38 = vector.broadcast %broadcast_in_dim3A_36 : vector<64x1x1xf32> to vector<64x80x128xf32>
      %eq3A_39 = arith.cmpf oeq, %eq3A_37, %eq3A_38 : vector<64x80x128xf32>
      %and3A = arith.andi %eq3A_2, %eq3A_39 : vector<64x80x128xi1>
      %broadcast_in_dim3A_40 = vector.shape_cast %add3A : vector<80x128xi32> to vector<1x80x128xi32>
      %jit3A_41 = arith.constant 1073741824 : i32
      %broadcast_in_dim3A_42 = vector.shape_cast %broadcast_in_dim3A_40 : vector<1x80x128xi32> to vector<1x80x128xi32>
      %broadcast_in_dim3A_43 = vector.broadcast %broadcast_in_dim3A_42 : vector<1x80x128xi32> to vector<64x80x128xi32>
      %broadcast_in_dim3A_44 = vector.broadcast %jit3A_41 : i32 to vector<64x80x128xi32>
      %select_n3A_45 = arith.select %and3A, %broadcast_in_dim3A_43, %broadcast_in_dim3A_44 : vector<64x80x128xi1>, vector<64x80x128xi32>
      %reduce_min3A = arith.constant dense<2147483647> : vector<64xi32>
      %reduce_min3A_46 = vector.multi_reduction <minsi>, %select_n3A_45, %reduce_min3A [1, 2] : vector<64x80x128xi32> to vector<64xi32>
      %jit3A_47 = arith.constant 0 : i32
      %broadcast_in_dim3A_48 = vector.broadcast %jit3A_47 : i32 to vector<64xi32>
      %select_n3A_49 = arith.select %gt3A_34, %reduce_min3A_46, %broadcast_in_dim3A_48 : vector<64xi1>, vector<64xi32>
      %broadcast_in_dim3A_50 = vector.shape_cast %add3A : vector<80x128xi32> to vector<1x80x128xi32>
      %broadcast_in_dim3A_51 = vector.shape_cast %reduce_min3A_46 : vector<64xi32> to vector<64x1x1xi32>
      %eq3A_52 = vector.broadcast %broadcast_in_dim3A_50 : vector<1x80x128xi32> to vector<64x80x128xi32>
      %eq3A_53 = vector.broadcast %broadcast_in_dim3A_51 : vector<64x1x1xi32> to vector<64x80x128xi32>
      %eq3A_54 = arith.cmpi eq, %eq3A_52, %eq3A_53 : vector<64x80x128xi32>
      %broadcast_in_dim3A_55 = vector.shape_cast %gt3A_34 : vector<64xi1> to vector<64x1x1xi1>
      %and3A_56 = vector.broadcast %broadcast_in_dim3A_55 : vector<64x1x1xi1> to vector<64x80x128xi1>
      %and3A_57 = arith.andi %eq3A_54, %and3A_56 : vector<64x80x128xi1>
      %reduce_or3A = arith.constant 1.000000e+00 : f32
      %reduce_or3A_58 = arith.constant 0.000000e+00 : f32
      %reduce_or3A_59 = vector.broadcast %reduce_or3A : f32 to vector<64x80x128xf32>
      %reduce_or3A_60 = vector.broadcast %reduce_or3A_58 : f32 to vector<64x80x128xf32>
      %reduce_or3A_61 = arith.select %and3A_57, %reduce_or3A_59, %reduce_or3A_60 : vector<64x80x128xi1>, vector<64x80x128xf32>
      %reduce_or3A_62 = arith.constant dense<0xFF800000> : vector<80x128xf32>
      %reduce_or3A_63 = vector.multi_reduction <maximumf>, %reduce_or3A_61, %reduce_or3A_62 [0] : vector<64x80x128xf32> to vector<80x128xf32>
      %reduce_or3A_64 = arith.constant 0.000000e+00 : f32
      %reduce_or3A_65 = vector.broadcast %reduce_or3A_64 : f32 to vector<80x128xf32>
      %reduce_or3A_66 = arith.cmpf ogt, %reduce_or3A_63, %reduce_or3A_65 : vector<80x128xf32>
      %jit3A_67 = arith.constant -3.000000e+00 : f32
      %broadcast_in_dim3A_68 = vector.broadcast %jit3A_67 : f32 to vector<80x128xf32>
      %select_n3A_69 = arith.select %reduce_or3A_66, %broadcast_in_dim3A_68, %scan3A_25 : vector<80x128xi1>, vector<80x128xf32>
      %iota3A_70 = tpu.iota {dimensions = array<i32: 0>} : vector<16x64xi32>
      %eq3A_71 = vector.broadcast %scan3A_24 : i32 to vector<16x64xi32>
      %eq3A_72 = arith.cmpi eq, %iota3A_70, %eq3A_71 : vector<16x64xi32>
      %broadcast_in_dim3A_73 = vector.shape_cast %select_n3A_49 : vector<64xi32> to vector<1x64xi32>
      %broadcast_in_dim3A_74 = vector.shape_cast %broadcast_in_dim3A_73 : vector<1x64xi32> to vector<1x64xi32>
      %broadcast_in_dim3A_75 = vector.broadcast %broadcast_in_dim3A_74 : vector<1x64xi32> to vector<16x64xi32>
      %select_n3A_76 = arith.select %eq3A_72, %broadcast_in_dim3A_75, %scan3A_26 : vector<16x64xi1>, vector<16x64xi32>
      %jit3A_77 = arith.constant 1.000000e+00 : f32
      %jit3A_78 = arith.constant 0.000000e+00 : f32
      %broadcast_in_dim3A_79 = vector.broadcast %jit3A_77 : f32 to vector<64xf32>
      %broadcast_in_dim3A_80 = vector.broadcast %jit3A_78 : f32 to vector<64xf32>
      %select_n3A_81 = arith.select %gt3A_34, %broadcast_in_dim3A_79, %broadcast_in_dim3A_80 : vector<64xi1>, vector<64xf32>
      %broadcast_in_dim3A_82 = vector.shape_cast %select_n3A_81 : vector<64xf32> to vector<1x64xf32>
      %broadcast_in_dim3A_83 = vector.shape_cast %broadcast_in_dim3A_82 : vector<1x64xf32> to vector<1x64xf32>
      %broadcast_in_dim3A_84 = vector.broadcast %broadcast_in_dim3A_83 : vector<1x64xf32> to vector<16x64xf32>
      %select_n3A_85 = arith.select %eq3A_72, %broadcast_in_dim3A_84, %scan3A_27 : vector<16x64xi1>, vector<16x64xf32>
      scf.yield %select_n3A_69, %select_n3A_76, %select_n3A_85 : vector<80x128xf32>, vector<16x64xi32>, vector<16x64xf32>
    }
    %scan3A_18 = arith.constant 15 : i32
    %swap3A = arith.constant 0 : index
    %swap3A_19 = arith.constant 0 : index
    %swap3A_20 = vector.load %arg2[%swap3A, %swap3A_19] : memref<16x64xi32, #tpu.memory_space<vmem>>, vector<16x64xi32>
    tpu.vector_store %arg2[%swap3A, %swap3A_19], %scan3A_17#1 {strides = array<i32>} : memref<16x64xi32, #tpu.memory_space<vmem>>, vector<16x64xi32>,
    %swap3A_21 = arith.constant 0 : index
    %swap3A_22 = arith.constant 0 : index
    %swap3A_23 = vector.load %arg3[%swap3A_21, %swap3A_22] : memref<16x64xf32, #tpu.memory_space<vmem>>, vector<16x64xf32>
    tpu.vector_store %arg3[%swap3A_21, %swap3A_22], %scan3A_17#2 {strides = array<i32>} : memref<16x64xf32, #tpu.memory_space<vmem>>, vector<16x64xf32>,
    return
  }
}

module attributes {stable_mosaic.version = 14 : i64} {
  func.func @_tc5_body(%arg0: memref<1024x512xf32, #tpu.memory_space<vmem>>, %arg1: memref<16x64xf32, #tpu.memory_space<vmem>>, %arg2: memref<15x385x256xf32, #tpu.memory_space<vmem>>, %arg3: memref<256xf32, #tpu.memory_space<vmem>>, %arg4: memref<256xf32, #tpu.memory_space<vmem>>, %arg5: memref<256xf32, #tpu.memory_space<vmem>>, %arg6: memref<256x128xf32, #tpu.memory_space<vmem>>, %arg7: memref<128xf32, #tpu.memory_space<vmem>>, %arg8: memref<128x64xf32, #tpu.memory_space<vmem>>, %arg9: memref<64xf32, #tpu.memory_space<vmem>>, %arg10: memref<64x1xf32, #tpu.memory_space<vmem>>, %arg11: memref<1xf32, #tpu.memory_space<vmem>>, %arg12: memref<64x1xf32, #tpu.memory_space<vmem>>) attributes {dimension_semantics = [], scalar_prefetch = 0 : i64, scratch_operands = 0 : i64, tpu.core_type = #tpu.core_type<tc>} {
    %get3A = arith.constant 0 : index
    %get3A_0 = arith.constant 0 : index
    %get3A_1 = vector.load %arg0[%get3A, %get3A_0] : memref<1024x512xf32, #tpu.memory_space<vmem>>, vector<1024x512xf32>
    %reshape3A = vector.shape_cast %get3A_1 : vector<1024x512xf32> to vector<16x64x512xf32>
    %get3A_2 = arith.constant 0 : index
    %get3A_3 = arith.constant 0 : index
    %get3A_4 = vector.load %arg1[%get3A_2, %get3A_3] : memref<16x64xf32, #tpu.memory_space<vmem>>, vector<16x64xf32>
    %broadcast_in_dim3A = arith.constant 0.000000e+00 : f32
    %broadcast_in_dim3A_5 = vector.broadcast %broadcast_in_dim3A : f32 to vector<64x256xf32>
    %slice3A = vector.extract_strided_slice %reshape3A {offsets = [0, 0, 0], sizes = [1, 64, 385], strides = [1, 1, 1]} : vector<16x64x512xf32> to vector<1x64x385xf32>
    %squeeze3A = vector.shape_cast %slice3A : vector<1x64x385xf32> to vector<64x385xf32>
    %slice3A_6 = vector.extract_strided_slice %get3A_4 {offsets = [0, 0], sizes = [1, 64], strides = [1, 1]} : vector<16x64xf32> to vector<1x64xf32>
    %squeeze3A_7 = vector.shape_cast %slice3A_6 : vector<1x64xf32> to vector<64xf32>
    %broadcast_in_dim3A_8 = vector.shape_cast %squeeze3A_7 : vector<64xf32> to vector<64x1xf32>
    %mul3A = vector.broadcast %broadcast_in_dim3A_8 : vector<64x1xf32> to vector<64x385xf32>
    %mul3A_9 = arith.mulf %squeeze3A, %mul3A : vector<64x385xf32>
    %get3A_10 = arith.constant 0 : index
    %get3A_11 = arith.constant 0 : index
    %get3A_12 = arith.constant 0 : index
    %get3A_13 = vector.load %arg2[%get3A_10, %get3A_11, %get3A_12] : memref<15x385x256xf32, #tpu.memory_space<vmem>>, vector<1x385x256xf32>
    %get3A_14 = vector.shape_cast %get3A_13 : vector<1x385x256xf32> to vector<385x256xf32>
    %dot_general3A = arith.constant dense<0.000000e+00> : vector<64x256xf32>
    %dot_general3A_15 = tpu.matmul %mul3A_9, %get3A_14, %dot_general3A {dimension_numbers = #tpu.dot_dimension_numbers<[1], [0], [0], [1], [0, 0, 1, 1], [], []>, transpose_lhs_hint = false} : vector<64x385xf32>, vector<385x256xf32>, vector<64x256xf32> -> vector<64x256xf32>
    %add3A = arith.addf %broadcast_in_dim3A_5, %dot_general3A_15 : vector<64x256xf32>
    %slice3A_16 = vector.extract_strided_slice %reshape3A {offsets = [1, 0, 0], sizes = [1, 64, 385], strides = [1, 1, 1]} : vector<16x64x512xf32> to vector<1x64x385xf32>
    %squeeze3A_17 = vector.shape_cast %slice3A_16 : vector<1x64x385xf32> to vector<64x385xf32>
    %slice3A_18 = vector.extract_strided_slice %get3A_4 {offsets = [1, 0], sizes = [1, 64], strides = [1, 1]} : vector<16x64xf32> to vector<1x64xf32>
    %squeeze3A_19 = vector.shape_cast %slice3A_18 : vector<1x64xf32> to vector<64xf32>
    %broadcast_in_dim3A_20 = vector.shape_cast %squeeze3A_19 : vector<64xf32> to vector<64x1xf32>
    %mul3A_21 = vector.broadcast %broadcast_in_dim3A_20 : vector<64x1xf32> to vector<64x385xf32>
    %mul3A_22 = arith.mulf %squeeze3A_17, %mul3A_21 : vector<64x385xf32>
    %get3A_23 = arith.constant 1 : index
    %get3A_24 = arith.constant 0 : index
    %get3A_25 = arith.constant 0 : index
    %get3A_26 = vector.load %arg2[%get3A_23, %get3A_24, %get3A_25] : memref<15x385x256xf32, #tpu.memory_space<vmem>>, vector<1x385x256xf32>
    %get3A_27 = vector.shape_cast %get3A_26 : vector<1x385x256xf32> to vector<385x256xf32>
    %dot_general3A_28 = arith.constant dense<0.000000e+00> : vector<64x256xf32>
    %dot_general3A_29 = tpu.matmul %mul3A_22, %get3A_27, %dot_general3A_28 {dimension_numbers = #tpu.dot_dimension_numbers<[1], [0], [0], [1], [0, 0, 1, 1], [], []>, transpose_lhs_hint = false} : vector<64x385xf32>, vector<385x256xf32>, vector<64x256xf32> -> vector<64x256xf32>
    %add3A_30 = arith.addf %add3A, %dot_general3A_29 : vector<64x256xf32>
    %slice3A_31 = vector.extract_strided_slice %reshape3A {offsets = [2, 0, 0], sizes = [1, 64, 385], strides = [1, 1, 1]} : vector<16x64x512xf32> to vector<1x64x385xf32>
    %squeeze3A_32 = vector.shape_cast %slice3A_31 : vector<1x64x385xf32> to vector<64x385xf32>
    %slice3A_33 = vector.extract_strided_slice %get3A_4 {offsets = [2, 0], sizes = [1, 64], strides = [1, 1]} : vector<16x64xf32> to vector<1x64xf32>
    %squeeze3A_34 = vector.shape_cast %slice3A_33 : vector<1x64xf32> to vector<64xf32>
    %broadcast_in_dim3A_35 = vector.shape_cast %squeeze3A_34 : vector<64xf32> to vector<64x1xf32>
    %mul3A_36 = vector.broadcast %broadcast_in_dim3A_35 : vector<64x1xf32> to vector<64x385xf32>
    %mul3A_37 = arith.mulf %squeeze3A_32, %mul3A_36 : vector<64x385xf32>
    %get3A_38 = arith.constant 2 : index
    %get3A_39 = arith.constant 0 : index
    %get3A_40 = arith.constant 0 : index
    %get3A_41 = vector.load %arg2[%get3A_38, %get3A_39, %get3A_40] : memref<15x385x256xf32, #tpu.memory_space<vmem>>, vector<1x385x256xf32>
    %get3A_42 = vector.shape_cast %get3A_41 : vector<1x385x256xf32> to vector<385x256xf32>
    %dot_general3A_43 = arith.constant dense<0.000000e+00> : vector<64x256xf32>
    %dot_general3A_44 = tpu.matmul %mul3A_37, %get3A_42, %dot_general3A_43 {dimension_numbers = #tpu.dot_dimension_numbers<[1], [0], [0], [1], [0, 0, 1, 1], [], []>, transpose_lhs_hint = false} : vector<64x385xf32>, vector<385x256xf32>, vector<64x256xf32> -> vector<64x256xf32>
    %add3A_45 = arith.addf %add3A_30, %dot_general3A_44 : vector<64x256xf32>
    %slice3A_46 = vector.extract_strided_slice %reshape3A {offsets = [3, 0, 0], sizes = [1, 64, 385], strides = [1, 1, 1]} : vector<16x64x512xf32> to vector<1x64x385xf32>
    %squeeze3A_47 = vector.shape_cast %slice3A_46 : vector<1x64x385xf32> to vector<64x385xf32>
    %slice3A_48 = vector.extract_strided_slice %get3A_4 {offsets = [3, 0], sizes = [1, 64], strides = [1, 1]} : vector<16x64xf32> to vector<1x64xf32>
    %squeeze3A_49 = vector.shape_cast %slice3A_48 : vector<1x64xf32> to vector<64xf32>
    %broadcast_in_dim3A_50 = vector.shape_cast %squeeze3A_49 : vector<64xf32> to vector<64x1xf32>
    %mul3A_51 = vector.broadcast %broadcast_in_dim3A_50 : vector<64x1xf32> to vector<64x385xf32>
    %mul3A_52 = arith.mulf %squeeze3A_47, %mul3A_51 : vector<64x385xf32>
    %get3A_53 = arith.constant 3 : index
    %get3A_54 = arith.constant 0 : index
    %get3A_55 = arith.constant 0 : index
    %get3A_56 = vector.load %arg2[%get3A_53, %get3A_54, %get3A_55] : memref<15x385x256xf32, #tpu.memory_space<vmem>>, vector<1x385x256xf32>
    %get3A_57 = vector.shape_cast %get3A_56 : vector<1x385x256xf32> to vector<385x256xf32>
    %dot_general3A_58 = arith.constant dense<0.000000e+00> : vector<64x256xf32>
    %dot_general3A_59 = tpu.matmul %mul3A_52, %get3A_57, %dot_general3A_58 {dimension_numbers = #tpu.dot_dimension_numbers<[1], [0], [0], [1], [0, 0, 1, 1], [], []>, transpose_lhs_hint = false} : vector<64x385xf32>, vector<385x256xf32>, vector<64x256xf32> -> vector<64x256xf32>
    %add3A_60 = arith.addf %add3A_45, %dot_general3A_59 : vector<64x256xf32>
    %slice3A_61 = vector.extract_strided_slice %reshape3A {offsets = [4, 0, 0], sizes = [1, 64, 385], strides = [1, 1, 1]} : vector<16x64x512xf32> to vector<1x64x385xf32>
    %squeeze3A_62 = vector.shape_cast %slice3A_61 : vector<1x64x385xf32> to vector<64x385xf32>
    %slice3A_63 = vector.extract_strided_slice %get3A_4 {offsets = [4, 0], sizes = [1, 64], strides = [1, 1]} : vector<16x64xf32> to vector<1x64xf32>
    %squeeze3A_64 = vector.shape_cast %slice3A_63 : vector<1x64xf32> to vector<64xf32>
    %broadcast_in_dim3A_65 = vector.shape_cast %squeeze3A_64 : vector<64xf32> to vector<64x1xf32>
    %mul3A_66 = vector.broadcast %broadcast_in_dim3A_65 : vector<64x1xf32> to vector<64x385xf32>
    %mul3A_67 = arith.mulf %squeeze3A_62, %mul3A_66 : vector<64x385xf32>
    %get3A_68 = arith.constant 4 : index
    %get3A_69 = arith.constant 0 : index
    %get3A_70 = arith.constant 0 : index
    %get3A_71 = vector.load %arg2[%get3A_68, %get3A_69, %get3A_70] : memref<15x385x256xf32, #tpu.memory_space<vmem>>, vector<1x385x256xf32>
    %get3A_72 = vector.shape_cast %get3A_71 : vector<1x385x256xf32> to vector<385x256xf32>
    %dot_general3A_73 = arith.constant dense<0.000000e+00> : vector<64x256xf32>
    %dot_general3A_74 = tpu.matmul %mul3A_67, %get3A_72, %dot_general3A_73 {dimension_numbers = #tpu.dot_dimension_numbers<[1], [0], [0], [1], [0, 0, 1, 1], [], []>, transpose_lhs_hint = false} : vector<64x385xf32>, vector<385x256xf32>, vector<64x256xf32> -> vector<64x256xf32>
    %add3A_75 = arith.addf %add3A_60, %dot_general3A_74 : vector<64x256xf32>
    %slice3A_76 = vector.extract_strided_slice %reshape3A {offsets = [5, 0, 0], sizes = [1, 64, 385], strides = [1, 1, 1]} : vector<16x64x512xf32> to vector<1x64x385xf32>
    %squeeze3A_77 = vector.shape_cast %slice3A_76 : vector<1x64x385xf32> to vector<64x385xf32>
    %slice3A_78 = vector.extract_strided_slice %get3A_4 {offsets = [5, 0], sizes = [1, 64], strides = [1, 1]} : vector<16x64xf32> to vector<1x64xf32>
    %squeeze3A_79 = vector.shape_cast %slice3A_78 : vector<1x64xf32> to vector<64xf32>
    %broadcast_in_dim3A_80 = vector.shape_cast %squeeze3A_79 : vector<64xf32> to vector<64x1xf32>
    %mul3A_81 = vector.broadcast %broadcast_in_dim3A_80 : vector<64x1xf32> to vector<64x385xf32>
    %mul3A_82 = arith.mulf %squeeze3A_77, %mul3A_81 : vector<64x385xf32>
    %get3A_83 = arith.constant 5 : index
    %get3A_84 = arith.constant 0 : index
    %get3A_85 = arith.constant 0 : index
    %get3A_86 = vector.load %arg2[%get3A_83, %get3A_84, %get3A_85] : memref<15x385x256xf32, #tpu.memory_space<vmem>>, vector<1x385x256xf32>
    %get3A_87 = vector.shape_cast %get3A_86 : vector<1x385x256xf32> to vector<385x256xf32>
    %dot_general3A_88 = arith.constant dense<0.000000e+00> : vector<64x256xf32>
    %dot_general3A_89 = tpu.matmul %mul3A_82, %get3A_87, %dot_general3A_88 {dimension_numbers = #tpu.dot_dimension_numbers<[1], [0], [0], [1], [0, 0, 1, 1], [], []>, transpose_lhs_hint = false} : vector<64x385xf32>, vector<385x256xf32>, vector<64x256xf32> -> vector<64x256xf32>
    %add3A_90 = arith.addf %add3A_75, %dot_general3A_89 : vector<64x256xf32>
    %slice3A_91 = vector.extract_strided_slice %reshape3A {offsets = [6, 0, 0], sizes = [1, 64, 385], strides = [1, 1, 1]} : vector<16x64x512xf32> to vector<1x64x385xf32>
    %squeeze3A_92 = vector.shape_cast %slice3A_91 : vector<1x64x385xf32> to vector<64x385xf32>
    %slice3A_93 = vector.extract_strided_slice %get3A_4 {offsets = [6, 0], sizes = [1, 64], strides = [1, 1]} : vector<16x64xf32> to vector<1x64xf32>
    %squeeze3A_94 = vector.shape_cast %slice3A_93 : vector<1x64xf32> to vector<64xf32>
    %broadcast_in_dim3A_95 = vector.shape_cast %squeeze3A_94 : vector<64xf32> to vector<64x1xf32>
    %mul3A_96 = vector.broadcast %broadcast_in_dim3A_95 : vector<64x1xf32> to vector<64x385xf32>
    %mul3A_97 = arith.mulf %squeeze3A_92, %mul3A_96 : vector<64x385xf32>
    %get3A_98 = arith.constant 6 : index
    %get3A_99 = arith.constant 0 : index
    %get3A_100 = arith.constant 0 : index
    %get3A_101 = vector.load %arg2[%get3A_98, %get3A_99, %get3A_100] : memref<15x385x256xf32, #tpu.memory_space<vmem>>, vector<1x385x256xf32>
    %get3A_102 = vector.shape_cast %get3A_101 : vector<1x385x256xf32> to vector<385x256xf32>
    %dot_general3A_103 = arith.constant dense<0.000000e+00> : vector<64x256xf32>
    %dot_general3A_104 = tpu.matmul %mul3A_97, %get3A_102, %dot_general3A_103 {dimension_numbers = #tpu.dot_dimension_numbers<[1], [0], [0], [1], [0, 0, 1, 1], [], []>, transpose_lhs_hint = false} : vector<64x385xf32>, vector<385x256xf32>, vector<64x256xf32> -> vector<64x256xf32>
    %add3A_105 = arith.addf %add3A_90, %dot_general3A_104 : vector<64x256xf32>
    %slice3A_106 = vector.extract_strided_slice %reshape3A {offsets = [7, 0, 0], sizes = [1, 64, 385], strides = [1, 1, 1]} : vector<16x64x512xf32> to vector<1x64x385xf32>
    %squeeze3A_107 = vector.shape_cast %slice3A_106 : vector<1x64x385xf32> to vector<64x385xf32>
    %slice3A_108 = vector.extract_strided_slice %get3A_4 {offsets = [7, 0], sizes = [1, 64], strides = [1, 1]} : vector<16x64xf32> to vector<1x64xf32>
    %squeeze3A_109 = vector.shape_cast %slice3A_108 : vector<1x64xf32> to vector<64xf32>
    %broadcast_in_dim3A_110 = vector.shape_cast %squeeze3A_109 : vector<64xf32> to vector<64x1xf32>
    %mul3A_111 = vector.broadcast %broadcast_in_dim3A_110 : vector<64x1xf32> to vector<64x385xf32>
    %mul3A_112 = arith.mulf %squeeze3A_107, %mul3A_111 : vector<64x385xf32>
    %get3A_113 = arith.constant 7 : index
    %get3A_114 = arith.constant 0 : index
    %get3A_115 = arith.constant 0 : index
    %get3A_116 = vector.load %arg2[%get3A_113, %get3A_114, %get3A_115] : memref<15x385x256xf32, #tpu.memory_space<vmem>>, vector<1x385x256xf32>
    %get3A_117 = vector.shape_cast %get3A_116 : vector<1x385x256xf32> to vector<385x256xf32>
    %dot_general3A_118 = arith.constant dense<0.000000e+00> : vector<64x256xf32>
    %dot_general3A_119 = tpu.matmul %mul3A_112, %get3A_117, %dot_general3A_118 {dimension_numbers = #tpu.dot_dimension_numbers<[1], [0], [0], [1], [0, 0, 1, 1], [], []>, transpose_lhs_hint = false} : vector<64x385xf32>, vector<385x256xf32>, vector<64x256xf32> -> vector<64x256xf32>
    %add3A_120 = arith.addf %add3A_105, %dot_general3A_119 : vector<64x256xf32>
    %slice3A_121 = vector.extract_strided_slice %reshape3A {offsets = [8, 0, 0], sizes = [1, 64, 385], strides = [1, 1, 1]} : vector<16x64x512xf32> to vector<1x64x385xf32>
    %squeeze3A_122 = vector.shape_cast %slice3A_121 : vector<1x64x385xf32> to vector<64x385xf32>
    %slice3A_123 = vector.extract_strided_slice %get3A_4 {offsets = [8, 0], sizes = [1, 64], strides = [1, 1]} : vector<16x64xf32> to vector<1x64xf32>
    %squeeze3A_124 = vector.shape_cast %slice3A_123 : vector<1x64xf32> to vector<64xf32>
    %broadcast_in_dim3A_125 = vector.shape_cast %squeeze3A_124 : vector<64xf32> to vector<64x1xf32>
    %mul3A_126 = vector.broadcast %broadcast_in_dim3A_125 : vector<64x1xf32> to vector<64x385xf32>
    %mul3A_127 = arith.mulf %squeeze3A_122, %mul3A_126 : vector<64x385xf32>
    %get3A_128 = arith.constant 8 : index
    %get3A_129 = arith.constant 0 : index
    %get3A_130 = arith.constant 0 : index
    %get3A_131 = vector.load %arg2[%get3A_128, %get3A_129, %get3A_130] : memref<15x385x256xf32, #tpu.memory_space<vmem>>, vector<1x385x256xf32>
    %get3A_132 = vector.shape_cast %get3A_131 : vector<1x385x256xf32> to vector<385x256xf32>
    %dot_general3A_133 = arith.constant dense<0.000000e+00> : vector<64x256xf32>
    %dot_general3A_134 = tpu.matmul %mul3A_127, %get3A_132, %dot_general3A_133 {dimension_numbers = #tpu.dot_dimension_numbers<[1], [0], [0], [1], [0, 0, 1, 1], [], []>, transpose_lhs_hint = false} : vector<64x385xf32>, vector<385x256xf32>, vector<64x256xf32> -> vector<64x256xf32>
    %add3A_135 = arith.addf %add3A_120, %dot_general3A_134 : vector<64x256xf32>
    %slice3A_136 = vector.extract_strided_slice %reshape3A {offsets = [9, 0, 0], sizes = [1, 64, 385], strides = [1, 1, 1]} : vector<16x64x512xf32> to vector<1x64x385xf32>
    %squeeze3A_137 = vector.shape_cast %slice3A_136 : vector<1x64x385xf32> to vector<64x385xf32>
    %slice3A_138 = vector.extract_strided_slice %get3A_4 {offsets = [9, 0], sizes = [1, 64], strides = [1, 1]} : vector<16x64xf32> to vector<1x64xf32>
    %squeeze3A_139 = vector.shape_cast %slice3A_138 : vector<1x64xf32> to vector<64xf32>
    %broadcast_in_dim3A_140 = vector.shape_cast %squeeze3A_139 : vector<64xf32> to vector<64x1xf32>
    %mul3A_141 = vector.broadcast %broadcast_in_dim3A_140 : vector<64x1xf32> to vector<64x385xf32>
    %mul3A_142 = arith.mulf %squeeze3A_137, %mul3A_141 : vector<64x385xf32>
    %get3A_143 = arith.constant 9 : index
    %get3A_144 = arith.constant 0 : index
    %get3A_145 = arith.constant 0 : index
    %get3A_146 = vector.load %arg2[%get3A_143, %get3A_144, %get3A_145] : memref<15x385x256xf32, #tpu.memory_space<vmem>>, vector<1x385x256xf32>
    %get3A_147 = vector.shape_cast %get3A_146 : vector<1x385x256xf32> to vector<385x256xf32>
    %dot_general3A_148 = arith.constant dense<0.000000e+00> : vector<64x256xf32>
    %dot_general3A_149 = tpu.matmul %mul3A_142, %get3A_147, %dot_general3A_148 {dimension_numbers = #tpu.dot_dimension_numbers<[1], [0], [0], [1], [0, 0, 1, 1], [], []>, transpose_lhs_hint = false} : vector<64x385xf32>, vector<385x256xf32>, vector<64x256xf32> -> vector<64x256xf32>
    %add3A_150 = arith.addf %add3A_135, %dot_general3A_149 : vector<64x256xf32>
    %slice3A_151 = vector.extract_strided_slice %reshape3A {offsets = [10, 0, 0], sizes = [1, 64, 385], strides = [1, 1, 1]} : vector<16x64x512xf32> to vector<1x64x385xf32>
    %squeeze3A_152 = vector.shape_cast %slice3A_151 : vector<1x64x385xf32> to vector<64x385xf32>
    %slice3A_153 = vector.extract_strided_slice %get3A_4 {offsets = [10, 0], sizes = [1, 64], strides = [1, 1]} : vector<16x64xf32> to vector<1x64xf32>
    %squeeze3A_154 = vector.shape_cast %slice3A_153 : vector<1x64xf32> to vector<64xf32>
    %broadcast_in_dim3A_155 = vector.shape_cast %squeeze3A_154 : vector<64xf32> to vector<64x1xf32>
    %mul3A_156 = vector.broadcast %broadcast_in_dim3A_155 : vector<64x1xf32> to vector<64x385xf32>
    %mul3A_157 = arith.mulf %squeeze3A_152, %mul3A_156 : vector<64x385xf32>
    %get3A_158 = arith.constant 10 : index
    %get3A_159 = arith.constant 0 : index
    %get3A_160 = arith.constant 0 : index
    %get3A_161 = vector.load %arg2[%get3A_158, %get3A_159, %get3A_160] : memref<15x385x256xf32, #tpu.memory_space<vmem>>, vector<1x385x256xf32>
    %get3A_162 = vector.shape_cast %get3A_161 : vector<1x385x256xf32> to vector<385x256xf32>
    %dot_general3A_163 = arith.constant dense<0.000000e+00> : vector<64x256xf32>
    %dot_general3A_164 = tpu.matmul %mul3A_157, %get3A_162, %dot_general3A_163 {dimension_numbers = #tpu.dot_dimension_numbers<[1], [0], [0], [1], [0, 0, 1, 1], [], []>, transpose_lhs_hint = false} : vector<64x385xf32>, vector<385x256xf32>, vector<64x256xf32> -> vector<64x256xf32>
    %add3A_165 = arith.addf %add3A_150, %dot_general3A_164 : vector<64x256xf32>
    %slice3A_166 = vector.extract_strided_slice %reshape3A {offsets = [11, 0, 0], sizes = [1, 64, 385], strides = [1, 1, 1]} : vector<16x64x512xf32> to vector<1x64x385xf32>
    %squeeze3A_167 = vector.shape_cast %slice3A_166 : vector<1x64x385xf32> to vector<64x385xf32>
    %slice3A_168 = vector.extract_strided_slice %get3A_4 {offsets = [11, 0], sizes = [1, 64], strides = [1, 1]} : vector<16x64xf32> to vector<1x64xf32>
    %squeeze3A_169 = vector.shape_cast %slice3A_168 : vector<1x64xf32> to vector<64xf32>
    %broadcast_in_dim3A_170 = vector.shape_cast %squeeze3A_169 : vector<64xf32> to vector<64x1xf32>
    %mul3A_171 = vector.broadcast %broadcast_in_dim3A_170 : vector<64x1xf32> to vector<64x385xf32>
    %mul3A_172 = arith.mulf %squeeze3A_167, %mul3A_171 : vector<64x385xf32>
    %get3A_173 = arith.constant 11 : index
    %get3A_174 = arith.constant 0 : index
    %get3A_175 = arith.constant 0 : index
    %get3A_176 = vector.load %arg2[%get3A_173, %get3A_174, %get3A_175] : memref<15x385x256xf32, #tpu.memory_space<vmem>>, vector<1x385x256xf32>
    %get3A_177 = vector.shape_cast %get3A_176 : vector<1x385x256xf32> to vector<385x256xf32>
    %dot_general3A_178 = arith.constant dense<0.000000e+00> : vector<64x256xf32>
    %dot_general3A_179 = tpu.matmul %mul3A_172, %get3A_177, %dot_general3A_178 {dimension_numbers = #tpu.dot_dimension_numbers<[1], [0], [0], [1], [0, 0, 1, 1], [], []>, transpose_lhs_hint = false} : vector<64x385xf32>, vector<385x256xf32>, vector<64x256xf32> -> vector<64x256xf32>
    %add3A_180 = arith.addf %add3A_165, %dot_general3A_179 : vector<64x256xf32>
    %slice3A_181 = vector.extract_strided_slice %reshape3A {offsets = [12, 0, 0], sizes = [1, 64, 385], strides = [1, 1, 1]} : vector<16x64x512xf32> to vector<1x64x385xf32>
    %squeeze3A_182 = vector.shape_cast %slice3A_181 : vector<1x64x385xf32> to vector<64x385xf32>
    %slice3A_183 = vector.extract_strided_slice %get3A_4 {offsets = [12, 0], sizes = [1, 64], strides = [1, 1]} : vector<16x64xf32> to vector<1x64xf32>
    %squeeze3A_184 = vector.shape_cast %slice3A_183 : vector<1x64xf32> to vector<64xf32>
    %broadcast_in_dim3A_185 = vector.shape_cast %squeeze3A_184 : vector<64xf32> to vector<64x1xf32>
    %mul3A_186 = vector.broadcast %broadcast_in_dim3A_185 : vector<64x1xf32> to vector<64x385xf32>
    %mul3A_187 = arith.mulf %squeeze3A_182, %mul3A_186 : vector<64x385xf32>
    %get3A_188 = arith.constant 12 : index
    %get3A_189 = arith.constant 0 : index
    %get3A_190 = arith.constant 0 : index
    %get3A_191 = vector.load %arg2[%get3A_188, %get3A_189, %get3A_190] : memref<15x385x256xf32, #tpu.memory_space<vmem>>, vector<1x385x256xf32>
    %get3A_192 = vector.shape_cast %get3A_191 : vector<1x385x256xf32> to vector<385x256xf32>
    %dot_general3A_193 = arith.constant dense<0.000000e+00> : vector<64x256xf32>
    %dot_general3A_194 = tpu.matmul %mul3A_187, %get3A_192, %dot_general3A_193 {dimension_numbers = #tpu.dot_dimension_numbers<[1], [0], [0], [1], [0, 0, 1, 1], [], []>, transpose_lhs_hint = false} : vector<64x385xf32>, vector<385x256xf32>, vector<64x256xf32> -> vector<64x256xf32>
    %add3A_195 = arith.addf %add3A_180, %dot_general3A_194 : vector<64x256xf32>
    %slice3A_196 = vector.extract_strided_slice %reshape3A {offsets = [13, 0, 0], sizes = [1, 64, 385], strides = [1, 1, 1]} : vector<16x64x512xf32> to vector<1x64x385xf32>
    %squeeze3A_197 = vector.shape_cast %slice3A_196 : vector<1x64x385xf32> to vector<64x385xf32>
    %slice3A_198 = vector.extract_strided_slice %get3A_4 {offsets = [13, 0], sizes = [1, 64], strides = [1, 1]} : vector<16x64xf32> to vector<1x64xf32>
    %squeeze3A_199 = vector.shape_cast %slice3A_198 : vector<1x64xf32> to vector<64xf32>
    %broadcast_in_dim3A_200 = vector.shape_cast %squeeze3A_199 : vector<64xf32> to vector<64x1xf32>
    %mul3A_201 = vector.broadcast %broadcast_in_dim3A_200 : vector<64x1xf32> to vector<64x385xf32>
    %mul3A_202 = arith.mulf %squeeze3A_197, %mul3A_201 : vector<64x385xf32>
    %get3A_203 = arith.constant 13 : index
    %get3A_204 = arith.constant 0 : index
    %get3A_205 = arith.constant 0 : index
    %get3A_206 = vector.load %arg2[%get3A_203, %get3A_204, %get3A_205] : memref<15x385x256xf32, #tpu.memory_space<vmem>>, vector<1x385x256xf32>
    %get3A_207 = vector.shape_cast %get3A_206 : vector<1x385x256xf32> to vector<385x256xf32>
    %dot_general3A_208 = arith.constant dense<0.000000e+00> : vector<64x256xf32>
    %dot_general3A_209 = tpu.matmul %mul3A_202, %get3A_207, %dot_general3A_208 {dimension_numbers = #tpu.dot_dimension_numbers<[1], [0], [0], [1], [0, 0, 1, 1], [], []>, transpose_lhs_hint = false} : vector<64x385xf32>, vector<385x256xf32>, vector<64x256xf32> -> vector<64x256xf32>
    %add3A_210 = arith.addf %add3A_195, %dot_general3A_209 : vector<64x256xf32>
    %slice3A_211 = vector.extract_strided_slice %reshape3A {offsets = [14, 0, 0], sizes = [1, 64, 385], strides = [1, 1, 1]} : vector<16x64x512xf32> to vector<1x64x385xf32>
    %squeeze3A_212 = vector.shape_cast %slice3A_211 : vector<1x64x385xf32> to vector<64x385xf32>
    %slice3A_213 = vector.extract_strided_slice %get3A_4 {offsets = [14, 0], sizes = [1, 64], strides = [1, 1]} : vector<16x64xf32> to vector<1x64xf32>
    %squeeze3A_214 = vector.shape_cast %slice3A_213 : vector<1x64xf32> to vector<64xf32>
    %broadcast_in_dim3A_215 = vector.shape_cast %squeeze3A_214 : vector<64xf32> to vector<64x1xf32>
    %mul3A_216 = vector.broadcast %broadcast_in_dim3A_215 : vector<64x1xf32> to vector<64x385xf32>
    %mul3A_217 = arith.mulf %squeeze3A_212, %mul3A_216 : vector<64x385xf32>
    %get3A_218 = arith.constant 14 : index
    %get3A_219 = arith.constant 0 : index
    %get3A_220 = arith.constant 0 : index
    %get3A_221 = vector.load %arg2[%get3A_218, %get3A_219, %get3A_220] : memref<15x385x256xf32, #tpu.memory_space<vmem>>, vector<1x385x256xf32>
    %get3A_222 = vector.shape_cast %get3A_221 : vector<1x385x256xf32> to vector<385x256xf32>
    %dot_general3A_223 = arith.constant dense<0.000000e+00> : vector<64x256xf32>
    %dot_general3A_224 = tpu.matmul %mul3A_217, %get3A_222, %dot_general3A_223 {dimension_numbers = #tpu.dot_dimension_numbers<[1], [0], [0], [1], [0, 0, 1, 1], [], []>, transpose_lhs_hint = false} : vector<64x385xf32>, vector<385x256xf32>, vector<64x256xf32> -> vector<64x256xf32>
    %add3A_225 = arith.addf %add3A_210, %dot_general3A_224 : vector<64x256xf32>
    %get3A_226 = arith.constant 0 : index
    %get3A_227 = vector.load %arg3[%get3A_226] : memref<256xf32, #tpu.memory_space<vmem>>, vector<256xf32>
    %broadcast_in_dim3A_228 = vector.shape_cast %get3A_227 : vector<256xf32> to vector<1x256xf32>
    %add3A_229 = vector.broadcast %broadcast_in_dim3A_228 : vector<1x256xf32> to vector<64x256xf32>
    %add3A_230 = arith.addf %add3A_225, %add3A_229 : vector<64x256xf32>
    %sqrt3A = arith.constant 1.000010e+00 : f32
    %sqrt3A_231 = math.sqrt %sqrt3A : f32
    %div3A = vector.broadcast %sqrt3A_231 : f32 to vector<64x256xf32>
    %div3A_232 = arith.divf %add3A_230, %div3A : vector<64x256xf32>
    %get3A_233 = arith.constant 0 : index
    %get3A_234 = vector.load %arg4[%get3A_233] : memref<256xf32, #tpu.memory_space<vmem>>, vector<256xf32>
    %broadcast_in_dim3A_235 = vector.shape_cast %get3A_234 : vector<256xf32> to vector<1x256xf32>
    %mul3A_236 = vector.broadcast %broadcast_in_dim3A_235 : vector<1x256xf32> to vector<64x256xf32>
    %mul3A_237 = arith.mulf %div3A_232, %mul3A_236 : vector<64x256xf32>
    %get3A_238 = arith.constant 0 : index
    %get3A_239 = vector.load %arg5[%get3A_238] : memref<256xf32, #tpu.memory_space<vmem>>, vector<256xf32>
    %broadcast_in_dim3A_240 = vector.shape_cast %get3A_239 : vector<256xf32> to vector<1x256xf32>
    %add3A_241 = vector.broadcast %broadcast_in_dim3A_240 : vector<1x256xf32> to vector<64x256xf32>
    %add3A_242 = arith.addf %mul3A_237, %add3A_241 : vector<64x256xf32>
    %max3A = arith.constant 0.000000e+00 : f32
    %max3A_243 = vector.broadcast %max3A : f32 to vector<64x256xf32>
    %max3A_244 = arith.maximumf %add3A_242, %max3A_243 : vector<64x256xf32>
    %get3A_245 = arith.constant 0 : index
    %get3A_246 = arith.constant 0 : index
    %get3A_247 = vector.load %arg6[%get3A_245, %get3A_246] : memref<256x128xf32, #tpu.memory_space<vmem>>, vector<256x128xf32>
    %dot_general3A_248 = arith.constant dense<0.000000e+00> : vector<64x128xf32>
    %dot_general3A_249 = tpu.matmul %max3A_244, %get3A_247, %dot_general3A_248 {dimension_numbers = #tpu.dot_dimension_numbers<[1], [0], [0], [1], [0, 0, 1, 1], [], []>, transpose_lhs_hint = false} : vector<64x256xf32>, vector<256x128xf32>, vector<64x128xf32> -> vector<64x128xf32>
    %get3A_250 = arith.constant 0 : index
    %get3A_251 = vector.load %arg7[%get3A_250] : memref<128xf32, #tpu.memory_space<vmem>>, vector<128xf32>
    %broadcast_in_dim3A_252 = vector.shape_cast %get3A_251 : vector<128xf32> to vector<1x128xf32>
    %add3A_253 = vector.broadcast %broadcast_in_dim3A_252 : vector<1x128xf32> to vector<64x128xf32>
    %add3A_254 = arith.addf %dot_general3A_249, %add3A_253 : vector<64x128xf32>
    %max3A_255 = arith.constant 0.000000e+00 : f32
    %max3A_256 = vector.broadcast %max3A_255 : f32 to vector<64x128xf32>
    %max3A_257 = arith.maximumf %add3A_254, %max3A_256 : vector<64x128xf32>
    %get3A_258 = arith.constant 0 : index
    %get3A_259 = arith.constant 0 : index
    %get3A_260 = vector.load %arg8[%get3A_258, %get3A_259] : memref<128x64xf32, #tpu.memory_space<vmem>>, vector<128x64xf32>
    %dot_general3A_261 = arith.constant dense<0.000000e+00> : vector<64x64xf32>
    %dot_general3A_262 = tpu.matmul %max3A_257, %get3A_260, %dot_general3A_261 {dimension_numbers = #tpu.dot_dimension_numbers<[1], [0], [0], [1], [0, 0, 1, 1], [], []>, transpose_lhs_hint = false} : vector<64x128xf32>, vector<128x64xf32>, vector<64x64xf32> -> vector<64x64xf32>
    %get3A_263 = arith.constant 0 : index
    %get3A_264 = vector.load %arg9[%get3A_263] : memref<64xf32, #tpu.memory_space<vmem>>, vector<64xf32>
    %broadcast_in_dim3A_265 = vector.shape_cast %get3A_264 : vector<64xf32> to vector<1x64xf32>
    %add3A_266 = vector.broadcast %broadcast_in_dim3A_265 : vector<1x64xf32> to vector<64x64xf32>
    %add3A_267 = arith.addf %dot_general3A_262, %add3A_266 : vector<64x64xf32>
    %max3A_268 = arith.constant 0.000000e+00 : f32
    %max3A_269 = vector.broadcast %max3A_268 : f32 to vector<64x64xf32>
    %max3A_270 = arith.maximumf %add3A_267, %max3A_269 : vector<64x64xf32>
    %get3A_271 = arith.constant 0 : index
    %get3A_272 = arith.constant 0 : index
    %get3A_273 = vector.load %arg10[%get3A_271, %get3A_272] : memref<64x1xf32, #tpu.memory_space<vmem>>, vector<64x1xf32>
    %dot_general3A_274 = arith.constant dense<0.000000e+00> : vector<64x1xf32>
    %dot_general3A_275 = tpu.matmul %max3A_270, %get3A_273, %dot_general3A_274 {dimension_numbers = #tpu.dot_dimension_numbers<[1], [0], [0], [1], [0, 0, 1, 1], [], []>, transpose_lhs_hint = false} : vector<64x64xf32>, vector<64x1xf32>, vector<64x1xf32> -> vector<64x1xf32>
    %get3A_276 = arith.constant 0 : index
    %get3A_277 = vector.load %arg11[%get3A_276] : memref<1xf32, #tpu.memory_space<vmem>>, vector<1xf32>
    %broadcast_in_dim3A_278 = vector.shape_cast %get3A_277 : vector<1xf32> to vector<1x1xf32>
    %add3A_279 = vector.broadcast %broadcast_in_dim3A_278 : vector<1x1xf32> to vector<64x1xf32>
    %add3A_280 = arith.addf %dot_general3A_275, %add3A_279 : vector<64x1xf32>
    %swap3A = arith.constant 0 : index
    %swap3A_281 = arith.constant 0 : index
    %swap3A_282 = vector.load %arg12[%swap3A, %swap3A_281] : memref<64x1xf32, #tpu.memory_space<vmem>>, vector<64x1xf32>
    tpu.vector_store %arg12[%swap3A, %swap3A_281], %add3A_280 {strides = array<i32>} : memref<64x1xf32, #tpu.memory_space<vmem>>, vector<64x1xf32>,
    return
  }
}

</mosaic_0001>

<sc_bundles>
// kernel: kernel.15.cloned.1.call-start
scs
__scs_entry_jumppad:
0x0: {  	(pc) =	sbr.rel $0x88, $3  }
0x1: {  	(tag) =	ssettag $0x0;
	lr =	simm.s32 $0x1  }
0x2: {  	[smem:$0x3F8C] =	sst lr;
	_ =	strace $0xD0000000  }
0x3: {  	_ = 	snop  }
0x4: {  	_ = 	snop  }
0x5: {  	_ = 	snop  }
0x6: {  	_ = 	snop  }
0x7: {  	_ = 	snop  }
__scs_overlays_trampoline_lowered:
0x8: {  	[smem:$0x3F9B] =	sst s0  }
0x9: {  	[smem:$0x3F9C] =	sst s1  }
0xa: {  	[smem:$0x3F9D] =	sst s2  }
0xb: {  	[smem:$0x3F9E] =	sst s3  }
0xc: {  	[smem:$0x3F9F] =	sst s4  }
0xd: {  	[smem:$0x3FA0] =	sst s5  }
0xe: {  	[smem:$0x3FA1] =	sst s6  }
0xf: {  	[smem:$0x3FA2] =	sst s7  }
0x10: {  	[smem:$0x3FA3] =	sst s8  }
0x11: {  	[smem:$0x3FA4] =	sst s9;
	s0 =	simm.s32 @!p0 $0x0  }
0x12: {  	s1 =	sld [smem:$0x3F8A];
	s0 =	simm.s32 @p0 $0x1  }
0x13: {  	[smem:$0x3FA5] =	sst s0;
	s0 =	simm.s32 @!p1 $0x0  }
0x14: {  	s2 =	sld [smem:$0x3F89];
	s0 =	simm.s32 @p1 $0x1  }
0x15: {  	[smem:$0x3FA6] =	sst s0;
	s0 =	simm.s32 @!p2 $0x0  }
0x16: {  	s3 =	sld [smem:$0x3FDB];
	s0 =	simm.s32 @p2 $0x1  }
0x17: {  	s4 =	simm.s32 $0x1BF5;
	[smem:$0x3FA8] =	sst s0  }
0x18: {  	s0 =	sld [smem:$0x3F8B];
	_ =	swait.ge [sflag:s4], $0x0  }
0x19: {  	s7 =	sld [smem:$0x3F8C]  }
0x1a: {  	s8 =	sadd.s32 $0xFFFFE003, lr  }
0x1b: {  	s9 =	sadd.s32 $0xFFFFFEF7, lr;
	s5 =	simm.s32 $0xFFFFFFFF;
	p2 =	slt.u32 s8, $0xFFFFF086  }
0x1c: {  	p1 =	slt.u32 s9, $0xF7A;
	s5 =	simm.s32 @!p2 $0x0  }
0x1d: {  	s5 =	simm.s32 @p1 $0x1;
	p0 =	seq.s32 s7, s2  }
0x1e: {  	s7 =	smul.u32 @!p0 $0xF7A, s2;
	p2 =	seq.s32 @!p0 s5, $0x0  }
0x1f: {  	s9 =	smul.u32 $0xF7A, s1;
	s8 =	simm.s32 @!p0 $0x1BF5;
	p2 =	por !p2, p0  }
0x20: {  	[sflag:s8] =	ssyncset.s32 @!p0 $0xFFFFF086;
	s6 =	sadd.s32 @!p0 s3, s7;
	s7 =	simm.s32 @!p0 $0x108  }
0x21: {  	s3 =	sadd.s32 s3, s9;
	s6 =	sadd.s32 @!p0 $0x88, s6;
	s7 =	simm.s32 @p2 $0x1082  }
0x22: {  	[simem:s7], [sflag:s8] =	dma.local @!p0 [hbm:s6], $0xF7A  }
0x23: {  	s9 =	sor.u32 $0xD0000000, s2;
	s6 =	simm.s32 $0x108;
	_ =	swait.ge @!p0 [sflag:s8], $0x0  }
0x24: {  	s3 =	sadd.s32 $0x88, s3;
	s6 =	simm.s32 @!p1 $0x1082;
	[sflag:s4] =	ssyncset.s32 $0xFFFFF086  }
0x25: {  	[simem:s6], [sflag:s4] =	dma.local [hbm:s3], $0xF7A  }
0x26: {  	[smem:$0x3F8C] =	sst s1;
	(tag) =	ssettag s2;
	_ =	strace s9  }
0x27: {  	s1 =	sld [smem:$0x3F9C]  }
0x28: {  	s2 =	sld [smem:$0x3F9D]  }
0x29: {  	s4 =	sld [smem:$0x3F9F]  }
0x2a: {  	p0 =	seq.s32 s5, $0x0;
	s5 =	sld [smem:$0x3FA0]  }
0x2b: {  	s6 =	sld [smem:$0x3FA1]  }
0x2c: {  	s7 =	sld [smem:$0x3FA2]  }
0x2d: {  	s3 =	simm.s32 $0x108;
	s8 =	sld [smem:$0x3FA3]  }
0x2e: {  	s3 =	simm.s32 @!p0 $0x1082;
	s9 =	sld [smem:$0x3FA4]  }
0x2f: {  	lr =	sadd.s32 s0, s3;
	s0 =	sld [smem:$0x3F9B]  }
0x30: {  	s3 =	sld [smem:$0x3F9E]  }
0x31: {  	[smem:$0x3FA7] =	sst s10  }
0x32: {  	s10 =	sld [smem:$0x3FA5];
	_ =	sdelay $0x3  }
0x33: {  	p0 =	seq.s32 s10, $0x1;
	s10 =	sld [smem:$0x3FA7];
	_ =	sdelay $0x3  }
0x34: {  	[smem:$0x3FA7] =	sst s10  }
0x35: {  	s10 =	sld [smem:$0x3FA6];
	_ =	sdelay $0x3  }
0x36: {  	p1 =	seq.s32 s10, $0x1;
	s10 =	sld [smem:$0x3FA7];
	_ =	sdelay $0x3  }
0x37: {  	[smem:$0x3FA7] =	sst s10  }
0x38: {  	s10 =	sld [smem:$0x3FA8]  }
0x39: {  	_ = 	snop;
	(pc) =	sbr.ind lr, $3  }
0x3a: {  	_ = 	snop  }
0x3b: {  	_ = 	snop  }
0x3c: {  	p2 =	seq.s32 s10, $0x1;
	s10 =	sld [smem:$0x3FA7]  }
0x3d: {  	_ =	shalt  }
0x3e: {  	_ =	shalt  }
0x3f: {  	_ =	shalt  }
0x40: {  	_ =	shalt  }
0x41: {  	_ =	shalt  }
0x42: {  	_ =	shalt  }
0x43: {  	_ =	shalt  }
0x44: {  	_ =	shalt  }
0x45: {  	_ =	shalt  }
0x46: {  	_ =	shalt  }
0x47: {  	_ =	shalt  }
0x48: {  	_ =	shalt  }
0x49: {  	_ =	shalt  }
0x4a: {  	_ =	shalt  }
0x4b: {  	_ =	shalt  }
0x4c: {  	_ =	shalt  }
0x4d: {  	_ =	shalt  }
0x4e: {  	_ =	shalt  }
0x4f: {  	_ =	shalt  }
0x50: {  	_ =	shalt  }
0x51: {  	_ =	shalt  }
0x52: {  	_ =	shalt  }
0x53: {  	_ =	shalt  }
0x54: {  	_ =	shalt  }
0x55: {  	_ =	shalt  }
0x56: {  	_ =	shalt  }
0x57: {  	_ =	shalt  }
0x58: {  	_ =	shalt  }
0x59: {  	_ =	shalt  }
0x5a: {  	_ =	shalt  }
0x5b: {  	_ =	shalt  }
0x5c: {  	_ =	shalt  }
0x5d: {  	_ =	shalt  }
0x5e: {  	_ =	shalt  }
0x5f: {  	_ =	shalt  }
0x60: {  	_ =	shalt  }
0x61: {  	_ =	shalt  }
0x62: {  	_ =	shalt  }
0x63: {  	_ =	shalt  }
0x64: {  	_ =	shalt  }
0x65: {  	_ =	shalt  }
0x66: {  	_ =	shalt  }
0x67: {  	_ =	shalt  }
0x68: {  	_ =	shalt  }
0x69: {  	_ =	shalt  }
0x6a: {  	_ =	shalt  }
0x6b: {  	_ =	shalt  }
0x6c: {  	_ =	shalt  }
0x6d: {  	_ =	shalt  }
0x6e: {  	_ =	shalt  }
0x6f: {  	_ =	shalt  }
0x70: {  	_ =	shalt  }
0x71: {  	_ =	shalt  }
0x72: {  	_ =	shalt  }
0x73: {  	_ =	shalt  }
0x74: {  	_ =	shalt  }
0x75: {  	_ =	shalt  }
0x76: {  	_ =	shalt  }
0x77: {  	_ =	shalt  }
0x78: {  	_ =	shalt  }
0x79: {  	_ =	shalt  }
0x7a: {  	_ =	shalt  }
0x7b: {  	_ =	shalt  }
0x7c: {  	_ =	shalt  }
0x7d: {  	_ =	shalt  }
0x7e: {  	_ =	shalt  }
0x7f: {  	_ =	shalt  }
0x80: {  	_ =	shalt  }
0x81: {  	_ =	shalt  }
0x82: {  	_ =	shalt  }
0x83: {  	_ =	shalt  }
0x84: {  	_ =	shalt  }
0x85: {  	_ =	shalt  }
0x86: {  	_ =	shalt  }
0x87: {  	_ =	shalt  }
.Lfunc_end0:
.L_simem_size_0:
called_computation_lowered:
.L_overlay_start_0:
0x88: {  	s2 =	sld [smem:$0x3FD9]  }
0x89: {  	s3 =	sld [smem:$0x3FFE];
	_ =	sdelay $0x1  }
0x8a: {  	s1 =	srdreg.scid  }
0x8b: {  	s0 =	sand.u32 $0x1, s1  }
0x8c: {  	s16 =	sshll.u32 s0, $0xA;
	s2 =	sadd.s32 s3, s2  }
0x8d: {  	s2 =	sadd.s32 s2, s16  }
0x8e: {  	[smem:$0x3FB3] =	sst s2  }
0x8f: {  	_ = 	snop  }
0x90: {  	(tm) =	ssettm $0x1  }
0x91: {  	s17 =	sld [smem:$0x3FFB];
	_ =	sdelay $0x3  }
0x92: {  	_ =	strace s17  }
0x93: {  	s2 =	sld [smem:$0x3FFC];
	_ =	sdelay $0x3  }
0x94: {  	_ =	strace s2  }
0x95: {  	s2 =	sld [smem:$0x3FFD];
	_ =	sdelay $0x3  }
0x96: {  	_ =	strace s2  }
0x97: {  	_ =	strace $0x8FFFFFFF  }
0x98: {  	s18 =	sld [smem:$0x3FDB];
	_ =	sdelay $0x1  }
0x99: {  	s19 =	simm.s32 $_scs_section_size  }
0x9a: {  	s4 =	simm.s32 $_size__tile_overlayer_lowered;
	s5 =	simm.s32 $_tile_overlayer_lowered  }
0x9b: {  	s22 =	simm.s32 $0x1BFF;
	s21 =	sshll.u32 s5, $0x1;
	s2 =	sadd.s32 s19, s18  }
0x9c: {  	s6 =	simm.s32 $0x0;
	s20 =	sshll.u32 s4, $0x1;
	s4 =	sadd.s32 s21, s2  }
0x9d: {  	[timem:s6], [sflag:s22] =	dma.local [hbm:s4], s20  }
0x9e: {  	_ =	swait.ge [sflag:s22], s20  }
0x9f: {  	s3 =	ssub.s32 $0x0, s20;
	[sflag:s22] =	ssyncset.done $0x0  }
0xa0: {  	[sflag:s22] =	ssyncadd.s32 s3;
	_ =	sdelay $0x1  }
0xa1: {  	s23 =	simm.s32 $0x1B8B  }
0xa2: {  	_ =	swait.ge [sflag:s23], $0x1  }
0xa3: {  	[sflag:s23] =	ssyncset.done $0x0  }
0xa4: {  	s25 =	simm.s32 $0x1B8E;
	s24 =	sld [smem:$0x3FFE];
	[sflag:s23] =	ssyncadd.s32 $0xFFFFFFFF  }
0xa5: {  	s26 =	simm.s32 $execute0_lowered;
	[smem:$0x3FD2] =	sst s25  }
0xa6: {  	s4 =	sshll.u32 s26, $0x1;
	_ =	strace $0x80000046;
	[dreg:$0x1] =	wrdreg $0xFFFFFFFF  }
0xa7: {  	s28 =	simm.s32 $_size_execute0_lowered;
	s2 =	sadd.s32 s2, s4;
	[dreg:$0x0] =	wrdreg $0x0  }
0xa8: {  	s4 =	sshll.u32 s28, $0x1;
	[dreg:$0x2] =	wrdreg s2  }
0xa9: {  	[dreg:$0x3] =	wrdreg s4  }
0xaa: {  	[dreg:$0x4] =	wrdreg $0xC0  }
0xab: {  	_ =	task [dreg:s6], $0x5FFFF  }
0xac: {  	[dreg:$0x1] =	wrdreg $0xFFFFFFFF  }
0xad: {  	[dreg:$0x0] =	wrdreg $0x60  }
0xae: {  	[dreg:$0x2] =	wrdreg s24  }
0xaf: {  	[dreg:$0x3] =	wrdreg $0x9  }
0xb0: {  	_ =	task.clear_ibuf [dreg:s6], $0x4FFFF;
	_ =	strace $0x90000046  }
0xb1: {  	s29 =	simm.s32 $0x9;
	_ =	strace $0x80000048  }
0xb2: {  	_ =	swait.ge [sflag:s29], $0x1  }
0xb3: {  	[sflag:s29] =	ssyncadd.s32 $0xFFFFFFFF  }
0xb4: {  	_ =	strace $0x90000048  }
0xb5: {  	_ =	sfence  }
0xb6: {  	s30 =	sld [smem:$0x0];
	_ =	sdelay $0x2  }
0xb7: {  	s31 =	sshll.u32 s1, $0xD;
	s1 =	sshrl.u32 s1, $0x2  }
0xb8: {  	s3 =	sand.u32 $0x4000, s31;
	s1 =	sadd.s32 s1, s30  }
0xb9: {  	s0 =	sor.u32 s3, s0;
	s1 =	sshll.u32 s1, $0x11  }
0xba: {  	s0 =	sor.u32 s1, s0  }
0xbb: {  	s0 =	sadd.s32 $0x8F2B, s0  }
0xbc: {  	[sflag:s0] =	ssyncadd.remote.s32 $0x1  }
0xbd: {  	_ =	sfence.sel $0xFFFF  }
0xbe: {  	[dreg:$0x0] =	wrdreg $0xFFFFFFFF;
	(pc) =	sbr.abs _section_cstart, $3  }
0xbf: {  	[dreg:$0x1] =	wrdreg $0xFFFFFFFF  }
0xc0: {  	_ =	task.clear_ibuf [dreg:s6], $0x2FFFF;
	_ =	strace $0x9FFFFFFF  }
0xc1: {  	(tm) =	ssettm $0x7FFFFFFF  }
tec
execute0_lowered:
.L_overlay_start_1:
0x0: {  	(tag) =	ssettag $0x1  }
0x1: {  	s1 =	srdreg.scid;
	s0 =	stileid.u32  }
0x2: {  	s4 =	rddreg [dreg:$0x0];
	s2 =	simm.s32 $0x0;
	s11 =	simm.s32 $0x400  }
0x3: {  	s12 =	simm.s32 $0x0;
	s5 =	sand.u32 $0x1, s1;
	s6 =	smul.u32 $0x4E20, s0  }
0x4: {  	s1 =	rddreg [dreg:$0x1];
	s3 =	sshrl.u32 s0, $0x2;
	s8 =	sshll.u32 s0, $0x8  }
0x5: {  	[smem:$0x7FF] =	sst s2;
	s7 =	smul.u32 $0x2710, s5;
	s9 =	sshll.u32 s5, $0x7  }
0x6: {  	s10 =	smul.u32 $0x14000, s3;
	_ =	strace $0x80000047;
	s5 =	ssub.s32 $0x2, s5  }
0x7: {  	s3 =	sadd.s32 $0x1A200, s4;
	s8 =	sor.u32 s9, s8;
	s31 =	sshrl.u32 s5, $0x1  }
0x8: {  	s9 =	simm.s32 $0x80;
	s8 =	sand.u32 $0x380, s8;
	s6 =	sadd.s32 s7, s6  }
0x9: {  	s5 =	ssub.s32 s5, s31;
	s30 =	sor.u32 s10, s8;
	s6 =	sshrl.u32 s6, $0x3  }
0xa: {  	s5 =	smax.u32 s5, $0x1;
	s8 =	simm.s32 $0x1;
	s7 =	sshrl.u32 s30, $0x3  }
0xb: {  	s10 =	simm.s32 $0x2900;
	s6 =	sadd.s32 s6, s4;
	s4 =	sadd.s32 s7, s4  }
0xc: {  	v0 =	vimm.f32 $0.0e+00;
	s6 =	sadd.s32 $0x10400, s6;
	s7 =	simm.s32 $0x100;
	s4 =	sadd.s32 $0x1A800, s4  }
.LBB2_1:
0xd: {  	[tilespmem:s7], [sflag:$0x1] =	stream.linear.gather [hbm4b:s3+s2], $0x2800, $0x38;
	[tilespmem:$0x5100] =	vst v63  }
0xe: {  	_ =	swait.ge [sflag:s8], $0x2800  }
0xf: {  	[sflag:s8] =	ssyncset.done $0x0  }
0x10: {  	s13 =	simm.s32 $0x0;
	[sflag:s8] =	ssyncadd.s32 $0xFFFFD800  }
.LBB2_2:
0x11: {  	p0 =	sne.s32 s13, $0x9FC0  }
.Ltmp0:
0x12: {  	_ = 	snop;
	(pc) =	sbr.rel @p0 .LBB2_2-.Ltmp0, $3  }
0x13: {  	_ =	sdelay $0x1  }
0x14: {  	s14 =	sshra.s32 s13, $0x2  }
0x15: {  	s13 =	sadd.s32 $0x40, s13;
	[tilespmem:s14+$0x2900] =	vst v0  }
0x16: {  	s13 =	simm.s32 $0x0  }
.LBB2_4:
0x17: {  	s14 =	sadd.s32 s13, s6  }
0x18: {  	[tilespmem:s2], [sflag:$0x1] =	stream.linear.gather [hbm4b:s14+s2], $0x50, $0x38;
	[tilespmem:$0x5100] =	vst v63  }
0x19: {  	_ =	swait.ge [sflag:s8], $0x50  }
0x1a: {  	[sflag:s8] =	ssyncset.done $0x0  }
0x1b: {  	[sflag:s8] =	ssyncadd.s32 $0xFFFFFFB0  }
0x1c: {  	[tilespmem:s9], [sflag:$0x1] =	stream.linear.gather [hbm4b:s14+s2], $0x50, $0x38;
	[tilespmem:$0x5100] =	vst v63  }
0x1d: {  	_ =	swait.ge [sflag:s8], $0x50  }
0x1e: {  	[sflag:s8] =	ssyncset.done $0x0  }
0x1f: {  	[sflag:s8] =	ssyncadd.s32 $0xFFFFFFB0  }
0x20: {  	v1 =	vld [tilespmem:$0x0];
	_ =	sdelay $0x4  }
0x21: {  	v2 =	vld [tilespmem:$0x80];
	_ =	sdelay $0x2  }
0x22: {  	v1 =	vld.idx.msk [tilespmem:v1+s7+$0x0], $0xffff;
	_ =	sdelay $0x4  }
0x23: {  	[tilespmem:v2+s10+$0x0] =	vst.idx.add.f32.msk $0xffff, v1  }
0x24: {  	v1 =	vld [tilespmem:$0x10];
	_ =	sdelay $0x4  }
0x25: {  	v2 =	vld [tilespmem:$0x90];
	_ =	sdelay $0x2  }
0x26: {  	v1 =	vld.idx.msk [tilespmem:v1+s7+$0x0], $0xffff;
	_ =	sdelay $0x4  }
0x27: {  	[tilespmem:v2+s10+$0x0] =	vst.idx.add.f32.msk $0xffff, v1  }
0x28: {  	v1 =	vld [tilespmem:$0x20];
	_ =	sdelay $0x4  }
0x29: {  	v2 =	vld [tilespmem:$0xA0];
	_ =	sdelay $0x2  }
0x2a: {  	v1 =	vld.idx.msk [tilespmem:v1+s7+$0x0], $0xffff;
	_ =	sdelay $0x4  }
0x2b: {  	[tilespmem:v2+s10+$0x0] =	vst.idx.add.f32.msk $0xffff, v1  }
0x2c: {  	v1 =	vld [tilespmem:$0x30];
	_ =	sdelay $0x4  }
0x2d: {  	v2 =	vld [tilespmem:$0xB0];
	_ =	sdelay $0x2  }
0x2e: {  	v1 =	vld.idx.msk [tilespmem:v1+s7+$0x0], $0xffff;
	_ =	sdelay $0x4  }
0x2f: {  	[tilespmem:v2+s10+$0x0] =	vst.idx.add.f32.msk $0xffff, v1  }
0x30: {  	v1 =	vld [tilespmem:$0x40];
	_ =	sdelay $0x4  }
0x31: {  	v2 =	vld [tilespmem:$0xC0];
	_ =	sdelay $0x2  }
0x32: {  	p0 =	sne.s32 s13, $0x4D8;
	v1 =	vld.idx.msk [tilespmem:v1+s7+$0x0], $0xffff  }
.Ltmp1:
0x33: {  	_ = 	snop;
	(pc) =	sbr.rel @p0 .LBB2_4-.Ltmp1, $2  }
0x34: {  	_ =	sdelay $0x2  }
0x35: {  	s13 =	sadd.s32 $0xA, s13;
	[tilespmem:v2+s10+$0x0] =	vst.idx.add.f32.msk $0xffff, v1  }
0x36: {  	s12 =	sadd.s32 $0x1, s12  }
0x37: {  	p0 =	sne.s32 s12, s5  }
.Ltmp2:
0x38: {  	_ = 	snop;
	(pc) =	sbr.rel @p0 .LBB2_1-.Ltmp2, $4  }
0x39: {  	[hbm4b:s4+s9] =	stream.strided.scatter [tilespmem:s10], [sflag:$0x1], $0x2800, s11, s9, $0x38;
	[tilespmem:$0x5100] =	vst v63  }
0x3a: {  	_ =	swait.ge [sflag:s8], $0x2800  }
0x3b: {  	[sflag:s8] =	ssyncset.done $0x0  }
0x3c: {  	[sflag:s8] =	ssyncadd.s32 $0xFFFFD800  }
0x3d: {  	_ =	sfence.sel $0x180000  }
0x3e: {  	[bflag:$0x0] =	sbarrier.arrive $0xFFFF  }
0x3f: {  	p0 =	sne.s32 s0, $0x0;
	_ =	strace $0x90000047  }
0x40: {  	s0 =	sadd.s32 @!p0 $0x100000, s1;
	[bflag:$0x2] =	sbarrier.arrive $0xFFFF  }
0x41: {  	[sflag:s0] =	ssyncadd.tile.s32 @!p0 $0x1;
	_ =	shalt  }
.Lfunc_end2:
_tile_overlayer_lowered:
.L_overlay_start_2:
0x42: {  	(tag) =	ssettag $0x2  }
0x43: {  	s0 =	rddreg [dreg:$0x0];
	s2 =	stileid.u32  }
0x44: {  	s1 =	rddreg [dreg:$0x1];
	p0 =	sne.s32 s2, $0x0  }
0x45: {  	s3 =	rddreg [dreg:$0x2];
	[bflag:$0x3] =	sbarrier.arrive $0xFFFF;
	s2 =	simm.s32 @!p0 $0x1C01  }
0x46: {  	[timem:s3], [sflag:s2] =	dma.local @!p0 [hbm:s0], s1  }
0x47: {  	s0 =	simm.s32 @!p0 $0x1  }
0x48: {  	_ =	swait.ge @!p0 [sflag:s0], s1  }
0x49: {  	s1 =	ssub.s32 @!p0 $0x0, s1;
	[sflag:s0] =	ssyncset.done @!p0 $0x0  }
0x4a: {  	[sflag:s0] =	ssyncadd.s32 @!p0 s1  }
0x4b: {  	[bflag:$0x3] =	sbarrier.arrive $0xFFFF  }
0x4c: {  	_ =	shalt  }

// kernel: kernel.18.cloned.1.call-start
scs
__scs_entry_jumppad:
0x0: {  	(pc) =	sbr.rel $0x88, $3  }
0x1: {  	(tag) =	ssettag $0x0;
	lr =	simm.s32 $0x1  }
0x2: {  	[smem:$0x3F8C] =	sst lr;
	_ =	strace $0xD0000000  }
0x3: {  	_ = 	snop  }
0x4: {  	_ = 	snop  }
0x5: {  	_ = 	snop  }
0x6: {  	_ = 	snop  }
0x7: {  	_ = 	snop  }
__scs_overlays_trampoline_lowered:
0x8: {  	[smem:$0x3F9B] =	sst s0  }
0x9: {  	[smem:$0x3F9C] =	sst s1  }
0xa: {  	[smem:$0x3F9D] =	sst s2  }
0xb: {  	[smem:$0x3F9E] =	sst s3  }
0xc: {  	[smem:$0x3F9F] =	sst s4  }
0xd: {  	[smem:$0x3FA0] =	sst s5  }
0xe: {  	[smem:$0x3FA1] =	sst s6  }
0xf: {  	[smem:$0x3FA2] =	sst s7  }
0x10: {  	[smem:$0x3FA3] =	sst s8  }
0x11: {  	[smem:$0x3FA4] =	sst s9;
	s0 =	simm.s32 @!p0 $0x0  }
0x12: {  	s1 =	sld [smem:$0x3F8A];
	s0 =	simm.s32 @p0 $0x1  }
0x13: {  	[smem:$0x3FA5] =	sst s0;
	s0 =	simm.s32 @!p1 $0x0  }
0x14: {  	s2 =	sld [smem:$0x3F89];
	s0 =	simm.s32 @p1 $0x1  }
0x15: {  	[smem:$0x3FA6] =	sst s0;
	s0 =	simm.s32 @!p2 $0x0  }
0x16: {  	s3 =	sld [smem:$0x3FDB];
	s0 =	simm.s32 @p2 $0x1  }
0x17: {  	s4 =	simm.s32 $0x1BF5;
	[smem:$0x3FA8] =	sst s0  }
0x18: {  	s0 =	sld [smem:$0x3F8B];
	_ =	swait.ge [sflag:s4], $0x0  }
0x19: {  	s7 =	sld [smem:$0x3F8C]  }
0x1a: {  	s8 =	sadd.s32 $0xFFFFE003, lr  }
0x1b: {  	s9 =	sadd.s32 $0xFFFFFEF7, lr;
	s5 =	simm.s32 $0xFFFFFFFF;
	p2 =	slt.u32 s8, $0xFFFFF086  }
0x1c: {  	p1 =	slt.u32 s9, $0xF7A;
	s5 =	simm.s32 @!p2 $0x0  }
0x1d: {  	s5 =	simm.s32 @p1 $0x1;
	p0 =	seq.s32 s7, s2  }
0x1e: {  	s7 =	smul.u32 @!p0 $0xF7A, s2;
	p2 =	seq.s32 @!p0 s5, $0x0  }
0x1f: {  	s9 =	smul.u32 $0xF7A, s1;
	s8 =	simm.s32 @!p0 $0x1BF5;
	p2 =	por !p2, p0  }
0x20: {  	[sflag:s8] =	ssyncset.s32 @!p0 $0xFFFFF086;
	s6 =	sadd.s32 @!p0 s3, s7;
	s7 =	simm.s32 @!p0 $0x108  }
0x21: {  	s3 =	sadd.s32 s3, s9;
	s6 =	sadd.s32 @!p0 $0x88, s6;
	s7 =	simm.s32 @p2 $0x1082  }
0x22: {  	[simem:s7], [sflag:s8] =	dma.local @!p0 [hbm:s6], $0xF7A  }
0x23: {  	s9 =	sor.u32 $0xD0000000, s2;
	s6 =	simm.s32 $0x108;
	_ =	swait.ge @!p0 [sflag:s8], $0x0  }
0x24: {  	s3 =	sadd.s32 $0x88, s3;
	s6 =	simm.s32 @!p1 $0x1082;
	[sflag:s4] =	ssyncset.s32 $0xFFFFF086  }
0x25: {  	[simem:s6], [sflag:s4] =	dma.local [hbm:s3], $0xF7A  }
0x26: {  	[smem:$0x3F8C] =	sst s1;
	(tag) =	ssettag s2;
	_ =	strace s9  }
0x27: {  	s1 =	sld [smem:$0x3F9C]  }
0x28: {  	s2 =	sld [smem:$0x3F9D]  }
0x29: {  	s4 =	sld [smem:$0x3F9F]  }
0x2a: {  	p0 =	seq.s32 s5, $0x0;
	s5 =	sld [smem:$0x3FA0]  }
0x2b: {  	s6 =	sld [smem:$0x3FA1]  }
0x2c: {  	s7 =	sld [smem:$0x3FA2]  }
0x2d: {  	s3 =	simm.s32 $0x108;
	s8 =	sld [smem:$0x3FA3]  }
0x2e: {  	s3 =	simm.s32 @!p0 $0x1082;
	s9 =	sld [smem:$0x3FA4]  }
0x2f: {  	lr =	sadd.s32 s0, s3;
	s0 =	sld [smem:$0x3F9B]  }
0x30: {  	s3 =	sld [smem:$0x3F9E]  }
0x31: {  	[smem:$0x3FA7] =	sst s10  }
0x32: {  	s10 =	sld [smem:$0x3FA5];
	_ =	sdelay $0x3  }
0x33: {  	p0 =	seq.s32 s10, $0x1;
	s10 =	sld [smem:$0x3FA7];
	_ =	sdelay $0x3  }
0x34: {  	[smem:$0x3FA7] =	sst s10  }
0x35: {  	s10 =	sld [smem:$0x3FA6];
	_ =	sdelay $0x3  }
0x36: {  	p1 =	seq.s32 s10, $0x1;
	s10 =	sld [smem:$0x3FA7];
	_ =	sdelay $0x3  }
0x37: {  	[smem:$0x3FA7] =	sst s10  }
0x38: {  	s10 =	sld [smem:$0x3FA8]  }
0x39: {  	_ = 	snop;
	(pc) =	sbr.ind lr, $3  }
0x3a: {  	_ = 	snop  }
0x3b: {  	_ = 	snop  }
0x3c: {  	p2 =	seq.s32 s10, $0x1;
	s10 =	sld [smem:$0x3FA7]  }
0x3d: {  	_ =	shalt  }
0x3e: {  	_ =	shalt  }
0x3f: {  	_ =	shalt  }
0x40: {  	_ =	shalt  }
0x41: {  	_ =	shalt  }
0x42: {  	_ =	shalt  }
0x43: {  	_ =	shalt  }
0x44: {  	_ =	shalt  }
0x45: {  	_ =	shalt  }
0x46: {  	_ =	shalt  }
0x47: {  	_ =	shalt  }
0x48: {  	_ =	shalt  }
0x49: {  	_ =	shalt  }
0x4a: {  	_ =	shalt  }
0x4b: {  	_ =	shalt  }
0x4c: {  	_ =	shalt  }
0x4d: {  	_ =	shalt  }
0x4e: {  	_ =	shalt  }
0x4f: {  	_ =	shalt  }
0x50: {  	_ =	shalt  }
0x51: {  	_ =	shalt  }
0x52: {  	_ =	shalt  }
0x53: {  	_ =	shalt  }
0x54: {  	_ =	shalt  }
0x55: {  	_ =	shalt  }
0x56: {  	_ =	shalt  }
0x57: {  	_ =	shalt  }
0x58: {  	_ =	shalt  }
0x59: {  	_ =	shalt  }
0x5a: {  	_ =	shalt  }
0x5b: {  	_ =	shalt  }
0x5c: {  	_ =	shalt  }
0x5d: {  	_ =	shalt  }
0x5e: {  	_ =	shalt  }
0x5f: {  	_ =	shalt  }
0x60: {  	_ =	shalt  }
0x61: {  	_ =	shalt  }
0x62: {  	_ =	shalt  }
0x63: {  	_ =	shalt  }
0x64: {  	_ =	shalt  }
0x65: {  	_ =	shalt  }
0x66: {  	_ =	shalt  }
0x67: {  	_ =	shalt  }
0x68: {  	_ =	shalt  }
0x69: {  	_ =	shalt  }
0x6a: {  	_ =	shalt  }
0x6b: {  	_ =	shalt  }
0x6c: {  	_ =	shalt  }
0x6d: {  	_ =	shalt  }
0x6e: {  	_ =	shalt  }
0x6f: {  	_ =	shalt  }
0x70: {  	_ =	shalt  }
0x71: {  	_ =	shalt  }
0x72: {  	_ =	shalt  }
0x73: {  	_ =	shalt  }
0x74: {  	_ =	shalt  }
0x75: {  	_ =	shalt  }
0x76: {  	_ =	shalt  }
0x77: {  	_ =	shalt  }
0x78: {  	_ =	shalt  }
0x79: {  	_ =	shalt  }
0x7a: {  	_ =	shalt  }
0x7b: {  	_ =	shalt  }
0x7c: {  	_ =	shalt  }
0x7d: {  	_ =	shalt  }
0x7e: {  	_ =	shalt  }
0x7f: {  	_ =	shalt  }
0x80: {  	_ =	shalt  }
0x81: {  	_ =	shalt  }
0x82: {  	_ =	shalt  }
0x83: {  	_ =	shalt  }
0x84: {  	_ =	shalt  }
0x85: {  	_ =	shalt  }
0x86: {  	_ =	shalt  }
0x87: {  	_ =	shalt  }
.Lfunc_end0:
.L_simem_size_0:
called_computation.1_lowered:
.L_overlay_start_0:
0x88: {  	s2 =	sld [smem:$0x3FD9]  }
0x89: {  	s3 =	sld [smem:$0x3FFE];
	_ =	sdelay $0x1  }
0x8a: {  	s1 =	srdreg.scid  }
0x8b: {  	s0 =	sand.u32 $0x1, s1  }
0x8c: {  	s16 =	sshll.u32 s0, $0xA;
	s2 =	sadd.s32 s3, s2  }
0x8d: {  	s2 =	sadd.s32 s2, s16  }
0x8e: {  	[smem:$0x3FB3] =	sst s2  }
0x8f: {  	_ = 	snop  }
0x90: {  	(tm) =	ssettm $0x1  }
0x91: {  	s17 =	sld [smem:$0x3FFB];
	_ =	sdelay $0x3  }
0x92: {  	_ =	strace s17  }
0x93: {  	s2 =	sld [smem:$0x3FFC];
	_ =	sdelay $0x3  }
0x94: {  	_ =	strace s2  }
0x95: {  	s2 =	sld [smem:$0x3FFD];
	_ =	sdelay $0x3  }
0x96: {  	_ =	strace s2  }
0x97: {  	_ =	strace $0x8FFFFFFF  }
0x98: {  	s18 =	sld [smem:$0x3FDB];
	_ =	sdelay $0x1  }
0x99: {  	s19 =	simm.s32 $_scs_section_size  }
0x9a: {  	s4 =	simm.s32 $_size__tile_overlayer_lowered;
	s5 =	simm.s32 $_tile_overlayer_lowered  }
0x9b: {  	s22 =	simm.s32 $0x1BFF;
	s21 =	sshll.u32 s5, $0x1;
	s2 =	sadd.s32 s19, s18  }
0x9c: {  	s6 =	simm.s32 $0x0;
	s20 =	sshll.u32 s4, $0x1;
	s4 =	sadd.s32 s21, s2  }
0x9d: {  	[timem:s6], [sflag:s22] =	dma.local [hbm:s4], s20  }
0x9e: {  	_ =	swait.ge [sflag:s22], s20  }
0x9f: {  	s3 =	ssub.s32 $0x0, s20;
	[sflag:s22] =	ssyncset.done $0x0  }
0xa0: {  	[sflag:s22] =	ssyncadd.s32 s3;
	_ =	sdelay $0x1  }
0xa1: {  	s23 =	simm.s32 $0x1B8B  }
0xa2: {  	_ =	swait.ge [sflag:s23], $0x1  }
0xa3: {  	[sflag:s23] =	ssyncset.done $0x0  }
0xa4: {  	s25 =	simm.s32 $0x1B8E;
	s24 =	sld [smem:$0x3FFE];
	[sflag:s23] =	ssyncadd.s32 $0xFFFFFFFF  }
0xa5: {  	s26 =	simm.s32 $execute0_lowered;
	[smem:$0x3FD2] =	sst s25  }
0xa6: {  	s4 =	sshll.u32 s26, $0x1;
	_ =	strace $0x80000049;
	[dreg:$0x1] =	wrdreg $0xFFFFFFFF  }
0xa7: {  	s28 =	simm.s32 $_size_execute0_lowered;
	s2 =	sadd.s32 s2, s4;
	[dreg:$0x0] =	wrdreg $0x0  }
0xa8: {  	s4 =	sshll.u32 s28, $0x1;
	[dreg:$0x2] =	wrdreg s2  }
0xa9: {  	[dreg:$0x3] =	wrdreg s4  }
0xaa: {  	[dreg:$0x4] =	wrdreg $0xC0  }
0xab: {  	_ =	task [dreg:s6], $0x5FFFF  }
0xac: {  	[dreg:$0x1] =	wrdreg $0xFFFFFFFF  }
0xad: {  	[dreg:$0x0] =	wrdreg $0x60  }
0xae: {  	[dreg:$0x2] =	wrdreg s24  }
0xaf: {  	[dreg:$0x3] =	wrdreg $0xC9000  }
0xb0: {  	[dreg:$0x4] =	wrdreg $0x9  }
0xb1: {  	_ =	task.clear_ibuf [dreg:s6], $0x5FFFF;
	_ =	strace $0x90000049  }
0xb2: {  	s29 =	simm.s32 $0x9;
	_ =	strace $0x8000004B  }
0xb3: {  	_ =	swait.ge [sflag:s29], $0x1  }
0xb4: {  	[sflag:s29] =	ssyncadd.s32 $0xFFFFFFFF  }
0xb5: {  	_ =	strace $0x9000004B  }
0xb6: {  	_ =	sfence  }
0xb7: {  	s30 =	sld [smem:$0x0];
	_ =	sdelay $0x2  }
0xb8: {  	s31 =	sshll.u32 s1, $0xD;
	s1 =	sshrl.u32 s1, $0x2  }
0xb9: {  	s3 =	sand.u32 $0x4000, s31;
	s1 =	sadd.s32 s1, s30  }
0xba: {  	s0 =	sor.u32 s3, s0;
	s1 =	sshll.u32 s1, $0x11  }
0xbb: {  	s0 =	sor.u32 s1, s0  }
0xbc: {  	s0 =	sadd.s32 $0x8F2B, s0  }
0xbd: {  	[sflag:s0] =	ssyncadd.remote.s32 $0x1  }
0xbe: {  	_ =	sfence.sel $0xFFFF  }
0xbf: {  	[dreg:$0x0] =	wrdreg $0xFFFFFFFF;
	(pc) =	sbr.abs _section_cstart, $3  }
0xc0: {  	[dreg:$0x1] =	wrdreg $0xFFFFFFFF  }
0xc1: {  	_ =	task.clear_ibuf [dreg:s6], $0x2FFFF;
	_ =	strace $0x9FFFFFFF  }
0xc2: {  	(tm) =	ssettm $0x7FFFFFFF  }
0xc3: {  	_ =	shalt  }
tec
execute0_lowered:
.L_overlay_start_1:
0x0: {  	(tag) =	ssettag $0x1  }
0x1: {  	s6 =	rddreg [dreg:$0x0]  }
0x2: {  	s0 =	stileid.u32;
	s1 =	srdreg.scid  }
0x3: {  	s2 =	rddreg [dreg:$0x1];
	s3 =	simm.s32 $0x0;
	s12 =	simm.s32 $0x2  }
0x4: {  	s13 =	simm.s32 $0x80;
	s14 =	simm.s32 $0x50;
	s5 =	smul.u32 $0x9C4, s0  }
0x5: {  	s16 =	simm.s32 $0x1;
	s17 =	simm.s32 $0x0;
	s9 =	smul.u32 $0xA000, s0  }
0x6: {  	s7 =	sand.u32 $0x1, s1;
	s1 =	rddreg [dreg:$0x2];
	s11 =	smul.u32 $0x28000, s0  }
0x7: {  	[smem:$0x7FF] =	sst s3;
	s4 =	sadd.s32 $0x1A200, s6;
	s8 =	smul.u32 $0xA0000, s7  }
0x8: {  	_ =	strace $0x8000004A;
	s29 =	ssub.s32 $0x2, s7;
	s15 =	smul.u32 $0x1400, s7  }
0x9: {  	s10 =	sadd.s32 s5, s6;
	s5 =	sadd.s32 $0x6A200, s6;
	s28 =	sadd.s32 s9, s8  }
0xa: {  	s30 =	sshrl.u32 s29, $0x1;
	s31 =	sshrl.u32 s11, $0x2;
	s8 =	sshrl.u32 s28, $0x3  }
0xb: {  	s11 =	simm.s32 $0x2900;
	s9 =	ssub.s32 s29, s30;
	s8 =	sadd.s32 s8, s6  }
0xc: {  	v0 =	vmov s15;
	s15 =	simm.s32 $0x100;
	s6 =	sadd.s32 s31, s2;
	s7 =	sadd.s32 $0x6B600, s8  }
0xd: {  	s8 =	smax.u32 s9, $0x1;
	s9 =	sadd.s32 $0x10400, s10;
	s10 =	sadd.s32 $0x6600, s10  }
.LBB2_1:
0xe: {  	[tilespmem:s11], [sflag:$0x2] =	stream.linear.gather [hbm4b:s5+s3], $0xA000, $0x38;
	[tilespmem:$0x16940] =	vst v63  }
0xf: {  	_ =	swait.ge [sflag:s12], $0xA000  }
0x10: {  	[sflag:s12] =	ssyncset.done $0x0  }
0x11: {  	[sflag:s12] =	ssyncadd.s32 $0xFFFF6000  }
0x12: {  	[spmem:s6] =	stream.linear.scatter [tilespmem:s11], [sflag:$0x2], $0xA000, $0x38;
	[tilespmem:$0x16940] =	vst v63  }
0x13: {  	_ =	swait.ge [sflag:s12], $0xA000  }
0x14: {  	[sflag:s12] =	ssyncset.done $0x0  }
0x15: {  	[sflag:s12] =	ssyncadd.s32 $0xFFFF6000  }
0x16: {  	s18 =	sadd.s32 $0x0, s10;
	[bflag:$0x0] =	sbarrier.arrive $0xFFFF  }
0x17: {  	[tilespmem:s3], [sflag:$0x2] =	stream.linear.gather [hbm4b:s18+s3], $0x50, $0x38;
	[tilespmem:$0x16940] =	vst v63  }
0x18: {  	_ =	swait.ge [sflag:s12], $0x50  }
0x19: {  	[sflag:s12] =	ssyncset.done $0x0  }
0x1a: {  	s31 =	sadd.s32 $0x0, s9;
	[sflag:s12] =	ssyncadd.s32 $0xFFFFFFB0  }
0x1b: {  	[tilespmem:s13], [sflag:$0x2] =	stream.linear.gather [hbm4b:s31+s3], $0x50, $0x38;
	[tilespmem:$0x16940] =	vst v63  }
0x1c: {  	_ =	swait.ge [sflag:s12], $0x50  }
0x1d: {  	[sflag:s12] =	ssyncset.done $0x0  }
0x1e: {  	[sflag:s12] =	ssyncadd.s32 $0xFFFFFFB0  }
0x1f: {  	v1 =	vld [tilespmem:$0xC0]  }
0x20: {  	v2 =	vld [tilespmem:$0xB0]  }
0x21: {  	v3 =	vld [tilespmem:$0xA0]  }
0x22: {  	v4 =	vld [tilespmem:$0x90]  }
0x23: {  	v5 =	vld [tilespmem:$0x80]  }
0x24: {  	v1 =	vsub.s32 v1, v0  }
0x25: {  	v2 =	vsub.s32 v2, v0;
	v1 =	vmin.u32 v1, $0x1400  }
0x26: {  	v3 =	vsub.s32 v3, v0;
	v2 =	vmin.u32 v2, $0x1400;
	[tilespmem:$0xC0] =	vst v1  }
0x27: {  	v3 =	vmin.u32 v3, $0x1400;
	v1 =	vsub.s32 v4, v0;
	[tilespmem:$0xB0] =	vst v2  }
0x28: {  	v2 =	vsub.s32 v5, v0;
	[tilespmem:$0xA0] =	vst v3;
	v1 =	vmin.u32 v1, $0x1400  }
0x29: {  	v2 =	vmin.u32 v2, $0x1400;
	[tilespmem:$0x90] =	vst v1  }
0x2a: {  	[tilespmem:$0x80] =	vst v2  }
0x2b: {  	[tilespmem:s15], [sflag:$0x1] =	stream.indirect.gather [hbm4b:s4+s14], $0x80, s3, s14, $0xb8;
	[tilespmem:$0x16940] =	vst v63  }
0x2c: {  	_ =	swait.ge [sflag:s16], $0x2800  }
0x2d: {  	s18 =	simm.s32 $0xA;
	[sflag:s16] =	ssyncset.done $0x0  }
.LBB2_2:
0x2e: {  	p0 =	sne.s32 s18, $0x9BA  }
0x2f: {  	[sflag:s16] =	ssyncadd.s32 $0xFFFFD800;
	s19 =	smov.u32 s18;
	s18 =	sadd.s32 $0xA, s18  }
0x30: {  	[spmem:s2] =	stream.indirect.scatter.add.f32 [tilespmem:s15], [sflag:$0x2], $0x80, s13, s14, $0xb8;
	[tilespmem:$0x16940] =	vst v63  }
0x31: {  	_ =	swait.ge [sflag:s12], $0x2800  }
0x32: {  	[sflag:s12] =	ssyncset.done $0x0  }
0x33: {  	s20 =	sadd.s32 s19, s10;
	[sflag:s12] =	ssyncadd.s32 $0xFFFFD800  }
0x34: {  	[tilespmem:s3], [sflag:$0x2] =	stream.linear.gather [hbm4b:s20+s3], $0x50, $0x38;
	[tilespmem:$0x16940] =	vst v63  }
0x35: {  	_ =	swait.ge [sflag:s12], $0x50  }
0x36: {  	[sflag:s12] =	ssyncset.done $0x0  }
0x37: {  	s19 =	sadd.s32 s19, s9;
	[sflag:s12] =	ssyncadd.s32 $0xFFFFFFB0  }
0x38: {  	[tilespmem:s13], [sflag:$0x2] =	stream.linear.gather [hbm4b:s19+s3], $0x50, $0x38;
	[tilespmem:$0x16940] =	vst v63  }
0x39: {  	_ =	swait.ge [sflag:s12], $0x50  }
0x3a: {  	[sflag:s12] =	ssyncset.done $0x0  }
0x3b: {  	[sflag:s12] =	ssyncadd.s32 $0xFFFFFFB0  }
0x3c: {  	v1 =	vld [tilespmem:$0xC0]  }
0x3d: {  	v2 =	vld [tilespmem:$0xB0]  }
0x3e: {  	v3 =	vld [tilespmem:$0xA0]  }
0x3f: {  	v4 =	vld [tilespmem:$0x90]  }
0x40: {  	v5 =	vld [tilespmem:$0x80]  }
0x41: {  	v1 =	vsub.s32 v1, v0  }
0x42: {  	v2 =	vsub.s32 v2, v0;
	v1 =	vmin.u32 v1, $0x1400  }
0x43: {  	v3 =	vsub.s32 v3, v0;
	v2 =	vmin.u32 v2, $0x1400;
	[tilespmem:$0xC0] =	vst v1  }
0x44: {  	v1 =	vsub.s32 v4, v0;
	v3 =	vmin.u32 v3, $0x1400;
	[tilespmem:$0xB0] =	vst v2  }
0x45: {  	v2 =	vsub.s32 v5, v0;
	v1 =	vmin.u32 v1, $0x1400;
	[tilespmem:$0xA0] =	vst v3  }
.Ltmp0:
0x46: {  	v2 =	vmin.u32 v2, $0x1400;
	[tilespmem:$0x90] =	vst v1;
	(pc) =	sbr.rel @p0 .LBB2_2-.Ltmp0, $4  }
0x47: {  	[tilespmem:$0x80] =	vst v2  }
0x48: {  	[tilespmem:s15], [sflag:$0x1] =	stream.indirect.gather [hbm4b:s4+s14], $0x80, s3, s14, $0xb8;
	[tilespmem:$0x16940] =	vst v63  }
0x49: {  	_ =	swait.ge [sflag:s16], $0x2800  }
0x4a: {  	[sflag:s16] =	ssyncset.done $0x0  }
0x4b: {  	[sflag:s16] =	ssyncadd.s32 $0xFFFFD800  }
0x4c: {  	[spmem:s2] =	stream.indirect.scatter.add.f32 [tilespmem:s15], [sflag:$0x2], $0x80, s13, s14, $0xb8;
	[tilespmem:$0x16940] =	vst v63  }
0x4d: {  	_ =	swait.ge [sflag:s12], $0x2800  }
0x4e: {  	[sflag:s12] =	ssyncset.done $0x0  }
0x4f: {  	[sflag:s12] =	ssyncadd.s32 $0xFFFFD800  }
0x50: {  	[bflag:$0x0] =	sbarrier.arrive $0xFFFF  }
0x51: {  	[tilespmem:s11], [sflag:$0x2] =	stream.linear.gather [spmem:s6], $0xA000, $0x38;
	[tilespmem:$0x16940] =	vst v63  }
0x52: {  	s17 =	sadd.s32 $0x1, s17;
	_ =	swait.ge [sflag:s12], $0xA000  }
0x53: {  	p0 =	sne.s32 s17, s8;
	[sflag:s12] =	ssyncset.done $0x0  }
.Ltmp1:
0x54: {  	[sflag:s12] =	ssyncadd.s32 $0xFFFF6000;
	(pc) =	sbr.rel @p0 .LBB2_1-.Ltmp1, $4  }
0x55: {  	[hbm4b:s7+s3] =	stream.linear.scatter [tilespmem:s11], [sflag:$0x2], $0xA000, $0x38;
	[tilespmem:$0x16940] =	vst v63  }
0x56: {  	_ =	swait.ge [sflag:s12], $0xA000  }
0x57: {  	[sflag:s12] =	ssyncset.done $0x0  }
0x58: {  	[sflag:s12] =	ssyncadd.s32 $0xFFFF6000  }
0x59: {  	_ =	sfence.sel $0x180000  }
0x5a: {  	[bflag:$0x0] =	sbarrier.arrive $0xFFFF  }
0x5b: {  	p0 =	sne.s32 s0, $0x0;
	_ =	strace $0x9000004A  }
0x5c: {  	s0 =	sadd.s32 @!p0 $0x100000, s1;
	[bflag:$0x2] =	sbarrier.arrive $0xFFFF  }
0x5d: {  	[sflag:s0] =	ssyncadd.tile.s32 @!p0 $0x1;
	_ =	shalt  }
.Lfunc_end2:
_tile_overlayer_lowered:
.L_overlay_start_2:
0x5e: {  	(tag) =	ssettag $0x2  }
0x5f: {  	s0 =	rddreg [dreg:$0x0];
	s2 =	stileid.u32  }
0x60: {  	s1 =	rddreg [dreg:$0x1];
	p0 =	sne.s32 s2, $0x0  }
0x61: {  	s3 =	rddreg [dreg:$0x2];
	[bflag:$0x3] =	sbarrier.arrive $0xFFFF;
	s2 =	simm.s32 @!p0 $0x1C02  }
0x62: {  	[timem:s3], [sflag:s2] =	dma.local @!p0 [hbm:s0], s1  }
0x63: {  	s0 =	simm.s32 @!p0 $0x2  }
0x64: {  	_ =	swait.ge @!p0 [sflag:s0], s1  }
0x65: {  	s1 =	ssub.s32 @!p0 $0x0, s1;
	[sflag:s0] =	ssyncset.done @!p0 $0x0  }
0x66: {  	[sflag:s0] =	ssyncadd.s32 @!p0 s1  }
0x67: {  	[bflag:$0x3] =	sbarrier.arrive $0xFFFF  }
0x68: {  	_ =	shalt  }

// kernel: kernel.21.cloned.1.call-start
scs
__scs_entry_jumppad:
0x0: {  	(pc) =	sbr.rel $0x88, $3  }
0x1: {  	(tag) =	ssettag $0x0;
	lr =	simm.s32 $0x1  }
0x2: {  	[smem:$0x3F8C] =	sst lr;
	_ =	strace $0xD0000000  }
0x3: {  	_ = 	snop  }
0x4: {  	_ = 	snop  }
0x5: {  	_ = 	snop  }
0x6: {  	_ = 	snop  }
0x7: {  	_ = 	snop  }
__scs_overlays_trampoline_lowered:
0x8: {  	[smem:$0x3F9B] =	sst s0  }
0x9: {  	[smem:$0x3F9C] =	sst s1  }
0xa: {  	[smem:$0x3F9D] =	sst s2  }
0xb: {  	[smem:$0x3F9E] =	sst s3  }
0xc: {  	[smem:$0x3F9F] =	sst s4  }
0xd: {  	[smem:$0x3FA0] =	sst s5  }
0xe: {  	[smem:$0x3FA1] =	sst s6  }
0xf: {  	[smem:$0x3FA2] =	sst s7  }
0x10: {  	[smem:$0x3FA3] =	sst s8  }
0x11: {  	[smem:$0x3FA4] =	sst s9;
	s0 =	simm.s32 @!p0 $0x0  }
0x12: {  	s1 =	sld [smem:$0x3F8A];
	s0 =	simm.s32 @p0 $0x1  }
0x13: {  	[smem:$0x3FA5] =	sst s0;
	s0 =	simm.s32 @!p1 $0x0  }
0x14: {  	s2 =	sld [smem:$0x3F89];
	s0 =	simm.s32 @p1 $0x1  }
0x15: {  	[smem:$0x3FA6] =	sst s0;
	s0 =	simm.s32 @!p2 $0x0  }
0x16: {  	s3 =	sld [smem:$0x3FDB];
	s0 =	simm.s32 @p2 $0x1  }
0x17: {  	s4 =	simm.s32 $0x1BF5;
	[smem:$0x3FA8] =	sst s0  }
0x18: {  	s0 =	sld [smem:$0x3F8B];
	_ =	swait.ge [sflag:s4], $0x0  }
0x19: {  	s7 =	sld [smem:$0x3F8C]  }
0x1a: {  	s8 =	sadd.s32 $0xFFFFE003, lr  }
0x1b: {  	s9 =	sadd.s32 $0xFFFFFEF7, lr;
	s5 =	simm.s32 $0xFFFFFFFF;
	p2 =	slt.u32 s8, $0xFFFFF086  }
0x1c: {  	p1 =	slt.u32 s9, $0xF7A;
	s5 =	simm.s32 @!p2 $0x0  }
0x1d: {  	s5 =	simm.s32 @p1 $0x1;
	p0 =	seq.s32 s7, s2  }
0x1e: {  	s7 =	smul.u32 @!p0 $0xF7A, s2;
	p2 =	seq.s32 @!p0 s5, $0x0  }
0x1f: {  	s9 =	smul.u32 $0xF7A, s1;
	s8 =	simm.s32 @!p0 $0x1BF5;
	p2 =	por !p2, p0  }
0x20: {  	[sflag:s8] =	ssyncset.s32 @!p0 $0xFFFFF086;
	s6 =	sadd.s32 @!p0 s3, s7;
	s7 =	simm.s32 @!p0 $0x108  }
0x21: {  	s3 =	sadd.s32 s3, s9;
	s6 =	sadd.s32 @!p0 $0x88, s6;
	s7 =	simm.s32 @p2 $0x1082  }
0x22: {  	[simem:s7], [sflag:s8] =	dma.local @!p0 [hbm:s6], $0xF7A  }
0x23: {  	s9 =	sor.u32 $0xD0000000, s2;
	s6 =	simm.s32 $0x108;
	_ =	swait.ge @!p0 [sflag:s8], $0x0  }
0x24: {  	s3 =	sadd.s32 $0x88, s3;
	s6 =	simm.s32 @!p1 $0x1082;
	[sflag:s4] =	ssyncset.s32 $0xFFFFF086  }
0x25: {  	[simem:s6], [sflag:s4] =	dma.local [hbm:s3], $0xF7A  }
0x26: {  	[smem:$0x3F8C] =	sst s1;
	(tag) =	ssettag s2;
	_ =	strace s9  }
0x27: {  	s1 =	sld [smem:$0x3F9C]  }
0x28: {  	s2 =	sld [smem:$0x3F9D]  }
0x29: {  	s4 =	sld [smem:$0x3F9F]  }
0x2a: {  	p0 =	seq.s32 s5, $0x0;
	s5 =	sld [smem:$0x3FA0]  }
0x2b: {  	s6 =	sld [smem:$0x3FA1]  }
0x2c: {  	s7 =	sld [smem:$0x3FA2]  }
0x2d: {  	s3 =	simm.s32 $0x108;
	s8 =	sld [smem:$0x3FA3]  }
0x2e: {  	s3 =	simm.s32 @!p0 $0x1082;
	s9 =	sld [smem:$0x3FA4]  }
0x2f: {  	lr =	sadd.s32 s0, s3;
	s0 =	sld [smem:$0x3F9B]  }
0x30: {  	s3 =	sld [smem:$0x3F9E]  }
0x31: {  	[smem:$0x3FA7] =	sst s10  }
0x32: {  	s10 =	sld [smem:$0x3FA5];
	_ =	sdelay $0x3  }
0x33: {  	p0 =	seq.s32 s10, $0x1;
	s10 =	sld [smem:$0x3FA7];
	_ =	sdelay $0x3  }
0x34: {  	[smem:$0x3FA7] =	sst s10  }
0x35: {  	s10 =	sld [smem:$0x3FA6];
	_ =	sdelay $0x3  }
0x36: {  	p1 =	seq.s32 s10, $0x1;
	s10 =	sld [smem:$0x3FA7];
	_ =	sdelay $0x3  }
0x37: {  	[smem:$0x3FA7] =	sst s10  }
0x38: {  	s10 =	sld [smem:$0x3FA8]  }
0x39: {  	_ = 	snop;
	(pc) =	sbr.ind lr, $3  }
0x3a: {  	_ = 	snop  }
0x3b: {  	_ = 	snop  }
0x3c: {  	p2 =	seq.s32 s10, $0x1;
	s10 =	sld [smem:$0x3FA7]  }
0x3d: {  	_ =	shalt  }
0x3e: {  	_ =	shalt  }
0x3f: {  	_ =	shalt  }
0x40: {  	_ =	shalt  }
0x41: {  	_ =	shalt  }
0x42: {  	_ =	shalt  }
0x43: {  	_ =	shalt  }
0x44: {  	_ =	shalt  }
0x45: {  	_ =	shalt  }
0x46: {  	_ =	shalt  }
0x47: {  	_ =	shalt  }
0x48: {  	_ =	shalt  }
0x49: {  	_ =	shalt  }
0x4a: {  	_ =	shalt  }
0x4b: {  	_ =	shalt  }
0x4c: {  	_ =	shalt  }
0x4d: {  	_ =	shalt  }
0x4e: {  	_ =	shalt  }
0x4f: {  	_ =	shalt  }
0x50: {  	_ =	shalt  }
0x51: {  	_ =	shalt  }
0x52: {  	_ =	shalt  }
0x53: {  	_ =	shalt  }
0x54: {  	_ =	shalt  }
0x55: {  	_ =	shalt  }
0x56: {  	_ =	shalt  }
0x57: {  	_ =	shalt  }
0x58: {  	_ =	shalt  }
0x59: {  	_ =	shalt  }
0x5a: {  	_ =	shalt  }
0x5b: {  	_ =	shalt  }
0x5c: {  	_ =	shalt  }
0x5d: {  	_ =	shalt  }
0x5e: {  	_ =	shalt  }
0x5f: {  	_ =	shalt  }
0x60: {  	_ =	shalt  }
0x61: {  	_ =	shalt  }
0x62: {  	_ =	shalt  }
0x63: {  	_ =	shalt  }
0x64: {  	_ =	shalt  }
0x65: {  	_ =	shalt  }
0x66: {  	_ =	shalt  }
0x67: {  	_ =	shalt  }
0x68: {  	_ =	shalt  }
0x69: {  	_ =	shalt  }
0x6a: {  	_ =	shalt  }
0x6b: {  	_ =	shalt  }
0x6c: {  	_ =	shalt  }
0x6d: {  	_ =	shalt  }
0x6e: {  	_ =	shalt  }
0x6f: {  	_ =	shalt  }
0x70: {  	_ =	shalt  }
0x71: {  	_ =	shalt  }
0x72: {  	_ =	shalt  }
0x73: {  	_ =	shalt  }
0x74: {  	_ =	shalt  }
0x75: {  	_ =	shalt  }
0x76: {  	_ =	shalt  }
0x77: {  	_ =	shalt  }
0x78: {  	_ =	shalt  }
0x79: {  	_ =	shalt  }
0x7a: {  	_ =	shalt  }
0x7b: {  	_ =	shalt  }
0x7c: {  	_ =	shalt  }
0x7d: {  	_ =	shalt  }
0x7e: {  	_ =	shalt  }
0x7f: {  	_ =	shalt  }
0x80: {  	_ =	shalt  }
0x81: {  	_ =	shalt  }
0x82: {  	_ =	shalt  }
0x83: {  	_ =	shalt  }
0x84: {  	_ =	shalt  }
0x85: {  	_ =	shalt  }
0x86: {  	_ =	shalt  }
0x87: {  	_ =	shalt  }
.Lfunc_end0:
.L_simem_size_0:
called_computation.2_lowered:
.L_overlay_start_0:
0x88: {  	s2 =	sld [smem:$0x3FD9]  }
0x89: {  	s3 =	sld [smem:$0x3FFE];
	_ =	sdelay $0x1  }
0x8a: {  	s1 =	srdreg.scid  }
0x8b: {  	s0 =	sand.u32 $0x1, s1  }
0x8c: {  	s16 =	sshll.u32 s0, $0xA;
	s2 =	sadd.s32 s3, s2  }
0x8d: {  	s2 =	sadd.s32 s2, s16  }
0x8e: {  	[smem:$0x3FB3] =	sst s2  }
0x8f: {  	_ = 	snop  }
0x90: {  	(tm) =	ssettm $0x1  }
0x91: {  	s17 =	sld [smem:$0x3FFB];
	_ =	sdelay $0x3  }
0x92: {  	_ =	strace s17  }
0x93: {  	s2 =	sld [smem:$0x3FFC];
	_ =	sdelay $0x3  }
0x94: {  	_ =	strace s2  }
0x95: {  	s2 =	sld [smem:$0x3FFD];
	_ =	sdelay $0x3  }
0x96: {  	_ =	strace s2  }
0x97: {  	_ =	strace $0x8FFFFFFF  }
0x98: {  	s18 =	sld [smem:$0x3FDB];
	_ =	sdelay $0x1  }
0x99: {  	s19 =	simm.s32 $_scs_section_size  }
0x9a: {  	s4 =	simm.s32 $_size__tile_overlayer_lowered;
	s5 =	simm.s32 $_tile_overlayer_lowered  }
0x9b: {  	s22 =	simm.s32 $0x1BFF;
	s21 =	sshll.u32 s5, $0x1;
	s2 =	sadd.s32 s19, s18  }
0x9c: {  	s6 =	simm.s32 $0x0;
	s20 =	sshll.u32 s4, $0x1;
	s4 =	sadd.s32 s21, s2  }
0x9d: {  	[timem:s6], [sflag:s22] =	dma.local [hbm:s4], s20  }
0x9e: {  	_ =	swait.ge [sflag:s22], s20  }
0x9f: {  	s3 =	ssub.s32 $0x0, s20;
	[sflag:s22] =	ssyncset.done $0x0  }
0xa0: {  	[sflag:s22] =	ssyncadd.s32 s3;
	_ =	sdelay $0x1  }
0xa1: {  	s23 =	simm.s32 $0x1B8B  }
0xa2: {  	_ =	swait.ge [sflag:s23], $0x1  }
0xa3: {  	[sflag:s23] =	ssyncset.done $0x0  }
0xa4: {  	s25 =	simm.s32 $0x1B8E;
	s24 =	sld [smem:$0x3FFE];
	[sflag:s23] =	ssyncadd.s32 $0xFFFFFFFF  }
0xa5: {  	s26 =	simm.s32 $execute0_lowered;
	[smem:$0x3FD2] =	sst s25  }
0xa6: {  	s4 =	sshll.u32 s26, $0x1;
	_ =	strace $0x8000004C;
	[dreg:$0x1] =	wrdreg $0xFFFFFFFF  }
0xa7: {  	s28 =	simm.s32 $_size_execute0_lowered;
	s2 =	sadd.s32 s2, s4;
	[dreg:$0x0] =	wrdreg $0x0  }
0xa8: {  	s4 =	sshll.u32 s28, $0x1;
	[dreg:$0x2] =	wrdreg s2  }
0xa9: {  	[dreg:$0x3] =	wrdreg s4  }
0xaa: {  	[dreg:$0x4] =	wrdreg $0xC0  }
0xab: {  	_ =	task [dreg:s6], $0x5FFFF  }
0xac: {  	[dreg:$0x1] =	wrdreg $0xFFFFFFFF  }
0xad: {  	[dreg:$0x0] =	wrdreg $0x60  }
0xae: {  	[dreg:$0x2] =	wrdreg s24  }
0xaf: {  	[dreg:$0x3] =	wrdreg $0xC9000  }
0xb0: {  	[dreg:$0x4] =	wrdreg $0x9  }
0xb1: {  	_ =	task.clear_ibuf [dreg:s6], $0x5FFFF;
	_ =	strace $0x9000004C  }
0xb2: {  	s29 =	simm.s32 $0x9;
	_ =	strace $0x8000004E  }
0xb3: {  	_ =	swait.ge [sflag:s29], $0x1  }
0xb4: {  	[sflag:s29] =	ssyncadd.s32 $0xFFFFFFFF  }
0xb5: {  	_ =	strace $0x9000004E  }
0xb6: {  	_ =	sfence  }
0xb7: {  	s30 =	sld [smem:$0x0];
	_ =	sdelay $0x2  }
0xb8: {  	s31 =	sshll.u32 s1, $0xD;
	s1 =	sshrl.u32 s1, $0x2  }
0xb9: {  	s3 =	sand.u32 $0x4000, s31;
	s1 =	sadd.s32 s1, s30  }
0xba: {  	s0 =	sor.u32 s3, s0;
	s1 =	sshll.u32 s1, $0x11  }
0xbb: {  	s0 =	sor.u32 s1, s0  }
0xbc: {  	s0 =	sadd.s32 $0x8F2B, s0  }
0xbd: {  	[sflag:s0] =	ssyncadd.remote.s32 $0x1  }
0xbe: {  	_ =	sfence.sel $0xFFFF  }
0xbf: {  	[dreg:$0x0] =	wrdreg $0xFFFFFFFF;
	(pc) =	sbr.abs _section_cstart, $3  }
0xc0: {  	[dreg:$0x1] =	wrdreg $0xFFFFFFFF  }
0xc1: {  	_ =	task.clear_ibuf [dreg:s6], $0x2FFFF;
	_ =	strace $0x9FFFFFFF  }
0xc2: {  	(tm) =	ssettm $0x7FFFFFFF  }
0xc3: {  	_ =	shalt  }
tec
execute0_lowered:
.L_overlay_start_1:
0x0: {  	(tag) =	ssettag $0x1  }
0x1: {  	s6 =	rddreg [dreg:$0x0]  }
0x2: {  	s0 =	stileid.u32;
	s1 =	srdreg.scid  }
0x3: {  	s2 =	rddreg [dreg:$0x1];
	s3 =	simm.s32 $0x0;
	s12 =	simm.s32 $0x2  }
0x4: {  	s13 =	simm.s32 $0x80;
	s14 =	simm.s32 $0x50;
	s5 =	smul.u32 $0x9C4, s0  }
0x5: {  	s16 =	simm.s32 $0x1;
	s17 =	simm.s32 $0x0;
	s9 =	smul.u32 $0xA000, s0  }
0x6: {  	s7 =	sand.u32 $0x1, s1;
	s1 =	rddreg [dreg:$0x2];
	s11 =	smul.u32 $0x28000, s0  }
0x7: {  	[smem:$0x7FF] =	sst s3;
	s4 =	sadd.s32 $0x1A200, s6;
	s8 =	smul.u32 $0xA0000, s7  }
0x8: {  	_ =	strace $0x8000004D;
	s29 =	ssub.s32 $0x2, s7;
	s15 =	smul.u32 $0x1400, s7  }
0x9: {  	s10 =	sadd.s32 s5, s6;
	s5 =	sadd.s32 $0x6A200, s6;
	s28 =	sadd.s32 s9, s8  }
0xa: {  	s30 =	sshrl.u32 s29, $0x1;
	s31 =	sshrl.u32 s11, $0x2;
	s8 =	sshrl.u32 s28, $0x3  }
0xb: {  	s11 =	simm.s32 $0x2900;
	s9 =	ssub.s32 s29, s30;
	s8 =	sadd.s32 s8, s6  }
0xc: {  	v0 =	vmov s15;
	s15 =	simm.s32 $0x100;
	s6 =	sadd.s32 s31, s2;
	s7 =	sadd.s32 $0x6B600, s8  }
0xd: {  	s8 =	smax.u32 s9, $0x1;
	s9 =	sadd.s32 $0x10400, s10;
	s10 =	sadd.s32 $0x6600, s10  }
.LBB2_1:
0xe: {  	[tilespmem:s11], [sflag:$0x2] =	stream.linear.gather [hbm4b:s5+s3], $0xA000, $0x38;
	[tilespmem:$0x16940] =	vst v63  }
0xf: {  	_ =	swait.ge [sflag:s12], $0xA000  }
0x10: {  	[sflag:s12] =	ssyncset.done $0x0  }
0x11: {  	[sflag:s12] =	ssyncadd.s32 $0xFFFF6000  }
0x12: {  	[spmem:s6] =	stream.linear.scatter [tilespmem:s11], [sflag:$0x2], $0xA000, $0x38;
	[tilespmem:$0x16940] =	vst v63  }
0x13: {  	_ =	swait.ge [sflag:s12], $0xA000  }
0x14: {  	[sflag:s12] =	ssyncset.done $0x0  }
0x15: {  	[sflag:s12] =	ssyncadd.s32 $0xFFFF6000  }
0x16: {  	s18 =	sadd.s32 $0x0, s10;
	[bflag:$0x0] =	sbarrier.arrive $0xFFFF  }
0x17: {  	[tilespmem:s3], [sflag:$0x2] =	stream.linear.gather [hbm4b:s18+s3], $0x50, $0x38;
	[tilespmem:$0x16940] =	vst v63  }
0x18: {  	_ =	swait.ge [sflag:s12], $0x50  }
0x19: {  	[sflag:s12] =	ssyncset.done $0x0  }
0x1a: {  	s31 =	sadd.s32 $0x0, s9;
	[sflag:s12] =	ssyncadd.s32 $0xFFFFFFB0  }
0x1b: {  	[tilespmem:s13], [sflag:$0x2] =	stream.linear.gather [hbm4b:s31+s3], $0x50, $0x38;
	[tilespmem:$0x16940] =	vst v63  }
0x1c: {  	_ =	swait.ge [sflag:s12], $0x50  }
0x1d: {  	[sflag:s12] =	ssyncset.done $0x0  }
0x1e: {  	[sflag:s12] =	ssyncadd.s32 $0xFFFFFFB0  }
0x1f: {  	v1 =	vld [tilespmem:$0xC0]  }
0x20: {  	v2 =	vld [tilespmem:$0xB0]  }
0x21: {  	v3 =	vld [tilespmem:$0xA0]  }
0x22: {  	v4 =	vld [tilespmem:$0x90]  }
0x23: {  	v5 =	vld [tilespmem:$0x80]  }
0x24: {  	v1 =	vsub.s32 v1, v0  }
0x25: {  	v2 =	vsub.s32 v2, v0;
	v1 =	vmin.u32 v1, $0x1400  }
0x26: {  	v3 =	vsub.s32 v3, v0;
	v2 =	vmin.u32 v2, $0x1400;
	[tilespmem:$0xC0] =	vst v1  }
0x27: {  	v3 =	vmin.u32 v3, $0x1400;
	v1 =	vsub.s32 v4, v0;
	[tilespmem:$0xB0] =	vst v2  }
0x28: {  	v2 =	vsub.s32 v5, v0;
	[tilespmem:$0xA0] =	vst v3;
	v1 =	vmin.u32 v1, $0x1400  }
0x29: {  	v2 =	vmin.u32 v2, $0x1400;
	[tilespmem:$0x90] =	vst v1  }
0x2a: {  	[tilespmem:$0x80] =	vst v2  }
0x2b: {  	[tilespmem:s15], [sflag:$0x1] =	stream.indirect.gather [hbm4b:s4+s14], $0x80, s3, s14, $0xb8;
	[tilespmem:$0x16940] =	vst v63  }
0x2c: {  	_ =	swait.ge [sflag:s16], $0x2800  }
0x2d: {  	s18 =	simm.s32 $0xA;
	[sflag:s16] =	ssyncset.done $0x0  }
.LBB2_2:
0x2e: {  	p0 =	sne.s32 s18, $0x9BA  }
0x2f: {  	[sflag:s16] =	ssyncadd.s32 $0xFFFFD800;
	s19 =	smov.u32 s18;
	s18 =	sadd.s32 $0xA, s18  }
0x30: {  	[spmem:s2] =	stream.indirect.scatter.add.f32 [tilespmem:s15], [sflag:$0x2], $0x80, s13, s14, $0xb8;
	[tilespmem:$0x16940] =	vst v63  }
0x31: {  	_ =	swait.ge [sflag:s12], $0x2800  }
0x32: {  	[sflag:s12] =	ssyncset.done $0x0  }
0x33: {  	s20 =	sadd.s32 s19, s10;
	[sflag:s12] =	ssyncadd.s32 $0xFFFFD800  }
0x34: {  	[tilespmem:s3], [sflag:$0x2] =	stream.linear.gather [hbm4b:s20+s3], $0x50, $0x38;
	[tilespmem:$0x16940] =	vst v63  }
0x35: {  	_ =	swait.ge [sflag:s12], $0x50  }
0x36: {  	[sflag:s12] =	ssyncset.done $0x0  }
0x37: {  	s19 =	sadd.s32 s19, s9;
	[sflag:s12] =	ssyncadd.s32 $0xFFFFFFB0  }
0x38: {  	[tilespmem:s13], [sflag:$0x2] =	stream.linear.gather [hbm4b:s19+s3], $0x50, $0x38;
	[tilespmem:$0x16940] =	vst v63  }
0x39: {  	_ =	swait.ge [sflag:s12], $0x50  }
0x3a: {  	[sflag:s12] =	ssyncset.done $0x0  }
0x3b: {  	[sflag:s12] =	ssyncadd.s32 $0xFFFFFFB0  }
0x3c: {  	v1 =	vld [tilespmem:$0xC0]  }
0x3d: {  	v2 =	vld [tilespmem:$0xB0]  }
0x3e: {  	v3 =	vld [tilespmem:$0xA0]  }
0x3f: {  	v4 =	vld [tilespmem:$0x90]  }
0x40: {  	v5 =	vld [tilespmem:$0x80]  }
0x41: {  	v1 =	vsub.s32 v1, v0  }
0x42: {  	v2 =	vsub.s32 v2, v0;
	v1 =	vmin.u32 v1, $0x1400  }
0x43: {  	v3 =	vsub.s32 v3, v0;
	v2 =	vmin.u32 v2, $0x1400;
	[tilespmem:$0xC0] =	vst v1  }
0x44: {  	v1 =	vsub.s32 v4, v0;
	v3 =	vmin.u32 v3, $0x1400;
	[tilespmem:$0xB0] =	vst v2  }
0x45: {  	v2 =	vsub.s32 v5, v0;
	v1 =	vmin.u32 v1, $0x1400;
	[tilespmem:$0xA0] =	vst v3  }
.Ltmp0:
0x46: {  	v2 =	vmin.u32 v2, $0x1400;
	[tilespmem:$0x90] =	vst v1;
	(pc) =	sbr.rel @p0 .LBB2_2-.Ltmp0, $4  }
0x47: {  	[tilespmem:$0x80] =	vst v2  }
0x48: {  	[tilespmem:s15], [sflag:$0x1] =	stream.indirect.gather [hbm4b:s4+s14], $0x80, s3, s14, $0xb8;
	[tilespmem:$0x16940] =	vst v63  }
0x49: {  	_ =	swait.ge [sflag:s16], $0x2800  }
0x4a: {  	[sflag:s16] =	ssyncset.done $0x0  }
0x4b: {  	[sflag:s16] =	ssyncadd.s32 $0xFFFFD800  }
0x4c: {  	[spmem:s2] =	stream.indirect.scatter.add.f32 [tilespmem:s15], [sflag:$0x2], $0x80, s13, s14, $0xb8;
	[tilespmem:$0x16940] =	vst v63  }
0x4d: {  	_ =	swait.ge [sflag:s12], $0x2800  }
0x4e: {  	[sflag:s12] =	ssyncset.done $0x0  }
0x4f: {  	[sflag:s12] =	ssyncadd.s32 $0xFFFFD800  }
0x50: {  	[bflag:$0x0] =	sbarrier.arrive $0xFFFF  }
0x51: {  	[tilespmem:s11], [sflag:$0x2] =	stream.linear.gather [spmem:s6], $0xA000, $0x38;
	[tilespmem:$0x16940] =	vst v63  }
0x52: {  	s17 =	sadd.s32 $0x1, s17;
	_ =	swait.ge [sflag:s12], $0xA000  }
0x53: {  	p0 =	sne.s32 s17, s8;
	[sflag:s12] =	ssyncset.done $0x0  }
.Ltmp1:
0x54: {  	[sflag:s12] =	ssyncadd.s32 $0xFFFF6000;
	(pc) =	sbr.rel @p0 .LBB2_1-.Ltmp1, $4  }
0x55: {  	[hbm4b:s7+s3] =	stream.linear.scatter [tilespmem:s11], [sflag:$0x2], $0xA000, $0x38;
	[tilespmem:$0x16940] =	vst v63  }
0x56: {  	_ =	swait.ge [sflag:s12], $0xA000  }
0x57: {  	[sflag:s12] =	ssyncset.done $0x0  }
0x58: {  	[sflag:s12] =	ssyncadd.s32 $0xFFFF6000  }
0x59: {  	_ =	sfence.sel $0x180000  }
0x5a: {  	[bflag:$0x0] =	sbarrier.arrive $0xFFFF  }
0x5b: {  	p0 =	sne.s32 s0, $0x0;
	_ =	strace $0x9000004D  }
0x5c: {  	s0 =	sadd.s32 @!p0 $0x100000, s1;
	[bflag:$0x2] =	sbarrier.arrive $0xFFFF  }
0x5d: {  	[sflag:s0] =	ssyncadd.tile.s32 @!p0 $0x1;
	_ =	shalt  }
.Lfunc_end2:
_tile_overlayer_lowered:
.L_overlay_start_2:
0x5e: {  	(tag) =	ssettag $0x2  }
0x5f: {  	s0 =	rddreg [dreg:$0x0];
	s2 =	stileid.u32  }
0x60: {  	s1 =	rddreg [dreg:$0x1];
	p0 =	sne.s32 s2, $0x0  }
0x61: {  	s3 =	rddreg [dreg:$0x2];
	[bflag:$0x3] =	sbarrier.arrive $0xFFFF;
	s2 =	simm.s32 @!p0 $0x1C02  }
0x62: {  	[timem:s3], [sflag:s2] =	dma.local @!p0 [hbm:s0], s1  }
0x63: {  	s0 =	simm.s32 @!p0 $0x2  }
0x64: {  	_ =	swait.ge @!p0 [sflag:s0], s1  }
0x65: {  	s1 =	ssub.s32 @!p0 $0x0, s1;
	[sflag:s0] =	ssyncset.done @!p0 $0x0  }
0x66: {  	[sflag:s0] =	ssyncadd.s32 @!p0 s1  }
0x67: {  	[bflag:$0x3] =	sbarrier.arrive $0xFFFF  }
0x68: {  	_ =	shalt  }

// kernel: kernel.24.cloned.1.call-start
scs
__scs_entry_jumppad:
0x0: {  	(pc) =	sbr.rel $0x88, $3  }
0x1: {  	(tag) =	ssettag $0x0;
	lr =	simm.s32 $0x1  }
0x2: {  	[smem:$0x3F8C] =	sst lr;
	_ =	strace $0xD0000000  }
0x3: {  	_ = 	snop  }
0x4: {  	_ = 	snop  }
0x5: {  	_ = 	snop  }
0x6: {  	_ = 	snop  }
0x7: {  	_ = 	snop  }
__scs_overlays_trampoline_lowered:
0x8: {  	[smem:$0x3F9B] =	sst s0  }
0x9: {  	[smem:$0x3F9C] =	sst s1  }
0xa: {  	[smem:$0x3F9D] =	sst s2  }
0xb: {  	[smem:$0x3F9E] =	sst s3  }
0xc: {  	[smem:$0x3F9F] =	sst s4  }
0xd: {  	[smem:$0x3FA0] =	sst s5  }
0xe: {  	[smem:$0x3FA1] =	sst s6  }
0xf: {  	[smem:$0x3FA2] =	sst s7  }
0x10: {  	[smem:$0x3FA3] =	sst s8  }
0x11: {  	[smem:$0x3FA4] =	sst s9;
	s0 =	simm.s32 @!p0 $0x0  }
0x12: {  	s1 =	sld [smem:$0x3F8A];
	s0 =	simm.s32 @p0 $0x1  }
0x13: {  	[smem:$0x3FA5] =	sst s0;
	s0 =	simm.s32 @!p1 $0x0  }
0x14: {  	s2 =	sld [smem:$0x3F89];
	s0 =	simm.s32 @p1 $0x1  }
0x15: {  	[smem:$0x3FA6] =	sst s0;
	s0 =	simm.s32 @!p2 $0x0  }
0x16: {  	s3 =	sld [smem:$0x3FDB];
	s0 =	simm.s32 @p2 $0x1  }
0x17: {  	s4 =	simm.s32 $0x1BF5;
	[smem:$0x3FA8] =	sst s0  }
0x18: {  	s0 =	sld [smem:$0x3F8B];
	_ =	swait.ge [sflag:s4], $0x0  }
0x19: {  	s7 =	sld [smem:$0x3F8C]  }
0x1a: {  	s8 =	sadd.s32 $0xFFFFE003, lr  }
0x1b: {  	s9 =	sadd.s32 $0xFFFFFEF7, lr;
	s5 =	simm.s32 $0xFFFFFFFF;
	p2 =	slt.u32 s8, $0xFFFFF086  }
0x1c: {  	p1 =	slt.u32 s9, $0xF7A;
	s5 =	simm.s32 @!p2 $0x0  }
0x1d: {  	s5 =	simm.s32 @p1 $0x1;
	p0 =	seq.s32 s7, s2  }
0x1e: {  	s7 =	smul.u32 @!p0 $0xF7A, s2;
	p2 =	seq.s32 @!p0 s5, $0x0  }
0x1f: {  	s9 =	smul.u32 $0xF7A, s1;
	s8 =	simm.s32 @!p0 $0x1BF5;
	p2 =	por !p2, p0  }
0x20: {  	[sflag:s8] =	ssyncset.s32 @!p0 $0xFFFFF086;
	s6 =	sadd.s32 @!p0 s3, s7;
	s7 =	simm.s32 @!p0 $0x108  }
0x21: {  	s3 =	sadd.s32 s3, s9;
	s6 =	sadd.s32 @!p0 $0x88, s6;
	s7 =	simm.s32 @p2 $0x1082  }
0x22: {  	[simem:s7], [sflag:s8] =	dma.local @!p0 [hbm:s6], $0xF7A  }
0x23: {  	s9 =	sor.u32 $0xD0000000, s2;
	s6 =	simm.s32 $0x108;
	_ =	swait.ge @!p0 [sflag:s8], $0x0  }
0x24: {  	s3 =	sadd.s32 $0x88, s3;
	s6 =	simm.s32 @!p1 $0x1082;
	[sflag:s4] =	ssyncset.s32 $0xFFFFF086  }
0x25: {  	[simem:s6], [sflag:s4] =	dma.local [hbm:s3], $0xF7A  }
0x26: {  	[smem:$0x3F8C] =	sst s1;
	(tag) =	ssettag s2;
	_ =	strace s9  }
0x27: {  	s1 =	sld [smem:$0x3F9C]  }
0x28: {  	s2 =	sld [smem:$0x3F9D]  }
0x29: {  	s4 =	sld [smem:$0x3F9F]  }
0x2a: {  	p0 =	seq.s32 s5, $0x0;
	s5 =	sld [smem:$0x3FA0]  }
0x2b: {  	s6 =	sld [smem:$0x3FA1]  }
0x2c: {  	s7 =	sld [smem:$0x3FA2]  }
0x2d: {  	s3 =	simm.s32 $0x108;
	s8 =	sld [smem:$0x3FA3]  }
0x2e: {  	s3 =	simm.s32 @!p0 $0x1082;
	s9 =	sld [smem:$0x3FA4]  }
0x2f: {  	lr =	sadd.s32 s0, s3;
	s0 =	sld [smem:$0x3F9B]  }
0x30: {  	s3 =	sld [smem:$0x3F9E]  }
0x31: {  	[smem:$0x3FA7] =	sst s10  }
0x32: {  	s10 =	sld [smem:$0x3FA5];
	_ =	sdelay $0x3  }
0x33: {  	p0 =	seq.s32 s10, $0x1;
	s10 =	sld [smem:$0x3FA7];
	_ =	sdelay $0x3  }
0x34: {  	[smem:$0x3FA7] =	sst s10  }
0x35: {  	s10 =	sld [smem:$0x3FA6];
	_ =	sdelay $0x3  }
0x36: {  	p1 =	seq.s32 s10, $0x1;
	s10 =	sld [smem:$0x3FA7];
	_ =	sdelay $0x3  }
0x37: {  	[smem:$0x3FA7] =	sst s10  }
0x38: {  	s10 =	sld [smem:$0x3FA8]  }
0x39: {  	_ = 	snop;
	(pc) =	sbr.ind lr, $3  }
0x3a: {  	_ = 	snop  }
0x3b: {  	_ = 	snop  }
0x3c: {  	p2 =	seq.s32 s10, $0x1;
	s10 =	sld [smem:$0x3FA7]  }
0x3d: {  	_ =	shalt  }
0x3e: {  	_ =	shalt  }
0x3f: {  	_ =	shalt  }
0x40: {  	_ =	shalt  }
0x41: {  	_ =	shalt  }
0x42: {  	_ =	shalt  }
0x43: {  	_ =	shalt  }
0x44: {  	_ =	shalt  }
0x45: {  	_ =	shalt  }
0x46: {  	_ =	shalt  }
0x47: {  	_ =	shalt  }
0x48: {  	_ =	shalt  }
0x49: {  	_ =	shalt  }
0x4a: {  	_ =	shalt  }
0x4b: {  	_ =	shalt  }
0x4c: {  	_ =	shalt  }
0x4d: {  	_ =	shalt  }
0x4e: {  	_ =	shalt  }
0x4f: {  	_ =	shalt  }
0x50: {  	_ =	shalt  }
0x51: {  	_ =	shalt  }
0x52: {  	_ =	shalt  }
0x53: {  	_ =	shalt  }
0x54: {  	_ =	shalt  }
0x55: {  	_ =	shalt  }
0x56: {  	_ =	shalt  }
0x57: {  	_ =	shalt  }
0x58: {  	_ =	shalt  }
0x59: {  	_ =	shalt  }
0x5a: {  	_ =	shalt  }
0x5b: {  	_ =	shalt  }
0x5c: {  	_ =	shalt  }
0x5d: {  	_ =	shalt  }
0x5e: {  	_ =	shalt  }
0x5f: {  	_ =	shalt  }
0x60: {  	_ =	shalt  }
0x61: {  	_ =	shalt  }
0x62: {  	_ =	shalt  }
0x63: {  	_ =	shalt  }
0x64: {  	_ =	shalt  }
0x65: {  	_ =	shalt  }
0x66: {  	_ =	shalt  }
0x67: {  	_ =	shalt  }
0x68: {  	_ =	shalt  }
0x69: {  	_ =	shalt  }
0x6a: {  	_ =	shalt  }
0x6b: {  	_ =	shalt  }
0x6c: {  	_ =	shalt  }
0x6d: {  	_ =	shalt  }
0x6e: {  	_ =	shalt  }
0x6f: {  	_ =	shalt  }
0x70: {  	_ =	shalt  }
0x71: {  	_ =	shalt  }
0x72: {  	_ =	shalt  }
0x73: {  	_ =	shalt  }
0x74: {  	_ =	shalt  }
0x75: {  	_ =	shalt  }
0x76: {  	_ =	shalt  }
0x77: {  	_ =	shalt  }
0x78: {  	_ =	shalt  }
0x79: {  	_ =	shalt  }
0x7a: {  	_ =	shalt  }
0x7b: {  	_ =	shalt  }
0x7c: {  	_ =	shalt  }
0x7d: {  	_ =	shalt  }
0x7e: {  	_ =	shalt  }
0x7f: {  	_ =	shalt  }
0x80: {  	_ =	shalt  }
0x81: {  	_ =	shalt  }
0x82: {  	_ =	shalt  }
0x83: {  	_ =	shalt  }
0x84: {  	_ =	shalt  }
0x85: {  	_ =	shalt  }
0x86: {  	_ =	shalt  }
0x87: {  	_ =	shalt  }
.Lfunc_end0:
.L_simem_size_0:
called_computation.3_lowered:
.L_overlay_start_0:
0x88: {  	s2 =	sld [smem:$0x3FD9]  }
0x89: {  	s3 =	sld [smem:$0x3FFE];
	_ =	sdelay $0x1  }
0x8a: {  	s1 =	srdreg.scid  }
0x8b: {  	s0 =	sand.u32 $0x1, s1  }
0x8c: {  	s16 =	sshll.u32 s0, $0xA;
	s2 =	sadd.s32 s3, s2  }
0x8d: {  	s2 =	sadd.s32 s2, s16  }
0x8e: {  	[smem:$0x3FB3] =	sst s2  }
0x8f: {  	_ = 	snop  }
0x90: {  	(tm) =	ssettm $0x1  }
0x91: {  	s17 =	sld [smem:$0x3FFB];
	_ =	sdelay $0x3  }
0x92: {  	_ =	strace s17  }
0x93: {  	s2 =	sld [smem:$0x3FFC];
	_ =	sdelay $0x3  }
0x94: {  	_ =	strace s2  }
0x95: {  	s2 =	sld [smem:$0x3FFD];
	_ =	sdelay $0x3  }
0x96: {  	_ =	strace s2  }
0x97: {  	_ =	strace $0x8FFFFFFF  }
0x98: {  	s18 =	sld [smem:$0x3FDB];
	_ =	sdelay $0x1  }
0x99: {  	s19 =	simm.s32 $_scs_section_size  }
0x9a: {  	s4 =	simm.s32 $_size__tile_overlayer_lowered;
	s5 =	simm.s32 $_tile_overlayer_lowered  }
0x9b: {  	s22 =	simm.s32 $0x1BFF;
	s21 =	sshll.u32 s5, $0x1;
	s2 =	sadd.s32 s19, s18  }
0x9c: {  	s6 =	simm.s32 $0x0;
	s20 =	sshll.u32 s4, $0x1;
	s4 =	sadd.s32 s21, s2  }
0x9d: {  	[timem:s6], [sflag:s22] =	dma.local [hbm:s4], s20  }
0x9e: {  	_ =	swait.ge [sflag:s22], s20  }
0x9f: {  	s3 =	ssub.s32 $0x0, s20;
	[sflag:s22] =	ssyncset.done $0x0  }
0xa0: {  	[sflag:s22] =	ssyncadd.s32 s3;
	_ =	sdelay $0x1  }
0xa1: {  	s23 =	simm.s32 $0x1B8B  }
0xa2: {  	_ =	swait.ge [sflag:s23], $0x1  }
0xa3: {  	[sflag:s23] =	ssyncset.done $0x0  }
0xa4: {  	s25 =	simm.s32 $0x1B8E;
	s24 =	sld [smem:$0x3FFE];
	[sflag:s23] =	ssyncadd.s32 $0xFFFFFFFF  }
0xa5: {  	s26 =	simm.s32 $execute0_lowered;
	[smem:$0x3FD2] =	sst s25  }
0xa6: {  	s4 =	sshll.u32 s26, $0x1;
	_ =	strace $0x8000004F;
	[dreg:$0x1] =	wrdreg $0xFFFFFFFF  }
0xa7: {  	s28 =	simm.s32 $_size_execute0_lowered;
	s2 =	sadd.s32 s2, s4;
	[dreg:$0x0] =	wrdreg $0x0  }
0xa8: {  	s4 =	sshll.u32 s28, $0x1;
	[dreg:$0x2] =	wrdreg s2  }
0xa9: {  	[dreg:$0x3] =	wrdreg s4  }
0xaa: {  	[dreg:$0x4] =	wrdreg $0xC0  }
0xab: {  	_ =	task [dreg:s6], $0x5FFFF  }
0xac: {  	[dreg:$0x1] =	wrdreg $0xFFFFFFFF  }
0xad: {  	[dreg:$0x0] =	wrdreg $0x60  }
0xae: {  	[dreg:$0x2] =	wrdreg s24  }
0xaf: {  	[dreg:$0x3] =	wrdreg $0xC9000  }
0xb0: {  	[dreg:$0x4] =	wrdreg $0x9  }
0xb1: {  	_ =	task.clear_ibuf [dreg:s6], $0x5FFFF;
	_ =	strace $0x9000004F  }
0xb2: {  	s29 =	simm.s32 $0x9;
	_ =	strace $0x80000051  }
0xb3: {  	_ =	swait.ge [sflag:s29], $0x1  }
0xb4: {  	[sflag:s29] =	ssyncadd.s32 $0xFFFFFFFF  }
0xb5: {  	_ =	strace $0x90000051  }
0xb6: {  	_ =	sfence  }
0xb7: {  	s30 =	sld [smem:$0x0];
	_ =	sdelay $0x2  }
0xb8: {  	s31 =	sshll.u32 s1, $0xD;
	s1 =	sshrl.u32 s1, $0x2  }
0xb9: {  	s3 =	sand.u32 $0x4000, s31;
	s1 =	sadd.s32 s1, s30  }
0xba: {  	s0 =	sor.u32 s3, s0;
	s1 =	sshll.u32 s1, $0x11  }
0xbb: {  	s0 =	sor.u32 s1, s0  }
0xbc: {  	s0 =	sadd.s32 $0x8F2B, s0  }
0xbd: {  	[sflag:s0] =	ssyncadd.remote.s32 $0x1  }
0xbe: {  	_ =	sfence.sel $0xFFFF  }
0xbf: {  	[dreg:$0x0] =	wrdreg $0xFFFFFFFF;
	(pc) =	sbr.abs _section_cstart, $3  }
0xc0: {  	[dreg:$0x1] =	wrdreg $0xFFFFFFFF  }
0xc1: {  	_ =	task.clear_ibuf [dreg:s6], $0x2FFFF;
	_ =	strace $0x9FFFFFFF  }
0xc2: {  	(tm) =	ssettm $0x7FFFFFFF  }
0xc3: {  	_ =	shalt  }
tec
execute0_lowered:
.L_overlay_start_1:
0x0: {  	(tag) =	ssettag $0x1  }
0x1: {  	s6 =	rddreg [dreg:$0x0]  }
0x2: {  	s0 =	stileid.u32;
	s1 =	srdreg.scid  }
0x3: {  	s2 =	rddreg [dreg:$0x1];
	s3 =	simm.s32 $0x0;
	s12 =	simm.s32 $0x2  }
0x4: {  	s13 =	simm.s32 $0x80;
	s14 =	simm.s32 $0x50;
	s5 =	smul.u32 $0x9C4, s0  }
0x5: {  	s16 =	simm.s32 $0x1;
	s17 =	simm.s32 $0x0;
	s9 =	smul.u32 $0xA000, s0  }
0x6: {  	s7 =	sand.u32 $0x1, s1;
	s1 =	rddreg [dreg:$0x2];
	s11 =	smul.u32 $0x28000, s0  }
0x7: {  	[smem:$0x7FF] =	sst s3;
	s4 =	sadd.s32 $0x1A200, s6;
	s8 =	smul.u32 $0xA0000, s7  }
0x8: {  	_ =	strace $0x80000050;
	s29 =	ssub.s32 $0x2, s7;
	s15 =	smul.u32 $0x1400, s7  }
0x9: {  	s10 =	sadd.s32 s5, s6;
	s5 =	sadd.s32 $0x6A200, s6;
	s28 =	sadd.s32 s9, s8  }
0xa: {  	s30 =	sshrl.u32 s29, $0x1;
	s31 =	sshrl.u32 s11, $0x2;
	s8 =	sshrl.u32 s28, $0x3  }
0xb: {  	s11 =	simm.s32 $0x2900;
	s9 =	ssub.s32 s29, s30;
	s8 =	sadd.s32 s8, s6  }
0xc: {  	v0 =	vmov s15;
	s15 =	simm.s32 $0x100;
	s6 =	sadd.s32 s31, s2;
	s7 =	sadd.s32 $0x93600, s8  }
0xd: {  	s8 =	smax.u32 s9, $0x1;
	s9 =	sadd.s32 $0x10400, s10;
	s10 =	sadd.s32 $0x6600, s10  }
.LBB2_1:
0xe: {  	[tilespmem:s11], [sflag:$0x2] =	stream.linear.gather [hbm4b:s5+s3], $0xA000, $0x38;
	[tilespmem:$0x16940] =	vst v63  }
0xf: {  	_ =	swait.ge [sflag:s12], $0xA000  }
0x10: {  	[sflag:s12] =	ssyncset.done $0x0  }
0x11: {  	[sflag:s12] =	ssyncadd.s32 $0xFFFF6000  }
0x12: {  	[spmem:s6] =	stream.linear.scatter [tilespmem:s11], [sflag:$0x2], $0xA000, $0x38;
	[tilespmem:$0x16940] =	vst v63  }
0x13: {  	_ =	swait.ge [sflag:s12], $0xA000  }
0x14: {  	[sflag:s12] =	ssyncset.done $0x0  }
0x15: {  	[sflag:s12] =	ssyncadd.s32 $0xFFFF6000  }
0x16: {  	s18 =	sadd.s32 $0x0, s10;
	[bflag:$0x0] =	sbarrier.arrive $0xFFFF  }
0x17: {  	[tilespmem:s3], [sflag:$0x2] =	stream.linear.gather [hbm4b:s18+s3], $0x50, $0x38;
	[tilespmem:$0x16940] =	vst v63  }
0x18: {  	_ =	swait.ge [sflag:s12], $0x50  }
0x19: {  	[sflag:s12] =	ssyncset.done $0x0  }
0x1a: {  	s31 =	sadd.s32 $0x0, s9;
	[sflag:s12] =	ssyncadd.s32 $0xFFFFFFB0  }
0x1b: {  	[tilespmem:s13], [sflag:$0x2] =	stream.linear.gather [hbm4b:s31+s3], $0x50, $0x38;
	[tilespmem:$0x16940] =	vst v63  }
0x1c: {  	_ =	swait.ge [sflag:s12], $0x50  }
0x1d: {  	[sflag:s12] =	ssyncset.done $0x0  }
0x1e: {  	[sflag:s12] =	ssyncadd.s32 $0xFFFFFFB0  }
0x1f: {  	v1 =	vld [tilespmem:$0xC0]  }
0x20: {  	v2 =	vld [tilespmem:$0xB0]  }
0x21: {  	v3 =	vld [tilespmem:$0xA0]  }
0x22: {  	v4 =	vld [tilespmem:$0x90]  }
0x23: {  	v5 =	vld [tilespmem:$0x80]  }
0x24: {  	v1 =	vsub.s32 v1, v0  }
0x25: {  	v2 =	vsub.s32 v2, v0;
	v1 =	vmin.u32 v1, $0x1400  }
0x26: {  	v3 =	vsub.s32 v3, v0;
	v2 =	vmin.u32 v2, $0x1400;
	[tilespmem:$0xC0] =	vst v1  }
0x27: {  	v3 =	vmin.u32 v3, $0x1400;
	v1 =	vsub.s32 v4, v0;
	[tilespmem:$0xB0] =	vst v2  }
0x28: {  	v2 =	vsub.s32 v5, v0;
	[tilespmem:$0xA0] =	vst v3;
	v1 =	vmin.u32 v1, $0x1400  }
0x29: {  	v2 =	vmin.u32 v2, $0x1400;
	[tilespmem:$0x90] =	vst v1  }
0x2a: {  	[tilespmem:$0x80] =	vst v2  }
0x2b: {  	[tilespmem:s15], [sflag:$0x1] =	stream.indirect.gather [hbm4b:s4+s14], $0x80, s3, s14, $0xb8;
	[tilespmem:$0x16940] =	vst v63  }
0x2c: {  	_ =	swait.ge [sflag:s16], $0x2800  }
0x2d: {  	s18 =	simm.s32 $0xA;
	[sflag:s16] =	ssyncset.done $0x0  }
.LBB2_2:
0x2e: {  	p0 =	sne.s32 s18, $0x9BA  }
0x2f: {  	[sflag:s16] =	ssyncadd.s32 $0xFFFFD800;
	s19 =	smov.u32 s18;
	s18 =	sadd.s32 $0xA, s18  }
0x30: {  	[spmem:s2] =	stream.indirect.scatter.add.f32 [tilespmem:s15], [sflag:$0x2], $0x80, s13, s14, $0xb8;
	[tilespmem:$0x16940] =	vst v63  }
0x31: {  	_ =	swait.ge [sflag:s12], $0x2800  }
0x32: {  	[sflag:s12] =	ssyncset.done $0x0  }
0x33: {  	s20 =	sadd.s32 s19, s10;
	[sflag:s12] =	ssyncadd.s32 $0xFFFFD800  }
0x34: {  	[tilespmem:s3], [sflag:$0x2] =	stream.linear.gather [hbm4b:s20+s3], $0x50, $0x38;
	[tilespmem:$0x16940] =	vst v63  }
0x35: {  	_ =	swait.ge [sflag:s12], $0x50  }
0x36: {  	[sflag:s12] =	ssyncset.done $0x0  }
0x37: {  	s19 =	sadd.s32 s19, s9;
	[sflag:s12] =	ssyncadd.s32 $0xFFFFFFB0  }
0x38: {  	[tilespmem:s13], [sflag:$0x2] =	stream.linear.gather [hbm4b:s19+s3], $0x50, $0x38;
	[tilespmem:$0x16940] =	vst v63  }
0x39: {  	_ =	swait.ge [sflag:s12], $0x50  }
0x3a: {  	[sflag:s12] =	ssyncset.done $0x0  }
0x3b: {  	[sflag:s12] =	ssyncadd.s32 $0xFFFFFFB0  }
0x3c: {  	v1 =	vld [tilespmem:$0xC0]  }
0x3d: {  	v2 =	vld [tilespmem:$0xB0]  }
0x3e: {  	v3 =	vld [tilespmem:$0xA0]  }
0x3f: {  	v4 =	vld [tilespmem:$0x90]  }
0x40: {  	v5 =	vld [tilespmem:$0x80]  }
0x41: {  	v1 =	vsub.s32 v1, v0  }
0x42: {  	v2 =	vsub.s32 v2, v0;
	v1 =	vmin.u32 v1, $0x1400  }
0x43: {  	v3 =	vsub.s32 v3, v0;
	v2 =	vmin.u32 v2, $0x1400;
	[tilespmem:$0xC0] =	vst v1  }
0x44: {  	v1 =	vsub.s32 v4, v0;
	v3 =	vmin.u32 v3, $0x1400;
	[tilespmem:$0xB0] =	vst v2  }
0x45: {  	v2 =	vsub.s32 v5, v0;
	v1 =	vmin.u32 v1, $0x1400;
	[tilespmem:$0xA0] =	vst v3  }
.Ltmp0:
0x46: {  	v2 =	vmin.u32 v2, $0x1400;
	[tilespmem:$0x90] =	vst v1;
	(pc) =	sbr.rel @p0 .LBB2_2-.Ltmp0, $4  }
0x47: {  	[tilespmem:$0x80] =	vst v2  }
0x48: {  	[tilespmem:s15], [sflag:$0x1] =	stream.indirect.gather [hbm4b:s4+s14], $0x80, s3, s14, $0xb8;
	[tilespmem:$0x16940] =	vst v63  }
0x49: {  	_ =	swait.ge [sflag:s16], $0x2800  }
0x4a: {  	[sflag:s16] =	ssyncset.done $0x0  }
0x4b: {  	[sflag:s16] =	ssyncadd.s32 $0xFFFFD800  }
0x4c: {  	[spmem:s2] =	stream.indirect.scatter.add.f32 [tilespmem:s15], [sflag:$0x2], $0x80, s13, s14, $0xb8;
	[tilespmem:$0x16940] =	vst v63  }
0x4d: {  	_ =	swait.ge [sflag:s12], $0x2800  }
0x4e: {  	[sflag:s12] =	ssyncset.done $0x0  }
0x4f: {  	[sflag:s12] =	ssyncadd.s32 $0xFFFFD800  }
0x50: {  	[bflag:$0x0] =	sbarrier.arrive $0xFFFF  }
0x51: {  	[tilespmem:s11], [sflag:$0x2] =	stream.linear.gather [spmem:s6], $0xA000, $0x38;
	[tilespmem:$0x16940] =	vst v63  }
0x52: {  	s17 =	sadd.s32 $0x1, s17;
	_ =	swait.ge [sflag:s12], $0xA000  }
0x53: {  	p0 =	sne.s32 s17, s8;
	[sflag:s12] =	ssyncset.done $0x0  }
.Ltmp1:
0x54: {  	[sflag:s12] =	ssyncadd.s32 $0xFFFF6000;
	(pc) =	sbr.rel @p0 .LBB2_1-.Ltmp1, $4  }
0x55: {  	[hbm4b:s7+s3] =	stream.linear.scatter [tilespmem:s11], [sflag:$0x2], $0xA000, $0x38;
	[tilespmem:$0x16940] =	vst v63  }
0x56: {  	_ =	swait.ge [sflag:s12], $0xA000  }
0x57: {  	[sflag:s12] =	ssyncset.done $0x0  }
0x58: {  	[sflag:s12] =	ssyncadd.s32 $0xFFFF6000  }
0x59: {  	_ =	sfence.sel $0x180000  }
0x5a: {  	[bflag:$0x0] =	sbarrier.arrive $0xFFFF  }
0x5b: {  	p0 =	sne.s32 s0, $0x0;
	_ =	strace $0x90000050  }
0x5c: {  	s0 =	sadd.s32 @!p0 $0x100000, s1;
	[bflag:$0x2] =	sbarrier.arrive $0xFFFF  }
0x5d: {  	[sflag:s0] =	ssyncadd.tile.s32 @!p0 $0x1;
	_ =	shalt  }
.Lfunc_end2:
_tile_overlayer_lowered:
.L_overlay_start_2:
0x5e: {  	(tag) =	ssettag $0x2  }
0x5f: {  	s0 =	rddreg [dreg:$0x0];
	s2 =	stileid.u32  }
0x60: {  	s1 =	rddreg [dreg:$0x1];
	p0 =	sne.s32 s2, $0x0  }
0x61: {  	s3 =	rddreg [dreg:$0x2];
	[bflag:$0x3] =	sbarrier.arrive $0xFFFF;
	s2 =	simm.s32 @!p0 $0x1C02  }
0x62: {  	[timem:s3], [sflag:s2] =	dma.local @!p0 [hbm:s0], s1  }
0x63: {  	s0 =	simm.s32 @!p0 $0x2  }
0x64: {  	_ =	swait.ge @!p0 [sflag:s0], s1  }
0x65: {  	s1 =	ssub.s32 @!p0 $0x0, s1;
	[sflag:s0] =	ssyncset.done @!p0 $0x0  }
0x66: {  	[sflag:s0] =	ssyncadd.s32 @!p0 s1  }
0x67: {  	[bflag:$0x3] =	sbarrier.arrive $0xFFFF  }
0x68: {  	_ =	shalt  }

// kernel: kernel.27.cloned.1.call-start
scs
__scs_entry_jumppad:
0x0: {  	(pc) =	sbr.rel $0x88, $3  }
0x1: {  	(tag) =	ssettag $0x0;
	lr =	simm.s32 $0x1  }
0x2: {  	[smem:$0x3F8C] =	sst lr;
	_ =	strace $0xD0000000  }
0x3: {  	_ = 	snop  }
0x4: {  	_ = 	snop  }
0x5: {  	_ = 	snop  }
0x6: {  	_ = 	snop  }
0x7: {  	_ = 	snop  }
__scs_overlays_trampoline_lowered:
0x8: {  	[smem:$0x3F9B] =	sst s0  }
0x9: {  	[smem:$0x3F9C] =	sst s1  }
0xa: {  	[smem:$0x3F9D] =	sst s2  }
0xb: {  	[smem:$0x3F9E] =	sst s3  }
0xc: {  	[smem:$0x3F9F] =	sst s4  }
0xd: {  	[smem:$0x3FA0] =	sst s5  }
0xe: {  	[smem:$0x3FA1] =	sst s6  }
0xf: {  	[smem:$0x3FA2] =	sst s7  }
0x10: {  	[smem:$0x3FA3] =	sst s8  }
0x11: {  	[smem:$0x3FA4] =	sst s9;
	s0 =	simm.s32 @!p0 $0x0  }
0x12: {  	s1 =	sld [smem:$0x3F8A];
	s0 =	simm.s32 @p0 $0x1  }
0x13: {  	[smem:$0x3FA5] =	sst s0;
	s0 =	simm.s32 @!p1 $0x0  }
0x14: {  	s2 =	sld [smem:$0x3F89];
	s0 =	simm.s32 @p1 $0x1  }
0x15: {  	[smem:$0x3FA6] =	sst s0;
	s0 =	simm.s32 @!p2 $0x0  }
0x16: {  	s3 =	sld [smem:$0x3FDB];
	s0 =	simm.s32 @p2 $0x1  }
0x17: {  	s4 =	simm.s32 $0x1BF5;
	[smem:$0x3FA8] =	sst s0  }
0x18: {  	s0 =	sld [smem:$0x3F8B];
	_ =	swait.ge [sflag:s4], $0x0  }
0x19: {  	s7 =	sld [smem:$0x3F8C]  }
0x1a: {  	s8 =	sadd.s32 $0xFFFFE003, lr  }
0x1b: {  	s9 =	sadd.s32 $0xFFFFFEF7, lr;
	s5 =	simm.s32 $0xFFFFFFFF;
	p2 =	slt.u32 s8, $0xFFFFF086  }
0x1c: {  	p1 =	slt.u32 s9, $0xF7A;
	s5 =	simm.s32 @!p2 $0x0  }
0x1d: {  	s5 =	simm.s32 @p1 $0x1;
	p0 =	seq.s32 s7, s2  }
0x1e: {  	s7 =	smul.u32 @!p0 $0xF7A, s2;
	p2 =	seq.s32 @!p0 s5, $0x0  }
0x1f: {  	s9 =	smul.u32 $0xF7A, s1;
	s8 =	simm.s32 @!p0 $0x1BF5;
	p2 =	por !p2, p0  }
0x20: {  	[sflag:s8] =	ssyncset.s32 @!p0 $0xFFFFF086;
	s6 =	sadd.s32 @!p0 s3, s7;
	s7 =	simm.s32 @!p0 $0x108  }
0x21: {  	s3 =	sadd.s32 s3, s9;
	s6 =	sadd.s32 @!p0 $0x88, s6;
	s7 =	simm.s32 @p2 $0x1082  }
0x22: {  	[simem:s7], [sflag:s8] =	dma.local @!p0 [hbm:s6], $0xF7A  }
0x23: {  	s9 =	sor.u32 $0xD0000000, s2;
	s6 =	simm.s32 $0x108;
	_ =	swait.ge @!p0 [sflag:s8], $0x0  }
0x24: {  	s3 =	sadd.s32 $0x88, s3;
	s6 =	simm.s32 @!p1 $0x1082;
	[sflag:s4] =	ssyncset.s32 $0xFFFFF086  }
0x25: {  	[simem:s6], [sflag:s4] =	dma.local [hbm:s3], $0xF7A  }
0x26: {  	[smem:$0x3F8C] =	sst s1;
	(tag) =	ssettag s2;
	_ =	strace s9  }
0x27: {  	s1 =	sld [smem:$0x3F9C]  }
0x28: {  	s2 =	sld [smem:$0x3F9D]  }
0x29: {  	s4 =	sld [smem:$0x3F9F]  }
0x2a: {  	p0 =	seq.s32 s5, $0x0;
	s5 =	sld [smem:$0x3FA0]  }
0x2b: {  	s6 =	sld [smem:$0x3FA1]  }
0x2c: {  	s7 =	sld [smem:$0x3FA2]  }
0x2d: {  	s3 =	simm.s32 $0x108;
	s8 =	sld [smem:$0x3FA3]  }
0x2e: {  	s3 =	simm.s32 @!p0 $0x1082;
	s9 =	sld [smem:$0x3FA4]  }
0x2f: {  	lr =	sadd.s32 s0, s3;
	s0 =	sld [smem:$0x3F9B]  }
0x30: {  	s3 =	sld [smem:$0x3F9E]  }
0x31: {  	[smem:$0x3FA7] =	sst s10  }
0x32: {  	s10 =	sld [smem:$0x3FA5];
	_ =	sdelay $0x3  }
0x33: {  	p0 =	seq.s32 s10, $0x1;
	s10 =	sld [smem:$0x3FA7];
	_ =	sdelay $0x3  }
0x34: {  	[smem:$0x3FA7] =	sst s10  }
0x35: {  	s10 =	sld [smem:$0x3FA6];
	_ =	sdelay $0x3  }
0x36: {  	p1 =	seq.s32 s10, $0x1;
	s10 =	sld [smem:$0x3FA7];
	_ =	sdelay $0x3  }
0x37: {  	[smem:$0x3FA7] =	sst s10  }
0x38: {  	s10 =	sld [smem:$0x3FA8]  }
0x39: {  	_ = 	snop;
	(pc) =	sbr.ind lr, $3  }
0x3a: {  	_ = 	snop  }
0x3b: {  	_ = 	snop  }
0x3c: {  	p2 =	seq.s32 s10, $0x1;
	s10 =	sld [smem:$0x3FA7]  }
0x3d: {  	_ =	shalt  }
0x3e: {  	_ =	shalt  }
0x3f: {  	_ =	shalt  }
0x40: {  	_ =	shalt  }
0x41: {  	_ =	shalt  }
0x42: {  	_ =	shalt  }
0x43: {  	_ =	shalt  }
0x44: {  	_ =	shalt  }
0x45: {  	_ =	shalt  }
0x46: {  	_ =	shalt  }
0x47: {  	_ =	shalt  }
0x48: {  	_ =	shalt  }
0x49: {  	_ =	shalt  }
0x4a: {  	_ =	shalt  }
0x4b: {  	_ =	shalt  }
0x4c: {  	_ =	shalt  }
0x4d: {  	_ =	shalt  }
0x4e: {  	_ =	shalt  }
0x4f: {  	_ =	shalt  }
0x50: {  	_ =	shalt  }
0x51: {  	_ =	shalt  }
0x52: {  	_ =	shalt  }
0x53: {  	_ =	shalt  }
0x54: {  	_ =	shalt  }
0x55: {  	_ =	shalt  }
0x56: {  	_ =	shalt  }
0x57: {  	_ =	shalt  }
0x58: {  	_ =	shalt  }
0x59: {  	_ =	shalt  }
0x5a: {  	_ =	shalt  }
0x5b: {  	_ =	shalt  }
0x5c: {  	_ =	shalt  }
0x5d: {  	_ =	shalt  }
0x5e: {  	_ =	shalt  }
0x5f: {  	_ =	shalt  }
0x60: {  	_ =	shalt  }
0x61: {  	_ =	shalt  }
0x62: {  	_ =	shalt  }
0x63: {  	_ =	shalt  }
0x64: {  	_ =	shalt  }
0x65: {  	_ =	shalt  }
0x66: {  	_ =	shalt  }
0x67: {  	_ =	shalt  }
0x68: {  	_ =	shalt  }
0x69: {  	_ =	shalt  }
0x6a: {  	_ =	shalt  }
0x6b: {  	_ =	shalt  }
0x6c: {  	_ =	shalt  }
0x6d: {  	_ =	shalt  }
0x6e: {  	_ =	shalt  }
0x6f: {  	_ =	shalt  }
0x70: {  	_ =	shalt  }
0x71: {  	_ =	shalt  }
0x72: {  	_ =	shalt  }
0x73: {  	_ =	shalt  }
0x74: {  	_ =	shalt  }
0x75: {  	_ =	shalt  }
0x76: {  	_ =	shalt  }
0x77: {  	_ =	shalt  }
0x78: {  	_ =	shalt  }
0x79: {  	_ =	shalt  }
0x7a: {  	_ =	shalt  }
0x7b: {  	_ =	shalt  }
0x7c: {  	_ =	shalt  }
0x7d: {  	_ =	shalt  }
0x7e: {  	_ =	shalt  }
0x7f: {  	_ =	shalt  }
0x80: {  	_ =	shalt  }
0x81: {  	_ =	shalt  }
0x82: {  	_ =	shalt  }
0x83: {  	_ =	shalt  }
0x84: {  	_ =	shalt  }
0x85: {  	_ =	shalt  }
0x86: {  	_ =	shalt  }
0x87: {  	_ =	shalt  }
.Lfunc_end0:
.L_simem_size_0:
called_computation.4_lowered:
.L_overlay_start_0:
0x88: {  	s2 =	sld [smem:$0x3FD9]  }
0x89: {  	s3 =	sld [smem:$0x3FFE];
	_ =	sdelay $0x1  }
0x8a: {  	s1 =	srdreg.scid  }
0x8b: {  	s0 =	sand.u32 $0x1, s1  }
0x8c: {  	s16 =	sshll.u32 s0, $0xA;
	s2 =	sadd.s32 s3, s2  }
0x8d: {  	s2 =	sadd.s32 s2, s16  }
0x8e: {  	[smem:$0x3FB3] =	sst s2  }
0x8f: {  	_ = 	snop  }
0x90: {  	(tm) =	ssettm $0x1  }
0x91: {  	s17 =	sld [smem:$0x3FFB];
	_ =	sdelay $0x3  }
0x92: {  	_ =	strace s17  }
0x93: {  	s2 =	sld [smem:$0x3FFC];
	_ =	sdelay $0x3  }
0x94: {  	_ =	strace s2  }
0x95: {  	s2 =	sld [smem:$0x3FFD];
	_ =	sdelay $0x3  }
0x96: {  	_ =	strace s2  }
0x97: {  	_ =	strace $0x8FFFFFFF  }
0x98: {  	s18 =	sld [smem:$0x3FDB];
	_ =	sdelay $0x1  }
0x99: {  	s19 =	simm.s32 $_scs_section_size  }
0x9a: {  	s4 =	simm.s32 $_size__tile_overlayer_lowered;
	s5 =	simm.s32 $_tile_overlayer_lowered  }
0x9b: {  	s22 =	simm.s32 $0x1BFF;
	s21 =	sshll.u32 s5, $0x1;
	s2 =	sadd.s32 s19, s18  }
0x9c: {  	s6 =	simm.s32 $0x0;
	s20 =	sshll.u32 s4, $0x1;
	s4 =	sadd.s32 s21, s2  }
0x9d: {  	[timem:s6], [sflag:s22] =	dma.local [hbm:s4], s20  }
0x9e: {  	_ =	swait.ge [sflag:s22], s20  }
0x9f: {  	s3 =	ssub.s32 $0x0, s20;
	[sflag:s22] =	ssyncset.done $0x0  }
0xa0: {  	[sflag:s22] =	ssyncadd.s32 s3;
	_ =	sdelay $0x1  }
0xa1: {  	s23 =	simm.s32 $0x1B8B  }
0xa2: {  	_ =	swait.ge [sflag:s23], $0x1  }
0xa3: {  	[sflag:s23] =	ssyncset.done $0x0  }
0xa4: {  	s25 =	simm.s32 $0x1B8E;
	s24 =	sld [smem:$0x3FFE];
	[sflag:s23] =	ssyncadd.s32 $0xFFFFFFFF  }
0xa5: {  	s26 =	simm.s32 $execute0_lowered;
	[smem:$0x3FD2] =	sst s25  }
0xa6: {  	s4 =	sshll.u32 s26, $0x1;
	_ =	strace $0x80000052;
	[dreg:$0x1] =	wrdreg $0xFFFFFFFF  }
0xa7: {  	s28 =	simm.s32 $_size_execute0_lowered;
	s2 =	sadd.s32 s2, s4;
	[dreg:$0x0] =	wrdreg $0x0  }
0xa8: {  	s4 =	sshll.u32 s28, $0x1;
	[dreg:$0x2] =	wrdreg s2  }
0xa9: {  	[dreg:$0x3] =	wrdreg s4  }
0xaa: {  	[dreg:$0x4] =	wrdreg $0xC0  }
0xab: {  	_ =	task [dreg:s6], $0x5FFFF  }
0xac: {  	[dreg:$0x1] =	wrdreg $0xFFFFFFFF  }
0xad: {  	[dreg:$0x0] =	wrdreg $0x60  }
0xae: {  	[dreg:$0x2] =	wrdreg s24  }
0xaf: {  	[dreg:$0x3] =	wrdreg $0x9  }
0xb0: {  	_ =	task.clear_ibuf [dreg:s6], $0x4FFFF;
	_ =	strace $0x90000052  }
0xb1: {  	s29 =	simm.s32 $0x9;
	_ =	strace $0x80000054  }
0xb2: {  	_ =	swait.ge [sflag:s29], $0x1  }
0xb3: {  	[sflag:s29] =	ssyncadd.s32 $0xFFFFFFFF  }
0xb4: {  	_ =	strace $0x90000054  }
0xb5: {  	_ =	sfence  }
0xb6: {  	s30 =	sld [smem:$0x0];
	_ =	sdelay $0x2  }
0xb7: {  	s31 =	sshll.u32 s1, $0xD;
	s1 =	sshrl.u32 s1, $0x2  }
0xb8: {  	s3 =	sand.u32 $0x4000, s31;
	s1 =	sadd.s32 s1, s30  }
0xb9: {  	s0 =	sor.u32 s3, s0;
	s1 =	sshll.u32 s1, $0x11  }
0xba: {  	s0 =	sor.u32 s1, s0  }
0xbb: {  	s0 =	sadd.s32 $0x8F2B, s0  }
0xbc: {  	[sflag:s0] =	ssyncadd.remote.s32 $0x1  }
0xbd: {  	_ =	sfence.sel $0xFFFF  }
0xbe: {  	[dreg:$0x0] =	wrdreg $0xFFFFFFFF;
	(pc) =	sbr.abs _section_cstart, $3  }
0xbf: {  	[dreg:$0x1] =	wrdreg $0xFFFFFFFF  }
0xc0: {  	_ =	task.clear_ibuf [dreg:s6], $0x2FFFF;
	_ =	strace $0x9FFFFFFF  }
0xc1: {  	(tm) =	ssettm $0x7FFFFFFF  }
tec
execute0_lowered:
.L_overlay_start_1:
0x0: {  	(tag) =	ssettag $0x1  }
0x1: {  	s4 =	rddreg [dreg:$0x0]  }
0x2: {  	s2 =	srdreg.scid;
	s1 =	stileid.u32  }
0x3: {  	s0 =	rddreg [dreg:$0x1];
	s10 =	simm.s32 $0x80;
	s11 =	simm.s32 $0x2900  }
0x4: {  	s12 =	simm.s32 $0x400;
	s13 =	simm.s32 $0x0;
	s5 =	sand.u32 $0x1, s2  }
0x5: {  	s6 =	smul.u32 $0x4E20, s1;
	s3 =	sshrl.u32 s1, $0x2;
	s7 =	sshll.u32 s1, $0x8  }
0x6: {  	s2 =	simm.s32 $0x0;
	s8 =	sshll.u32 s5, $0x7;
	s9 =	smul.u32 $0x14000, s3  }
0x7: {  	[smem:$0x7FF] =	sst s2;
	s28 =	smul.u32 $0x2710, s5;
	s3 =	sadd.s32 $0x6A200, s4  }
0x8: {  	s5 =	ssub.s32 $0x2, s5;
	s26 =	sor.u32 s8, s7;
	_ =	strace $0x80000053  }
0x9: {  	s30 =	sshrl.u32 s5, $0x1;
	s8 =	sand.u32 $0x380, s26;
	s6 =	sadd.s32 s28, s6  }
0xa: {  	s5 =	ssub.s32 s5, s30;
	s8 =	sor.u32 s9, s8;
	s6 =	sshrl.u32 s6, $0x3  }
0xb: {  	s5 =	smax.u32 s5, $0x1;
	s9 =	simm.s32 $0x1;
	s29 =	sshrl.u32 s8, $0x3  }
0xc: {  	s31 =	sadd.s32 s6, s4;
	s8 =	simm.s32 $0x100;
	s7 =	sadd.s32 s29, s4  }
0xd: {  	v0 =	vimm.f32 $0.0e+00;
	s6 =	sadd.s32 $0x10400, s31;
	s4 =	sadd.s32 $0x93600, s7;
	s7 =	sadd.s32 $0x6600, s31  }
.LBB2_1:
0xe: {  	[tilespmem:s8], [sflag:$0x1] =	stream.linear.gather [hbm4b:s3+s2], $0x2800, $0x38;
	[tilespmem:$0x5100] =	vst v63  }
0xf: {  	_ =	swait.ge [sflag:s9], $0x2800  }
0x10: {  	[sflag:s9] =	ssyncset.done $0x0  }
0x11: {  	s14 =	simm.s32 $0x0;
	[sflag:s9] =	ssyncadd.s32 $0xFFFFD800  }
.LBB2_2:
0x12: {  	p0 =	sne.s32 s14, $0x9FC0  }
.Ltmp0:
0x13: {  	_ = 	snop;
	(pc) =	sbr.rel @p0 .LBB2_2-.Ltmp0, $3  }
0x14: {  	_ =	sdelay $0x1  }
0x15: {  	s15 =	sshra.s32 s14, $0x2  }
0x16: {  	s14 =	sadd.s32 $0x40, s14;
	[tilespmem:s15+$0x2900] =	vst v0  }
0x17: {  	s14 =	simm.s32 $0x0  }
.LBB2_4:
0x18: {  	s15 =	sadd.s32 s14, s7  }
0x19: {  	[tilespmem:s2], [sflag:$0x1] =	stream.linear.gather [hbm4b:s15+s2], $0x50, $0x38;
	[tilespmem:$0x5100] =	vst v63  }
0x1a: {  	_ =	swait.ge [sflag:s9], $0x50  }
0x1b: {  	[sflag:s9] =	ssyncset.done $0x0  }
0x1c: {  	s31 =	sadd.s32 s14, s6;
	[sflag:s9] =	ssyncadd.s32 $0xFFFFFFB0  }
0x1d: {  	[tilespmem:s10], [sflag:$0x1] =	stream.linear.gather [hbm4b:s31+s2], $0x50, $0x38;
	[tilespmem:$0x5100] =	vst v63  }
0x1e: {  	_ =	swait.ge [sflag:s9], $0x50  }
0x1f: {  	[sflag:s9] =	ssyncset.done $0x0  }
0x20: {  	[sflag:s9] =	ssyncadd.s32 $0xFFFFFFB0  }
0x21: {  	v1 =	vld [tilespmem:$0x0];
	_ =	sdelay $0x4  }
0x22: {  	v2 =	vld [tilespmem:$0x80];
	_ =	sdelay $0x2  }
0x23: {  	v1 =	vld.idx.msk [tilespmem:v1+s8+$0x0], $0xffff;
	_ =	sdelay $0x4  }
0x24: {  	[tilespmem:v2+s11+$0x0] =	vst.idx.add.f32.msk $0xffff, v1  }
0x25: {  	v1 =	vld [tilespmem:$0x10];
	_ =	sdelay $0x4  }
0x26: {  	v2 =	vld [tilespmem:$0x90];
	_ =	sdelay $0x2  }
0x27: {  	v1 =	vld.idx.msk [tilespmem:v1+s8+$0x0], $0xffff;
	_ =	sdelay $0x4  }
0x28: {  	[tilespmem:v2+s11+$0x0] =	vst.idx.add.f32.msk $0xffff, v1  }
0x29: {  	v1 =	vld [tilespmem:$0x20];
	_ =	sdelay $0x4  }
0x2a: {  	v2 =	vld [tilespmem:$0xA0];
	_ =	sdelay $0x2  }
0x2b: {  	v1 =	vld.idx.msk [tilespmem:v1+s8+$0x0], $0xffff;
	_ =	sdelay $0x4  }
0x2c: {  	[tilespmem:v2+s11+$0x0] =	vst.idx.add.f32.msk $0xffff, v1  }
0x2d: {  	v1 =	vld [tilespmem:$0x30];
	_ =	sdelay $0x4  }
0x2e: {  	v2 =	vld [tilespmem:$0xB0];
	_ =	sdelay $0x2  }
0x2f: {  	v1 =	vld.idx.msk [tilespmem:v1+s8+$0x0], $0xffff;
	_ =	sdelay $0x4  }
0x30: {  	[tilespmem:v2+s11+$0x0] =	vst.idx.add.f32.msk $0xffff, v1  }
0x31: {  	v1 =	vld [tilespmem:$0x40];
	_ =	sdelay $0x4  }
0x32: {  	v2 =	vld [tilespmem:$0xC0];
	_ =	sdelay $0x2  }
0x33: {  	p0 =	sne.s32 s14, $0x4D8;
	v1 =	vld.idx.msk [tilespmem:v1+s8+$0x0], $0xffff  }
.Ltmp1:
0x34: {  	_ = 	snop;
	(pc) =	sbr.rel @p0 .LBB2_4-.Ltmp1, $2  }
0x35: {  	_ =	sdelay $0x2  }
0x36: {  	s14 =	sadd.s32 $0xA, s14;
	[tilespmem:v2+s11+$0x0] =	vst.idx.add.f32.msk $0xffff, v1  }
0x37: {  	s13 =	sadd.s32 $0x1, s13  }
0x38: {  	p0 =	sne.s32 s13, s5  }
.Ltmp2:
0x39: {  	_ = 	snop;
	(pc) =	sbr.rel @p0 .LBB2_1-.Ltmp2, $4  }
0x3a: {  	[hbm4b:s4+s10] =	stream.strided.scatter [tilespmem:s11], [sflag:$0x1], $0x2800, s12, s10, $0x38;
	[tilespmem:$0x5100] =	vst v63  }
0x3b: {  	_ =	swait.ge [sflag:s9], $0x2800  }
0x3c: {  	[sflag:s9] =	ssyncset.done $0x0  }
0x3d: {  	[sflag:s9] =	ssyncadd.s32 $0xFFFFD800  }
0x3e: {  	_ =	sfence.sel $0x180000  }
0x3f: {  	[bflag:$0x0] =	sbarrier.arrive $0xFFFF  }
0x40: {  	p0 =	sne.s32 s1, $0x0;
	_ =	strace $0x90000053  }
0x41: {  	s0 =	sadd.s32 @!p0 $0x100000, s0;
	[bflag:$0x2] =	sbarrier.arrive $0xFFFF  }
0x42: {  	[sflag:s0] =	ssyncadd.tile.s32 @!p0 $0x1;
	_ =	shalt  }
.Lfunc_end2:
_tile_overlayer_lowered:
.L_overlay_start_2:
0x43: {  	(tag) =	ssettag $0x2  }
0x44: {  	s0 =	rddreg [dreg:$0x0];
	s2 =	stileid.u32  }
0x45: {  	s1 =	rddreg [dreg:$0x1];
	p0 =	sne.s32 s2, $0x0  }
0x46: {  	s3 =	rddreg [dreg:$0x2];
	[bflag:$0x3] =	sbarrier.arrive $0xFFFF;
	s2 =	simm.s32 @!p0 $0x1C01  }
0x47: {  	[timem:s3], [sflag:s2] =	dma.local @!p0 [hbm:s0], s1  }
0x48: {  	s0 =	simm.s32 @!p0 $0x1  }
0x49: {  	_ =	swait.ge @!p0 [sflag:s0], s1  }
0x4a: {  	s1 =	ssub.s32 @!p0 $0x0, s1;
	[sflag:s0] =	ssyncset.done @!p0 $0x0  }
0x4b: {  	[sflag:s0] =	ssyncadd.s32 @!p0 s1  }
0x4c: {  	[bflag:$0x3] =	sbarrier.arrive $0xFFFF  }
0x4d: {  	_ =	shalt  }

// kernel: kernel.30.cloned.1.call-start
scs
__scs_entry_jumppad:
0x0: {  	(pc) =	sbr.rel $0x88, $3  }
0x1: {  	(tag) =	ssettag $0x0;
	lr =	simm.s32 $0x1  }
0x2: {  	[smem:$0x3F8C] =	sst lr;
	_ =	strace $0xD0000000  }
0x3: {  	_ = 	snop  }
0x4: {  	_ = 	snop  }
0x5: {  	_ = 	snop  }
0x6: {  	_ = 	snop  }
0x7: {  	_ = 	snop  }
__scs_overlays_trampoline_lowered:
0x8: {  	[smem:$0x3F9B] =	sst s0  }
0x9: {  	[smem:$0x3F9C] =	sst s1  }
0xa: {  	[smem:$0x3F9D] =	sst s2  }
0xb: {  	[smem:$0x3F9E] =	sst s3  }
0xc: {  	[smem:$0x3F9F] =	sst s4  }
0xd: {  	[smem:$0x3FA0] =	sst s5  }
0xe: {  	[smem:$0x3FA1] =	sst s6  }
0xf: {  	[smem:$0x3FA2] =	sst s7  }
0x10: {  	[smem:$0x3FA3] =	sst s8  }
0x11: {  	[smem:$0x3FA4] =	sst s9;
	s0 =	simm.s32 @!p0 $0x0  }
0x12: {  	s1 =	sld [smem:$0x3F8A];
	s0 =	simm.s32 @p0 $0x1  }
0x13: {  	[smem:$0x3FA5] =	sst s0;
	s0 =	simm.s32 @!p1 $0x0  }
0x14: {  	s2 =	sld [smem:$0x3F89];
	s0 =	simm.s32 @p1 $0x1  }
0x15: {  	[smem:$0x3FA6] =	sst s0;
	s0 =	simm.s32 @!p2 $0x0  }
0x16: {  	s3 =	sld [smem:$0x3FDB];
	s0 =	simm.s32 @p2 $0x1  }
0x17: {  	s4 =	simm.s32 $0x1BF5;
	[smem:$0x3FA8] =	sst s0  }
0x18: {  	s0 =	sld [smem:$0x3F8B];
	_ =	swait.ge [sflag:s4], $0x0  }
0x19: {  	s7 =	sld [smem:$0x3F8C]  }
0x1a: {  	s8 =	sadd.s32 $0xFFFFE003, lr  }
0x1b: {  	s9 =	sadd.s32 $0xFFFFFEF7, lr;
	s5 =	simm.s32 $0xFFFFFFFF;
	p2 =	slt.u32 s8, $0xFFFFF086  }
0x1c: {  	p1 =	slt.u32 s9, $0xF7A;
	s5 =	simm.s32 @!p2 $0x0  }
0x1d: {  	s5 =	simm.s32 @p1 $0x1;
	p0 =	seq.s32 s7, s2  }
0x1e: {  	s7 =	smul.u32 @!p0 $0xF7A, s2;
	p2 =	seq.s32 @!p0 s5, $0x0  }
0x1f: {  	s9 =	smul.u32 $0xF7A, s1;
	s8 =	simm.s32 @!p0 $0x1BF5;
	p2 =	por !p2, p0  }
0x20: {  	[sflag:s8] =	ssyncset.s32 @!p0 $0xFFFFF086;
	s6 =	sadd.s32 @!p0 s3, s7;
	s7 =	simm.s32 @!p0 $0x108  }
0x21: {  	s3 =	sadd.s32 s3, s9;
	s6 =	sadd.s32 @!p0 $0x88, s6;
	s7 =	simm.s32 @p2 $0x1082  }
0x22: {  	[simem:s7], [sflag:s8] =	dma.local @!p0 [hbm:s6], $0xF7A  }
0x23: {  	s9 =	sor.u32 $0xD0000000, s2;
	s6 =	simm.s32 $0x108;
	_ =	swait.ge @!p0 [sflag:s8], $0x0  }
0x24: {  	s3 =	sadd.s32 $0x88, s3;
	s6 =	simm.s32 @!p1 $0x1082;
	[sflag:s4] =	ssyncset.s32 $0xFFFFF086  }
0x25: {  	[simem:s6], [sflag:s4] =	dma.local [hbm:s3], $0xF7A  }
0x26: {  	[smem:$0x3F8C] =	sst s1;
	(tag) =	ssettag s2;
	_ =	strace s9  }
0x27: {  	s1 =	sld [smem:$0x3F9C]  }
0x28: {  	s2 =	sld [smem:$0x3F9D]  }
0x29: {  	s4 =	sld [smem:$0x3F9F]  }
0x2a: {  	p0 =	seq.s32 s5, $0x0;
	s5 =	sld [smem:$0x3FA0]  }
0x2b: {  	s6 =	sld [smem:$0x3FA1]  }
0x2c: {  	s7 =	sld [smem:$0x3FA2]  }
0x2d: {  	s3 =	simm.s32 $0x108;
	s8 =	sld [smem:$0x3FA3]  }
0x2e: {  	s3 =	simm.s32 @!p0 $0x1082;
	s9 =	sld [smem:$0x3FA4]  }
0x2f: {  	lr =	sadd.s32 s0, s3;
	s0 =	sld [smem:$0x3F9B]  }
0x30: {  	s3 =	sld [smem:$0x3F9E]  }
0x31: {  	[smem:$0x3FA7] =	sst s10  }
0x32: {  	s10 =	sld [smem:$0x3FA5];
	_ =	sdelay $0x3  }
0x33: {  	p0 =	seq.s32 s10, $0x1;
	s10 =	sld [smem:$0x3FA7];
	_ =	sdelay $0x3  }
0x34: {  	[smem:$0x3FA7] =	sst s10  }
0x35: {  	s10 =	sld [smem:$0x3FA6];
	_ =	sdelay $0x3  }
0x36: {  	p1 =	seq.s32 s10, $0x1;
	s10 =	sld [smem:$0x3FA7];
	_ =	sdelay $0x3  }
0x37: {  	[smem:$0x3FA7] =	sst s10  }
0x38: {  	s10 =	sld [smem:$0x3FA8]  }
0x39: {  	_ = 	snop;
	(pc) =	sbr.ind lr, $3  }
0x3a: {  	_ = 	snop  }
0x3b: {  	_ = 	snop  }
0x3c: {  	p2 =	seq.s32 s10, $0x1;
	s10 =	sld [smem:$0x3FA7]  }
0x3d: {  	_ =	shalt  }
0x3e: {  	_ =	shalt  }
0x3f: {  	_ =	shalt  }
0x40: {  	_ =	shalt  }
0x41: {  	_ =	shalt  }
0x42: {  	_ =	shalt  }
0x43: {  	_ =	shalt  }
0x44: {  	_ =	shalt  }
0x45: {  	_ =	shalt  }
0x46: {  	_ =	shalt  }
0x47: {  	_ =	shalt  }
0x48: {  	_ =	shalt  }
0x49: {  	_ =	shalt  }
0x4a: {  	_ =	shalt  }
0x4b: {  	_ =	shalt  }
0x4c: {  	_ =	shalt  }
0x4d: {  	_ =	shalt  }
0x4e: {  	_ =	shalt  }
0x4f: {  	_ =	shalt  }
0x50: {  	_ =	shalt  }
0x51: {  	_ =	shalt  }
0x52: {  	_ =	shalt  }
0x53: {  	_ =	shalt  }
0x54: {  	_ =	shalt  }
0x55: {  	_ =	shalt  }
0x56: {  	_ =	shalt  }
0x57: {  	_ =	shalt  }
0x58: {  	_ =	shalt  }
0x59: {  	_ =	shalt  }
0x5a: {  	_ =	shalt  }
0x5b: {  	_ =	shalt  }
0x5c: {  	_ =	shalt  }
0x5d: {  	_ =	shalt  }
0x5e: {  	_ =	shalt  }
0x5f: {  	_ =	shalt  }
0x60: {  	_ =	shalt  }
0x61: {  	_ =	shalt  }
0x62: {  	_ =	shalt  }
0x63: {  	_ =	shalt  }
0x64: {  	_ =	shalt  }
0x65: {  	_ =	shalt  }
0x66: {  	_ =	shalt  }
0x67: {  	_ =	shalt  }
0x68: {  	_ =	shalt  }
0x69: {  	_ =	shalt  }
0x6a: {  	_ =	shalt  }
0x6b: {  	_ =	shalt  }
0x6c: {  	_ =	shalt  }
0x6d: {  	_ =	shalt  }
0x6e: {  	_ =	shalt  }
0x6f: {  	_ =	shalt  }
0x70: {  	_ =	shalt  }
0x71: {  	_ =	shalt  }
0x72: {  	_ =	shalt  }
0x73: {  	_ =	shalt  }
0x74: {  	_ =	shalt  }
0x75: {  	_ =	shalt  }
0x76: {  	_ =	shalt  }
0x77: {  	_ =	shalt  }
0x78: {  	_ =	shalt  }
0x79: {  	_ =	shalt  }
0x7a: {  	_ =	shalt  }
0x7b: {  	_ =	shalt  }
0x7c: {  	_ =	shalt  }
0x7d: {  	_ =	shalt  }
0x7e: {  	_ =	shalt  }
0x7f: {  	_ =	shalt  }
0x80: {  	_ =	shalt  }
0x81: {  	_ =	shalt  }
0x82: {  	_ =	shalt  }
0x83: {  	_ =	shalt  }
0x84: {  	_ =	shalt  }
0x85: {  	_ =	shalt  }
0x86: {  	_ =	shalt  }
0x87: {  	_ =	shalt  }
.Lfunc_end0:
.L_simem_size_0:
called_computation.5_lowered:
.L_overlay_start_0:
0x88: {  	s2 =	sld [smem:$0x3FD9]  }
0x89: {  	s3 =	sld [smem:$0x3FFE];
	_ =	sdelay $0x1  }
0x8a: {  	s1 =	srdreg.scid  }
0x8b: {  	s0 =	sand.u32 $0x1, s1  }
0x8c: {  	s16 =	sshll.u32 s0, $0xA;
	s2 =	sadd.s32 s3, s2  }
0x8d: {  	s2 =	sadd.s32 s2, s16  }
0x8e: {  	[smem:$0x3FB3] =	sst s2  }
0x8f: {  	_ = 	snop  }
0x90: {  	(tm) =	ssettm $0x1  }
0x91: {  	s17 =	sld [smem:$0x3FFB];
	_ =	sdelay $0x3  }
0x92: {  	_ =	strace s17  }
0x93: {  	s2 =	sld [smem:$0x3FFC];
	_ =	sdelay $0x3  }
0x94: {  	_ =	strace s2  }
0x95: {  	s2 =	sld [smem:$0x3FFD];
	_ =	sdelay $0x3  }
0x96: {  	_ =	strace s2  }
0x97: {  	_ =	strace $0x8FFFFFFF  }
0x98: {  	s18 =	sld [smem:$0x3FDB];
	_ =	sdelay $0x1  }
0x99: {  	s19 =	simm.s32 $_scs_section_size  }
0x9a: {  	s4 =	simm.s32 $_size__tile_overlayer_lowered;
	s5 =	simm.s32 $_tile_overlayer_lowered  }
0x9b: {  	s22 =	simm.s32 $0x1BFF;
	s21 =	sshll.u32 s5, $0x1;
	s2 =	sadd.s32 s19, s18  }
0x9c: {  	s6 =	simm.s32 $0x0;
	s20 =	sshll.u32 s4, $0x1;
	s4 =	sadd.s32 s21, s2  }
0x9d: {  	[timem:s6], [sflag:s22] =	dma.local [hbm:s4], s20  }
0x9e: {  	_ =	swait.ge [sflag:s22], s20  }
0x9f: {  	s3 =	ssub.s32 $0x0, s20;
	[sflag:s22] =	ssyncset.done $0x0  }
0xa0: {  	[sflag:s22] =	ssyncadd.s32 s3;
	_ =	sdelay $0x1  }
0xa1: {  	s23 =	simm.s32 $0x1B8B  }
0xa2: {  	_ =	swait.ge [sflag:s23], $0x1  }
0xa3: {  	[sflag:s23] =	ssyncset.done $0x0  }
0xa4: {  	s25 =	simm.s32 $0x1B8E;
	s24 =	sld [smem:$0x3FFE];
	[sflag:s23] =	ssyncadd.s32 $0xFFFFFFFF  }
0xa5: {  	s26 =	simm.s32 $execute0_lowered;
	[smem:$0x3FD2] =	sst s25  }
0xa6: {  	s4 =	sshll.u32 s26, $0x1;
	_ =	strace $0x80000055;
	[dreg:$0x1] =	wrdreg $0xFFFFFFFF  }
0xa7: {  	s28 =	simm.s32 $_size_execute0_lowered;
	s2 =	sadd.s32 s2, s4;
	[dreg:$0x0] =	wrdreg $0x0  }
0xa8: {  	s4 =	sshll.u32 s28, $0x1;
	[dreg:$0x2] =	wrdreg s2  }
0xa9: {  	[dreg:$0x3] =	wrdreg s4  }
0xaa: {  	[dreg:$0x4] =	wrdreg $0xC0  }
0xab: {  	_ =	task [dreg:s6], $0x5FFFF  }
0xac: {  	[dreg:$0x1] =	wrdreg $0xFFFFFFFF  }
0xad: {  	[dreg:$0x0] =	wrdreg $0x60  }
0xae: {  	[dreg:$0x2] =	wrdreg s24  }
0xaf: {  	[dreg:$0x3] =	wrdreg $0x9  }
0xb0: {  	_ =	task.clear_ibuf [dreg:s6], $0x4FFFF;
	_ =	strace $0x90000055  }
0xb1: {  	s29 =	simm.s32 $0x9;
	_ =	strace $0x80000057  }
0xb2: {  	_ =	swait.ge [sflag:s29], $0x1  }
0xb3: {  	[sflag:s29] =	ssyncadd.s32 $0xFFFFFFFF  }
0xb4: {  	_ =	strace $0x90000057  }
0xb5: {  	_ =	sfence  }
0xb6: {  	s30 =	sld [smem:$0x0];
	_ =	sdelay $0x2  }
0xb7: {  	s31 =	sshll.u32 s1, $0xD;
	s1 =	sshrl.u32 s1, $0x2  }
0xb8: {  	s3 =	sand.u32 $0x4000, s31;
	s1 =	sadd.s32 s1, s30  }
0xb9: {  	s0 =	sor.u32 s3, s0;
	s1 =	sshll.u32 s1, $0x11  }
0xba: {  	s0 =	sor.u32 s1, s0  }
0xbb: {  	s0 =	sadd.s32 $0x8F2B, s0  }
0xbc: {  	[sflag:s0] =	ssyncadd.remote.s32 $0x1  }
0xbd: {  	_ =	sfence.sel $0xFFFF  }
0xbe: {  	[dreg:$0x0] =	wrdreg $0xFFFFFFFF;
	(pc) =	sbr.abs _section_cstart, $3  }
0xbf: {  	[dreg:$0x1] =	wrdreg $0xFFFFFFFF  }
0xc0: {  	_ =	task.clear_ibuf [dreg:s6], $0x2FFFF;
	_ =	strace $0x9FFFFFFF  }
0xc1: {  	(tm) =	ssettm $0x7FFFFFFF  }
tec
execute0_lowered:
.L_overlay_start_1:
0x0: {  	(tag) =	ssettag $0x1  }
0x1: {  	s5 =	rddreg [dreg:$0x0]  }
0x2: {  	s0 =	rddreg [dreg:$0x1];
	s3 =	srdreg.scid  }
0x3: {  	s2 =	simm.s32 $0x0;
	s1 =	stileid.u32;
	s9 =	simm.s32 $0x80  }
0x4: {  	s10 =	simm.s32 $0x880;
	s11 =	simm.s32 $0x1080;
	s12 =	simm.s32 $0x1880  }
0x5: {  	s13 =	simm.s32 $0x2080;
	s14 =	simm.s32 $0x2880;
	s15 =	simm.s32 $0x3080  }
0x6: {  	s16 =	simm.s32 $0x3880;
	s17 =	simm.s32 $0x1;
	s4 =	sand.u32 $0x1, s3  }
0x7: {  	[smem:$0x7FF] =	sst s2;
	s6 =	sshll.u32 s1, $0x6;
	s7 =	sshll.u32 s4, $0x5  }
0x8: {  	s3 =	sadd.s32 $0x93600, s5;
	s4 =	ssub.s32 $0x2, s4;
	s6 =	sor.u32 s7, s6  }
0x9: {  	_ =	strace $0x80000056;
	s8 =	sshrl.u32 s4, $0x1;
	s7 =	sshrl.u32 s6, $0x3  }
0xa: {  	v2 =	vlaneseq.u32;
	s6 =	sshll.u32 s6, $0x6;
	s8 =	ssub.s32 s4, s8;
	s7 =	sadd.s32 s7, s5  }
0xb: {  	vm0 =	vmmov $0xffff;
	v1 =	vshrl.u32 v2, $0x3;
	s6 =	sadd.s32 s6, s5;
	s5 =	sadd.s32 $0x93700, s5;
	s4 =	sadd.s32 $0x6600, s7  }
0xc: {  	v0 =	vand.u32 $0x7, v2;
	v2 =	vor.u32 $0x8, v2;
	v1 =	vmul.u32 $0x8, v1;
	s6 =	sadd.s32 $0x6800, s6;
	s7 =	smax.u32 s8, $0x1;
	s8 =	simm.s32 $0x2  }
.LBB2_1:
0xd: {  	[tilespmem:s2], [sflag:$0x2] =	stream.linear.gather [hbm4b:s4+s2], $0x20, $0x38;
	[tilespmem:$0x4080] =	vst v63  }
0xe: {  	_ =	swait.ge [sflag:s8], $0x20  }
0xf: {  	[sflag:s8] =	ssyncset.done $0x0  }
0x10: {  	[sflag:s8] =	ssyncadd.s32 $0xFFFFFFE0  }
0x11: {  	v3 =	vld [tilespmem:$0x0];
	_ =	sdelay $0x4  }
0x12: {  	v4 =	vshll.u32 v3, $0x2  }
0x13: {  	v3 =	vand.u32 $0x7, v3;
	v4 =	vand.u32 $0xFFFFFFE0, v4  }
0x14: {  	v3 =	vor.u32 v3, v4  }
0x15: {  	v4 =	vperm.xlane v3, v0;
	_ =	sdelay $0x1  }
0x16: {  	v4 =	vadd.s32 v1, v4;
	_ =	sdelay $0x1  }
0x17: {  	v3 =	vperm.xlane v3, v2;
	_ =	sdelay $0x1  }
0x18: {  	v3 =	vadd.s32 v1, v3  }
0x19: {  	[tilespmem:s9], [sflag:$0x1] =	stream.indirect_vreg.gather [hbm4b:s3+s2], $0x80, v4, vm0, $0xb8;
	[tilespmem:$0x4080] =	vst v63  }
0x1a: {  	_ = 	snop  }
0x1b: {  	[tilespmem:s10], [sflag:$0x1] =	stream.indirect_vreg.gather [hbm4b:s5+s2], $0x80, v4, vm0, $0xb8;
	[tilespmem:$0x4080] =	vst v63  }
0x1c: {  	_ = 	snop  }
0x1d: {  	[tilespmem:s11], [sflag:$0x1] =	stream.indirect_vreg.gather [hbm4b:s3+s2], $0x80, v3, vm0, $0xb8;
	[tilespmem:$0x4080] =	vst v63  }
0x1e: {  	_ = 	snop  }
0x1f: {  	[tilespmem:s12], [sflag:$0x1] =	stream.indirect_vreg.gather [hbm4b:s5+s2], $0x80, v3, vm0, $0xb8;
	[tilespmem:$0x4080] =	vst v63  }
0x20: {  	v3 =	vld [tilespmem:$0x10];
	_ =	sdelay $0x4  }
0x21: {  	v63 =	vshll.u32 v3, $0x2  }
0x22: {  	v3 =	vand.u32 $0x7, v3;
	v4 =	vand.u32 $0xFFFFFFE0, v63  }
0x23: {  	v3 =	vor.u32 v3, v4  }
0x24: {  	v4 =	vperm.xlane v3, v0;
	_ =	sdelay $0x1  }
0x25: {  	v4 =	vadd.s32 v1, v4;
	_ =	sdelay $0x1  }
0x26: {  	v3 =	vperm.xlane v3, v2;
	_ =	sdelay $0x1  }
0x27: {  	v3 =	vadd.s32 v1, v3  }
0x28: {  	[tilespmem:s13], [sflag:$0x1] =	stream.indirect_vreg.gather [hbm4b:s3+s2], $0x80, v4, vm0, $0xb8;
	[tilespmem:$0x4080] =	vst v63  }
0x29: {  	_ = 	snop  }
0x2a: {  	[tilespmem:s14], [sflag:$0x1] =	stream.indirect_vreg.gather [hbm4b:s5+s2], $0x80, v4, vm0, $0xb8;
	[tilespmem:$0x4080] =	vst v63  }
0x2b: {  	_ = 	snop  }
0x2c: {  	[tilespmem:s15], [sflag:$0x1] =	stream.indirect_vreg.gather [hbm4b:s3+s2], $0x80, v3, vm0, $0xb8;
	[tilespmem:$0x4080] =	vst v63  }
0x2d: {  	_ = 	snop  }
0x2e: {  	[tilespmem:s16], [sflag:$0x1] =	stream.indirect_vreg.gather [hbm4b:s5+s2], $0x80, v3, vm0, $0xb8;
	[tilespmem:$0x4080] =	vst v63  }
0x2f: {  	_ =	swait.ge [sflag:s17], $0x4000  }
0x30: {  	p0 =	sne.s32 s7, $0x1;
	[sflag:s17] =	ssyncset.done $0x0  }
.Ltmp0:
0x31: {  	[sflag:s17] =	ssyncadd.s32 $0xFFFFC000;
	(pc) =	sbr.rel @p0 .LBB2_1-.Ltmp0, $4  }
0x32: {  	[hbm4b:s6+s2] =	stream.linear.scatter [tilespmem:s9], [sflag:$0x2], $0x4000, $0x38;
	[tilespmem:$0x4080] =	vst v63  }
0x33: {  	_ =	swait.ge [sflag:s8], $0x4000  }
0x34: {  	[sflag:s8] =	ssyncset.done $0x0  }
0x35: {  	s7 =	sadd.s32 $0xFFFFFFFF, s7;
	[sflag:s8] =	ssyncadd.s32 $0xFFFFC000  }
0x36: {  	_ =	sfence.sel $0x180000  }
0x37: {  	[bflag:$0x0] =	sbarrier.arrive $0xFFFF  }
0x38: {  	p0 =	sne.s32 s1, $0x0;
	_ =	strace $0x90000056  }
0x39: {  	s0 =	sadd.s32 @!p0 $0x100000, s0;
	[bflag:$0x2] =	sbarrier.arrive $0xFFFF  }
0x3a: {  	[sflag:s0] =	ssyncadd.tile.s32 @!p0 $0x1;
	_ =	shalt  }
.Lfunc_end2:
_tile_overlayer_lowered:
.L_overlay_start_2:
0x3b: {  	(tag) =	ssettag $0x2  }
0x3c: {  	s0 =	rddreg [dreg:$0x0];
	s2 =	stileid.u32  }
0x3d: {  	s1 =	rddreg [dreg:$0x1];
	p0 =	sne.s32 s2, $0x0  }
0x3e: {  	s3 =	rddreg [dreg:$0x2];
	[bflag:$0x3] =	sbarrier.arrive $0xFFFF;
	s2 =	simm.s32 @!p0 $0x1C02  }
0x3f: {  	[timem:s3], [sflag:s2] =	dma.local @!p0 [hbm:s0], s1  }
0x40: {  	s0 =	simm.s32 @!p0 $0x2  }
0x41: {  	_ =	swait.ge @!p0 [sflag:s0], s1  }
0x42: {  	s1 =	ssub.s32 @!p0 $0x0, s1;
	[sflag:s0] =	ssyncset.done @!p0 $0x0  }
0x43: {  	[sflag:s0] =	ssyncadd.s32 @!p0 s1  }
0x44: {  	[bflag:$0x3] =	sbarrier.arrive $0xFFFF  }
0x45: {  	_ =	shalt  }

</sc_bundles>
